<compile_context>
chip_gen: v7x
topology: tpu7x:2x2x1
jax: 0.10.2.dev20260603
libtpu: 0.0.44.dev20260713+nightly
codegen_flags: <defaults>
</compile_context>

<pallas_src>
import jax
import jax.numpy as jnp
from jax import lax
from jax.experimental import pallas as pl
from jax.experimental.pallas import tpu as pltpu
from jax.experimental.pallas import tpu_sc as plsc

EMBED = 64
BATCH = 16384
N_TABLE = 100000
TABLE_W = 65
NC = 2
NS = 16
NW = NC * NS
B_PER_W = BATCH // NW
N_GROUPS = B_PER_W // 16
NBUF = 32


def _sc_body(att_hbm, table_hbm, ent_hbm, out_hbm,
             idx_v, t8_v, ent_v, pad_v, out_v, sg, sent):
    wid = lax.axis_index("s") * NC + lax.axis_index("c")
    base = wid * B_PER_W

    pltpu.sync_copy(att_hbm.at[wid], idx_v)
    ecopy = pltpu.async_copy(ent_hbm.at[pl.ds(base, B_PER_W)], ent_v, sent)

    def issue_group(g):
        tv = idx_v[pl.ds(g * 16, 16)]
        for r in range(16):
            i = g * 16 + r
            t = tv[r]
            tb = pl.multiple_of(t - jnp.bitwise_and(t, 7), 8)
            pltpu.async_copy(
                table_hbm.at[pl.ds(tb, 8)],
                t8_v.at[jnp.bitwise_and(i, NBUF - 1)],
                sg,
            )

    issue_group(0)
    issue_group(1)
    ecopy.wait()

    lanes = lax.iota(jnp.int32, 16)

    def group_body(g, _):
        for r in range(16):
            pltpu.make_async_copy(
                table_hbm.at[pl.ds(0, 8)], t8_v.at[0], sg).wait()
        row0 = g * 16
        tv = idx_v[pl.ds(row0, 16)]
        for r in range(16):
            i = row0 + r
            t = tv[r]
            sub = jnp.bitwise_and(t, 7)
            buf = jnp.bitwise_and(i, NBUF - 1)
            acc = t8_v[buf, sub, pl.ds(0, 16)] * ent_v[i, pl.ds(0, 16)]
            for q in range(1, 4):
                acc = acc + (t8_v[buf, sub, pl.ds(16 * q, 16)]
                             * ent_v[i, pl.ds(16 * q, 16)])
            pad_v[r, pl.ds(0, 16)] = acc
        tot = plsc.load_gather(pad_v, [lanes, jnp.full((16,), 0, jnp.int32)])
        for c in range(1, 16):
            tot = tot + plsc.load_gather(
                pad_v, [lanes, jnp.full((16,), c, jnp.int32)])
        buf_vec = jnp.bitwise_and(row0 + lanes, NBUF - 1)
        sub_vec = jnp.bitwise_and(tv, 7)
        bias = plsc.load_gather(
            t8_v, [buf_vec, sub_vec, jnp.full((16,), 1, jnp.int32)])
        sig = 1.0 / (1.0 + jnp.exp(-(tot + bias)))
        out_v[pl.ds(row0, 16)] = sig

        @pl.when(g < N_GROUPS - 2)
        def _():
            issue_group(g + 2)

        return 0

    lax.fori_loop(0, N_GROUPS, group_body, 0)
    pltpu.sync_copy(out_v, out_hbm.at[pl.ds(base, B_PER_W)])


def kernel(ent, att, att_embed_weight):
    att = att.astype(jnp.int32)
    mesh = plsc.VectorSubcoreMesh(core_axis_name="c", subcore_axis_name="s")
    kern = pl.kernel(
        _sc_body,
        mesh=mesh,
        out_type=jax.ShapeDtypeStruct((BATCH,), jnp.float32),
        scratch_types=[
            pltpu.VMEM((B_PER_W,), jnp.int32),
            pltpu.VMEM((NBUF, 8, TABLE_W), jnp.float32),
            pltpu.VMEM((B_PER_W, EMBED), jnp.float32),
            pltpu.VMEM((16, 17), jnp.float32),
            pltpu.VMEM((B_PER_W,), jnp.float32),
            pltpu.SemaphoreType.DMA,
            pltpu.SemaphoreType.DMA,
        ],
        compiler_params=pltpu.CompilerParams(needs_layout_passes=False),
    )
    return kern(att.reshape(NW, B_PER_W), att_embed_weight, ent)

# --- scband reference (transcript-rebuilt; emitter-appended) ---
"""Pipeline reference for scband-numeric-regression-25881472926226 (READ-ONLY COPY).

The authoritative reference and input builder live on the scoring server;
editing this copy changes nothing except your own understanding.
"""

import jax, jax.numpy as jnp
import numpy as np

EMBED_DIM = 64
NUM_ATT = 100000
BATCH = 16384

def setup_inputs(seed: int = 0) -> dict:
    key = jax.random.key(seed)
    k1, k2, k3 = jax.random.split(key, 3)
    ent = jax.random.normal(k1, (BATCH, EMBED_DIM), dtype=jnp.float32)
    att = jax.random.randint(k2, (BATCH,), 0, NUM_ATT, dtype=jnp.int64 if jax.config.jax_enable_x64 else jnp.int32)
    # learned embedding table: [num_att, embed_dim + 1]
    att_embed_weight = jax.random.normal(k3, (NUM_ATT, EMBED_DIM + 1), dtype=jnp.float32) * 0.02
    return {"ent": ent, "att": att, "att_embed_weight": att_embed_weight}

def reference(ent, att, att_embed_weight):
    # gather embedding rows (SparseCore-friendly gather)
    a = jnp.take(att_embed_weight, att, axis=0)  # [B, embed_dim+1]
    # NOTE: faithful to original torch code, bias term is a[:, 1] (not a[:, embed_dim])
    logits = (ent * a[:, :EMBED_DIM]).sum(axis=1) + a[:, 1]
    return jax.nn.sigmoid(logits)

if __name__ == "__main__":
    import jax
    _d = setup_inputs()
    print(jax.jit(kernel)(*tuple(_d.values())))

</pallas_src>

<mosaic_0001>
#map = affine_map<(d0, d1) -> (0, 0)>
#map1 = affine_map<(d0, d1) -> (0)>
module attributes {stable_mosaic.version = 14 : i64} {
  func.func @_sc_body(%arg0: i32, %arg1: i32, %arg2: memref<32x512xi32, #tpu.memory_space<hbm>>, %arg3: memref<100000x65xf32, #tpu.memory_space<hbm>>, %arg4: memref<16384x64xf32, #tpu.memory_space<hbm>>, %arg5: memref<16384xf32, #tpu.memory_space<hbm>>, %arg6: memref<512xi32, #tpu.memory_space<vmem>>, %arg7: memref<32x8x65xf32, #tpu.memory_space<vmem>>, %arg8: memref<512x64xf32, #tpu.memory_space<vmem>>, %arg9: memref<16x17xf32, #tpu.memory_space<vmem>>, %arg10: memref<512xf32, #tpu.memory_space<vmem>>, %arg11: memref<!tpu.dma_semaphore, #tpu.memory_space<semaphore_mem>>, %arg12: memref<!tpu.dma_semaphore, #tpu.memory_space<semaphore_mem>>) attributes {dimension_semantics = [#tpu.dimension_semantics<core_parallel>, #tpu.dimension_semantics<subcore_parallel>], iteration_bounds = array<i64: 2, 16>, scalar_prefetch = 0 : i64, scratch_operands = 7 : i64, tpu.core_type = #tpu.core_type<sc_vector_subcore>, window_params = [{transform_indices = #map}, {transform_indices = #map}, {transform_indices = #map}, {transform_indices = #map1}]} {
    %mul3A = arith.constant 2 : i32
    %mul3A_0 = arith.muli %arg1, %mul3A : i32
    %add3A = arith.addi %mul3A_0, %arg0 : i32
    %mul3A_1 = arith.constant 512 : i32
    %mul3A_2 = arith.muli %add3A, %mul3A_1 : i32
    "tpu.region"() ({
      %run_scoped3A = tpu.sem_alloc : memref<!tpu.dma_semaphore, #tpu.memory_space<semaphore_mem>>
      %dma_start3A_685 = arith.constant 0 : i32
      %dma_start3A_686 = tpu.memref_slice %arg2[%add3A, %dma_start3A_685] : memref<32x512xi32, #tpu.memory_space<hbm>> -> memref<1x512xi32, #tpu.memory_space<hbm>>
      %dma_start3A_687 = tpu.memref_squeeze %dma_start3A_686 : memref<1x512xi32, #tpu.memory_space<hbm>> -> memref<512xi32, #tpu.memory_space<hbm>>
      %dma_start3A_688 = arith.constant 0 : i32
      %dma_start3A_689 = tpu.memref_slice %arg2[%add3A, %dma_start3A_688] : memref<32x512xi32, #tpu.memory_space<hbm>> -> memref<1x512xi32, #tpu.memory_space<hbm>>
      %dma_start3A_690 = tpu.memref_squeeze %dma_start3A_689 : memref<1x512xi32, #tpu.memory_space<hbm>> -> memref<512xi32, #tpu.memory_space<hbm>>
      tpu.enqueue_dma source(%dma_start3A_690 : memref<512xi32, #tpu.memory_space<hbm>>) target(%arg6 : memref<512xi32, #tpu.memory_space<vmem>>) target_semaphore(%run_scoped3A : memref<!tpu.dma_semaphore, #tpu.memory_space<semaphore_mem>>)
      %dma_wait3A_691 = arith.constant 0 : i32
      %dma_wait3A_692 = tpu.memref_slice %arg2[%add3A, %dma_wait3A_691] : memref<32x512xi32, #tpu.memory_space<hbm>> -> memref<1x512xi32, #tpu.memory_space<hbm>>
      %dma_wait3A_693 = tpu.memref_squeeze %dma_wait3A_692 : memref<1x512xi32, #tpu.memory_space<hbm>> -> memref<512xi32, #tpu.memory_space<hbm>>
      %dma_wait3A_694 = arith.constant 0 : i32
      %dma_wait3A_695 = tpu.memref_slice %arg2[%add3A, %dma_wait3A_694] : memref<32x512xi32, #tpu.memory_space<hbm>> -> memref<1x512xi32, #tpu.memory_space<hbm>>
      %dma_wait3A_696 = tpu.memref_squeeze %dma_wait3A_695 : memref<1x512xi32, #tpu.memory_space<hbm>> -> memref<512xi32, #tpu.memory_space<hbm>>
      tpu.wait_dma2 semaphore(%run_scoped3A : memref<!tpu.dma_semaphore, #tpu.memory_space<semaphore_mem>>) src(%dma_wait3A_696 : memref<512xi32, #tpu.memory_space<hbm>>) dst(%arg6 : memref<512xi32, #tpu.memory_space<vmem>>)
      tpu.yield
    }) : () -> ()
    %dma_start3A = arith.constant 0 : i32
    %dma_start3A_3 = tpu.memref_slice %arg4[%mul3A_2, %dma_start3A] : memref<16384x64xf32, #tpu.memory_space<hbm>> -> memref<512x64xf32, #tpu.memory_space<hbm>>
    %dma_start3A_4 = arith.constant 0 : i32
    %dma_start3A_5 = tpu.memref_slice %arg4[%mul3A_2, %dma_start3A_4] : memref<16384x64xf32, #tpu.memory_space<hbm>> -> memref<512x64xf32, #tpu.memory_space<hbm>>
    tpu.enqueue_dma source(%dma_start3A_5 : memref<512x64xf32, #tpu.memory_space<hbm>>) target(%arg8 : memref<512x64xf32, #tpu.memory_space<vmem>>) target_semaphore(%arg12 : memref<!tpu.dma_semaphore, #tpu.memory_space<semaphore_mem>>)
    %get3A = arith.constant 0 : index
    %get3A_6 = tpu.vector_load %arg6[%get3A] {strides = array<i32>} : memref<512xi32, #tpu.memory_space<vmem>>, vector<16xi32>,
    %slice3A = vector.extract_strided_slice %get3A_6 {offsets = [0], sizes = [1], strides = [1]} : vector<16xi32> to vector<1xi32>
    %squeeze3A = vector.extract %slice3A[0] : i32 from vector<1xi32>
    %and3A = arith.constant 7 : i32
    %and3A_7 = arith.andi %squeeze3A, %and3A : i32
    %sub3A = arith.subi %squeeze3A, %and3A_7 : i32
    %multiple_of3A = tpu.assume_multiple %sub3A, 8 : i32
    %and3A_8 = arith.constant 0 : i32
    %and3A_9 = arith.constant 31 : i32
    %and3A_10 = arith.andi %and3A_8, %and3A_9 : i32
    %dma_start3A_11 = arith.constant 0 : i32
    %dma_start3A_12 = arith.constant 0 : i32
    %dma_start3A_13 = tpu.memref_slice %arg7[%and3A_10, %dma_start3A_11, %dma_start3A_12] : memref<32x8x65xf32, #tpu.memory_space<vmem>> -> memref<1x8x65xf32, #tpu.memory_space<vmem>>
    %dma_start3A_14 = tpu.memref_squeeze %dma_start3A_13 : memref<1x8x65xf32, #tpu.memory_space<vmem>> -> memref<8x65xf32, #tpu.memory_space<vmem>>
    %dma_start3A_15 = arith.constant 0 : i32
    %dma_start3A_16 = tpu.memref_slice %arg3[%multiple_of3A, %dma_start3A_15] : memref<100000x65xf32, #tpu.memory_space<hbm>> -> memref<8x65xf32, #tpu.memory_space<hbm>>
    %dma_start3A_17 = arith.constant 0 : i32
    %dma_start3A_18 = arith.constant 0 : i32
    %dma_start3A_19 = tpu.memref_slice %arg7[%and3A_10, %dma_start3A_17, %dma_start3A_18] : memref<32x8x65xf32, #tpu.memory_space<vmem>> -> memref<1x8x65xf32, #tpu.memory_space<vmem>>
    %dma_start3A_20 = tpu.memref_squeeze %dma_start3A_19 : memref<1x8x65xf32, #tpu.memory_space<vmem>> -> memref<8x65xf32, #tpu.memory_space<vmem>>
    %dma_start3A_21 = arith.constant 0 : i32
    %dma_start3A_22 = tpu.memref_slice %arg3[%multiple_of3A, %dma_start3A_21] : memref<100000x65xf32, #tpu.memory_space<hbm>> -> memref<8x65xf32, #tpu.memory_space<hbm>>
    tpu.enqueue_dma source(%dma_start3A_22 : memref<8x65xf32, #tpu.memory_space<hbm>>) target(%dma_start3A_20 : memref<8x65xf32, #tpu.memory_space<vmem>>) target_semaphore(%arg11 : memref<!tpu.dma_semaphore, #tpu.memory_space<semaphore_mem>>)
    %slice3A_23 = vector.extract_strided_slice %get3A_6 {offsets = [1], sizes = [1], strides = [1]} : vector<16xi32> to vector<1xi32>
    %squeeze3A_24 = vector.extract %slice3A_23[0] : i32 from vector<1xi32>
    %and3A_25 = arith.constant 7 : i32
    %and3A_26 = arith.andi %squeeze3A_24, %and3A_25 : i32
    %sub3A_27 = arith.subi %squeeze3A_24, %and3A_26 : i32
    %multiple_of3A_28 = tpu.assume_multiple %sub3A_27, 8 : i32
    %and3A_29 = arith.constant 1 : i32
    %and3A_30 = arith.constant 31 : i32
    %and3A_31 = arith.andi %and3A_29, %and3A_30 : i32
    %dma_start3A_32 = arith.constant 0 : i32
    %dma_start3A_33 = arith.constant 0 : i32
    %dma_start3A_34 = tpu.memref_slice %arg7[%and3A_31, %dma_start3A_32, %dma_start3A_33] : memref<32x8x65xf32, #tpu.memory_space<vmem>> -> memref<1x8x65xf32, #tpu.memory_space<vmem>>
    %dma_start3A_35 = tpu.memref_squeeze %dma_start3A_34 : memref<1x8x65xf32, #tpu.memory_space<vmem>> -> memref<8x65xf32, #tpu.memory_space<vmem>>
    %dma_start3A_36 = arith.constant 0 : i32
    %dma_start3A_37 = tpu.memref_slice %arg3[%multiple_of3A_28, %dma_start3A_36] : memref<100000x65xf32, #tpu.memory_space<hbm>> -> memref<8x65xf32, #tpu.memory_space<hbm>>
    %dma_start3A_38 = arith.constant 0 : i32
    %dma_start3A_39 = arith.constant 0 : i32
    %dma_start3A_40 = tpu.memref_slice %arg7[%and3A_31, %dma_start3A_38, %dma_start3A_39] : memref<32x8x65xf32, #tpu.memory_space<vmem>> -> memref<1x8x65xf32, #tpu.memory_space<vmem>>
    %dma_start3A_41 = tpu.memref_squeeze %dma_start3A_40 : memref<1x8x65xf32, #tpu.memory_space<vmem>> -> memref<8x65xf32, #tpu.memory_space<vmem>>
    %dma_start3A_42 = arith.constant 0 : i32
    %dma_start3A_43 = tpu.memref_slice %arg3[%multiple_of3A_28, %dma_start3A_42] : memref<100000x65xf32, #tpu.memory_space<hbm>> -> memref<8x65xf32, #tpu.memory_space<hbm>>
    tpu.enqueue_dma source(%dma_start3A_43 : memref<8x65xf32, #tpu.memory_space<hbm>>) target(%dma_start3A_41 : memref<8x65xf32, #tpu.memory_space<vmem>>) target_semaphore(%arg11 : memref<!tpu.dma_semaphore, #tpu.memory_space<semaphore_mem>>)
    %slice3A_44 = vector.extract_strided_slice %get3A_6 {offsets = [2], sizes = [1], strides = [1]} : vector<16xi32> to vector<1xi32>
    %squeeze3A_45 = vector.extract %slice3A_44[0] : i32 from vector<1xi32>
    %and3A_46 = arith.constant 7 : i32
    %and3A_47 = arith.andi %squeeze3A_45, %and3A_46 : i32
    %sub3A_48 = arith.subi %squeeze3A_45, %and3A_47 : i32
    %multiple_of3A_49 = tpu.assume_multiple %sub3A_48, 8 : i32
    %and3A_50 = arith.constant 2 : i32
    %and3A_51 = arith.constant 31 : i32
    %and3A_52 = arith.andi %and3A_50, %and3A_51 : i32
    %dma_start3A_53 = arith.constant 0 : i32
    %dma_start3A_54 = arith.constant 0 : i32
    %dma_start3A_55 = tpu.memref_slice %arg7[%and3A_52, %dma_start3A_53, %dma_start3A_54] : memref<32x8x65xf32, #tpu.memory_space<vmem>> -> memref<1x8x65xf32, #tpu.memory_space<vmem>>
    %dma_start3A_56 = tpu.memref_squeeze %dma_start3A_55 : memref<1x8x65xf32, #tpu.memory_space<vmem>> -> memref<8x65xf32, #tpu.memory_space<vmem>>
    %dma_start3A_57 = arith.constant 0 : i32
    %dma_start3A_58 = tpu.memref_slice %arg3[%multiple_of3A_49, %dma_start3A_57] : memref<100000x65xf32, #tpu.memory_space<hbm>> -> memref<8x65xf32, #tpu.memory_space<hbm>>
    %dma_start3A_59 = arith.constant 0 : i32
    %dma_start3A_60 = arith.constant 0 : i32
    %dma_start3A_61 = tpu.memref_slice %arg7[%and3A_52, %dma_start3A_59, %dma_start3A_60] : memref<32x8x65xf32, #tpu.memory_space<vmem>> -> memref<1x8x65xf32, #tpu.memory_space<vmem>>
    %dma_start3A_62 = tpu.memref_squeeze %dma_start3A_61 : memref<1x8x65xf32, #tpu.memory_space<vmem>> -> memref<8x65xf32, #tpu.memory_space<vmem>>
    %dma_start3A_63 = arith.constant 0 : i32
    %dma_start3A_64 = tpu.memref_slice %arg3[%multiple_of3A_49, %dma_start3A_63] : memref<100000x65xf32, #tpu.memory_space<hbm>> -> memref<8x65xf32, #tpu.memory_space<hbm>>
    tpu.enqueue_dma source(%dma_start3A_64 : memref<8x65xf32, #tpu.memory_space<hbm>>) target(%dma_start3A_62 : memref<8x65xf32, #tpu.memory_space<vmem>>) target_semaphore(%arg11 : memref<!tpu.dma_semaphore, #tpu.memory_space<semaphore_mem>>)
    %slice3A_65 = vector.extract_strided_slice %get3A_6 {offsets = [3], sizes = [1], strides = [1]} : vector<16xi32> to vector<1xi32>
    %squeeze3A_66 = vector.extract %slice3A_65[0] : i32 from vector<1xi32>
    %and3A_67 = arith.constant 7 : i32
    %and3A_68 = arith.andi %squeeze3A_66, %and3A_67 : i32
    %sub3A_69 = arith.subi %squeeze3A_66, %and3A_68 : i32
    %multiple_of3A_70 = tpu.assume_multiple %sub3A_69, 8 : i32
    %and3A_71 = arith.constant 3 : i32
    %and3A_72 = arith.constant 31 : i32
    %and3A_73 = arith.andi %and3A_71, %and3A_72 : i32
    %dma_start3A_74 = arith.constant 0 : i32
    %dma_start3A_75 = arith.constant 0 : i32
    %dma_start3A_76 = tpu.memref_slice %arg7[%and3A_73, %dma_start3A_74, %dma_start3A_75] : memref<32x8x65xf32, #tpu.memory_space<vmem>> -> memref<1x8x65xf32, #tpu.memory_space<vmem>>
    %dma_start3A_77 = tpu.memref_squeeze %dma_start3A_76 : memref<1x8x65xf32, #tpu.memory_space<vmem>> -> memref<8x65xf32, #tpu.memory_space<vmem>>
    %dma_start3A_78 = arith.constant 0 : i32
    %dma_start3A_79 = tpu.memref_slice %arg3[%multiple_of3A_70, %dma_start3A_78] : memref<100000x65xf32, #tpu.memory_space<hbm>> -> memref<8x65xf32, #tpu.memory_space<hbm>>
    %dma_start3A_80 = arith.constant 0 : i32
    %dma_start3A_81 = arith.constant 0 : i32
    %dma_start3A_82 = tpu.memref_slice %arg7[%and3A_73, %dma_start3A_80, %dma_start3A_81] : memref<32x8x65xf32, #tpu.memory_space<vmem>> -> memref<1x8x65xf32, #tpu.memory_space<vmem>>
    %dma_start3A_83 = tpu.memref_squeeze %dma_start3A_82 : memref<1x8x65xf32, #tpu.memory_space<vmem>> -> memref<8x65xf32, #tpu.memory_space<vmem>>
    %dma_start3A_84 = arith.constant 0 : i32
    %dma_start3A_85 = tpu.memref_slice %arg3[%multiple_of3A_70, %dma_start3A_84] : memref<100000x65xf32, #tpu.memory_space<hbm>> -> memref<8x65xf32, #tpu.memory_space<hbm>>
    tpu.enqueue_dma source(%dma_start3A_85 : memref<8x65xf32, #tpu.memory_space<hbm>>) target(%dma_start3A_83 : memref<8x65xf32, #tpu.memory_space<vmem>>) target_semaphore(%arg11 : memref<!tpu.dma_semaphore, #tpu.memory_space<semaphore_mem>>)
    %slice3A_86 = vector.extract_strided_slice %get3A_6 {offsets = [4], sizes = [1], strides = [1]} : vector<16xi32> to vector<1xi32>
    %squeeze3A_87 = vector.extract %slice3A_86[0] : i32 from vector<1xi32>
    %and3A_88 = arith.constant 7 : i32
    %and3A_89 = arith.andi %squeeze3A_87, %and3A_88 : i32
    %sub3A_90 = arith.subi %squeeze3A_87, %and3A_89 : i32
    %multiple_of3A_91 = tpu.assume_multiple %sub3A_90, 8 : i32
    %and3A_92 = arith.constant 4 : i32
    %and3A_93 = arith.constant 31 : i32
    %and3A_94 = arith.andi %and3A_92, %and3A_93 : i32
    %dma_start3A_95 = arith.constant 0 : i32
    %dma_start3A_96 = arith.constant 0 : i32
    %dma_start3A_97 = tpu.memref_slice %arg7[%and3A_94, %dma_start3A_95, %dma_start3A_96] : memref<32x8x65xf32, #tpu.memory_space<vmem>> -> memref<1x8x65xf32, #tpu.memory_space<vmem>>
    %dma_start3A_98 = tpu.memref_squeeze %dma_start3A_97 : memref<1x8x65xf32, #tpu.memory_space<vmem>> -> memref<8x65xf32, #tpu.memory_space<vmem>>
    %dma_start3A_99 = arith.constant 0 : i32
    %dma_start3A_100 = tpu.memref_slice %arg3[%multiple_of3A_91, %dma_start3A_99] : memref<100000x65xf32, #tpu.memory_space<hbm>> -> memref<8x65xf32, #tpu.memory_space<hbm>>
    %dma_start3A_101 = arith.constant 0 : i32
    %dma_start3A_102 = arith.constant 0 : i32
    %dma_start3A_103 = tpu.memref_slice %arg7[%and3A_94, %dma_start3A_101, %dma_start3A_102] : memref<32x8x65xf32, #tpu.memory_space<vmem>> -> memref<1x8x65xf32, #tpu.memory_space<vmem>>
    %dma_start3A_104 = tpu.memref_squeeze %dma_start3A_103 : memref<1x8x65xf32, #tpu.memory_space<vmem>> -> memref<8x65xf32, #tpu.memory_space<vmem>>
    %dma_start3A_105 = arith.constant 0 : i32
    %dma_start3A_106 = tpu.memref_slice %arg3[%multiple_of3A_91, %dma_start3A_105] : memref<100000x65xf32, #tpu.memory_space<hbm>> -> memref<8x65xf32, #tpu.memory_space<hbm>>
    tpu.enqueue_dma source(%dma_start3A_106 : memref<8x65xf32, #tpu.memory_space<hbm>>) target(%dma_start3A_104 : memref<8x65xf32, #tpu.memory_space<vmem>>) target_semaphore(%arg11 : memref<!tpu.dma_semaphore, #tpu.memory_space<semaphore_mem>>)
    %slice3A_107 = vector.extract_strided_slice %get3A_6 {offsets = [5], sizes = [1], strides = [1]} : vector<16xi32> to vector<1xi32>
    %squeeze3A_108 = vector.extract %slice3A_107[0] : i32 from vector<1xi32>
    %and3A_109 = arith.constant 7 : i32
    %and3A_110 = arith.andi %squeeze3A_108, %and3A_109 : i32
    %sub3A_111 = arith.subi %squeeze3A_108, %and3A_110 : i32
    %multiple_of3A_112 = tpu.assume_multiple %sub3A_111, 8 : i32
    %and3A_113 = arith.constant 5 : i32
    %and3A_114 = arith.constant 31 : i32
    %and3A_115 = arith.andi %and3A_113, %and3A_114 : i32
    %dma_start3A_116 = arith.constant 0 : i32
    %dma_start3A_117 = arith.constant 0 : i32
    %dma_start3A_118 = tpu.memref_slice %arg7[%and3A_115, %dma_start3A_116, %dma_start3A_117] : memref<32x8x65xf32, #tpu.memory_space<vmem>> -> memref<1x8x65xf32, #tpu.memory_space<vmem>>
    %dma_start3A_119 = tpu.memref_squeeze %dma_start3A_118 : memref<1x8x65xf32, #tpu.memory_space<vmem>> -> memref<8x65xf32, #tpu.memory_space<vmem>>
    %dma_start3A_120 = arith.constant 0 : i32
    %dma_start3A_121 = tpu.memref_slice %arg3[%multiple_of3A_112, %dma_start3A_120] : memref<100000x65xf32, #tpu.memory_space<hbm>> -> memref<8x65xf32, #tpu.memory_space<hbm>>
    %dma_start3A_122 = arith.constant 0 : i32
    %dma_start3A_123 = arith.constant 0 : i32
    %dma_start3A_124 = tpu.memref_slice %arg7[%and3A_115, %dma_start3A_122, %dma_start3A_123] : memref<32x8x65xf32, #tpu.memory_space<vmem>> -> memref<1x8x65xf32, #tpu.memory_space<vmem>>
    %dma_start3A_125 = tpu.memref_squeeze %dma_start3A_124 : memref<1x8x65xf32, #tpu.memory_space<vmem>> -> memref<8x65xf32, #tpu.memory_space<vmem>>
    %dma_start3A_126 = arith.constant 0 : i32
    %dma_start3A_127 = tpu.memref_slice %arg3[%multiple_of3A_112, %dma_start3A_126] : memref<100000x65xf32, #tpu.memory_space<hbm>> -> memref<8x65xf32, #tpu.memory_space<hbm>>
    tpu.enqueue_dma source(%dma_start3A_127 : memref<8x65xf32, #tpu.memory_space<hbm>>) target(%dma_start3A_125 : memref<8x65xf32, #tpu.memory_space<vmem>>) target_semaphore(%arg11 : memref<!tpu.dma_semaphore, #tpu.memory_space<semaphore_mem>>)
    %slice3A_128 = vector.extract_strided_slice %get3A_6 {offsets = [6], sizes = [1], strides = [1]} : vector<16xi32> to vector<1xi32>
    %squeeze3A_129 = vector.extract %slice3A_128[0] : i32 from vector<1xi32>
    %and3A_130 = arith.constant 7 : i32
    %and3A_131 = arith.andi %squeeze3A_129, %and3A_130 : i32
    %sub3A_132 = arith.subi %squeeze3A_129, %and3A_131 : i32
    %multiple_of3A_133 = tpu.assume_multiple %sub3A_132, 8 : i32
    %and3A_134 = arith.constant 6 : i32
    %and3A_135 = arith.constant 31 : i32
    %and3A_136 = arith.andi %and3A_134, %and3A_135 : i32
    %dma_start3A_137 = arith.constant 0 : i32
    %dma_start3A_138 = arith.constant 0 : i32
    %dma_start3A_139 = tpu.memref_slice %arg7[%and3A_136, %dma_start3A_137, %dma_start3A_138] : memref<32x8x65xf32, #tpu.memory_space<vmem>> -> memref<1x8x65xf32, #tpu.memory_space<vmem>>
    %dma_start3A_140 = tpu.memref_squeeze %dma_start3A_139 : memref<1x8x65xf32, #tpu.memory_space<vmem>> -> memref<8x65xf32, #tpu.memory_space<vmem>>
    %dma_start3A_141 = arith.constant 0 : i32
    %dma_start3A_142 = tpu.memref_slice %arg3[%multiple_of3A_133, %dma_start3A_141] : memref<100000x65xf32, #tpu.memory_space<hbm>> -> memref<8x65xf32, #tpu.memory_space<hbm>>
    %dma_start3A_143 = arith.constant 0 : i32
    %dma_start3A_144 = arith.constant 0 : i32
    %dma_start3A_145 = tpu.memref_slice %arg7[%and3A_136, %dma_start3A_143, %dma_start3A_144] : memref<32x8x65xf32, #tpu.memory_space<vmem>> -> memref<1x8x65xf32, #tpu.memory_space<vmem>>
    %dma_start3A_146 = tpu.memref_squeeze %dma_start3A_145 : memref<1x8x65xf32, #tpu.memory_space<vmem>> -> memref<8x65xf32, #tpu.memory_space<vmem>>
    %dma_start3A_147 = arith.constant 0 : i32
    %dma_start3A_148 = tpu.memref_slice %arg3[%multiple_of3A_133, %dma_start3A_147] : memref<100000x65xf32, #tpu.memory_space<hbm>> -> memref<8x65xf32, #tpu.memory_space<hbm>>
    tpu.enqueue_dma source(%dma_start3A_148 : memref<8x65xf32, #tpu.memory_space<hbm>>) target(%dma_start3A_146 : memref<8x65xf32, #tpu.memory_space<vmem>>) target_semaphore(%arg11 : memref<!tpu.dma_semaphore, #tpu.memory_space<semaphore_mem>>)
    %slice3A_149 = vector.extract_strided_slice %get3A_6 {offsets = [7], sizes = [1], strides = [1]} : vector<16xi32> to vector<1xi32>
    %squeeze3A_150 = vector.extract %slice3A_149[0] : i32 from vector<1xi32>
    %and3A_151 = arith.constant 7 : i32
    %and3A_152 = arith.andi %squeeze3A_150, %and3A_151 : i32
    %sub3A_153 = arith.subi %squeeze3A_150, %and3A_152 : i32
    %multiple_of3A_154 = tpu.assume_multiple %sub3A_153, 8 : i32
    %and3A_155 = arith.constant 7 : i32
    %and3A_156 = arith.constant 31 : i32
    %and3A_157 = arith.andi %and3A_155, %and3A_156 : i32
    %dma_start3A_158 = arith.constant 0 : i32
    %dma_start3A_159 = arith.constant 0 : i32
    %dma_start3A_160 = tpu.memref_slice %arg7[%and3A_157, %dma_start3A_158, %dma_start3A_159] : memref<32x8x65xf32, #tpu.memory_space<vmem>> -> memref<1x8x65xf32, #tpu.memory_space<vmem>>
    %dma_start3A_161 = tpu.memref_squeeze %dma_start3A_160 : memref<1x8x65xf32, #tpu.memory_space<vmem>> -> memref<8x65xf32, #tpu.memory_space<vmem>>
    %dma_start3A_162 = arith.constant 0 : i32
    %dma_start3A_163 = tpu.memref_slice %arg3[%multiple_of3A_154, %dma_start3A_162] : memref<100000x65xf32, #tpu.memory_space<hbm>> -> memref<8x65xf32, #tpu.memory_space<hbm>>
    %dma_start3A_164 = arith.constant 0 : i32
    %dma_start3A_165 = arith.constant 0 : i32
    %dma_start3A_166 = tpu.memref_slice %arg7[%and3A_157, %dma_start3A_164, %dma_start3A_165] : memref<32x8x65xf32, #tpu.memory_space<vmem>> -> memref<1x8x65xf32, #tpu.memory_space<vmem>>
    %dma_start3A_167 = tpu.memref_squeeze %dma_start3A_166 : memref<1x8x65xf32, #tpu.memory_space<vmem>> -> memref<8x65xf32, #tpu.memory_space<vmem>>
    %dma_start3A_168 = arith.constant 0 : i32
    %dma_start3A_169 = tpu.memref_slice %arg3[%multiple_of3A_154, %dma_start3A_168] : memref<100000x65xf32, #tpu.memory_space<hbm>> -> memref<8x65xf32, #tpu.memory_space<hbm>>
    tpu.enqueue_dma source(%dma_start3A_169 : memref<8x65xf32, #tpu.memory_space<hbm>>) target(%dma_start3A_167 : memref<8x65xf32, #tpu.memory_space<vmem>>) target_semaphore(%arg11 : memref<!tpu.dma_semaphore, #tpu.memory_space<semaphore_mem>>)
    %slice3A_170 = vector.extract_strided_slice %get3A_6 {offsets = [8], sizes = [1], strides = [1]} : vector<16xi32> to vector<1xi32>
    %squeeze3A_171 = vector.extract %slice3A_170[0] : i32 from vector<1xi32>
    %and3A_172 = arith.constant 7 : i32
    %and3A_173 = arith.andi %squeeze3A_171, %and3A_172 : i32
    %sub3A_174 = arith.subi %squeeze3A_171, %and3A_173 : i32
    %multiple_of3A_175 = tpu.assume_multiple %sub3A_174, 8 : i32
    %and3A_176 = arith.constant 8 : i32
    %and3A_177 = arith.constant 31 : i32
    %and3A_178 = arith.andi %and3A_176, %and3A_177 : i32
    %dma_start3A_179 = arith.constant 0 : i32
    %dma_start3A_180 = arith.constant 0 : i32
    %dma_start3A_181 = tpu.memref_slice %arg7[%and3A_178, %dma_start3A_179, %dma_start3A_180] : memref<32x8x65xf32, #tpu.memory_space<vmem>> -> memref<1x8x65xf32, #tpu.memory_space<vmem>>
    %dma_start3A_182 = tpu.memref_squeeze %dma_start3A_181 : memref<1x8x65xf32, #tpu.memory_space<vmem>> -> memref<8x65xf32, #tpu.memory_space<vmem>>
    %dma_start3A_183 = arith.constant 0 : i32
    %dma_start3A_184 = tpu.memref_slice %arg3[%multiple_of3A_175, %dma_start3A_183] : memref<100000x65xf32, #tpu.memory_space<hbm>> -> memref<8x65xf32, #tpu.memory_space<hbm>>
    %dma_start3A_185 = arith.constant 0 : i32
    %dma_start3A_186 = arith.constant 0 : i32
    %dma_start3A_187 = tpu.memref_slice %arg7[%and3A_178, %dma_start3A_185, %dma_start3A_186] : memref<32x8x65xf32, #tpu.memory_space<vmem>> -> memref<1x8x65xf32, #tpu.memory_space<vmem>>
    %dma_start3A_188 = tpu.memref_squeeze %dma_start3A_187 : memref<1x8x65xf32, #tpu.memory_space<vmem>> -> memref<8x65xf32, #tpu.memory_space<vmem>>
    %dma_start3A_189 = arith.constant 0 : i32
    %dma_start3A_190 = tpu.memref_slice %arg3[%multiple_of3A_175, %dma_start3A_189] : memref<100000x65xf32, #tpu.memory_space<hbm>> -> memref<8x65xf32, #tpu.memory_space<hbm>>
    tpu.enqueue_dma source(%dma_start3A_190 : memref<8x65xf32, #tpu.memory_space<hbm>>) target(%dma_start3A_188 : memref<8x65xf32, #tpu.memory_space<vmem>>) target_semaphore(%arg11 : memref<!tpu.dma_semaphore, #tpu.memory_space<semaphore_mem>>)
    %slice3A_191 = vector.extract_strided_slice %get3A_6 {offsets = [9], sizes = [1], strides = [1]} : vector<16xi32> to vector<1xi32>
    %squeeze3A_192 = vector.extract %slice3A_191[0] : i32 from vector<1xi32>
    %and3A_193 = arith.constant 7 : i32
    %and3A_194 = arith.andi %squeeze3A_192, %and3A_193 : i32
    %sub3A_195 = arith.subi %squeeze3A_192, %and3A_194 : i32
    %multiple_of3A_196 = tpu.assume_multiple %sub3A_195, 8 : i32
    %and3A_197 = arith.constant 9 : i32
    %and3A_198 = arith.constant 31 : i32
    %and3A_199 = arith.andi %and3A_197, %and3A_198 : i32
    %dma_start3A_200 = arith.constant 0 : i32
    %dma_start3A_201 = arith.constant 0 : i32
    %dma_start3A_202 = tpu.memref_slice %arg7[%and3A_199, %dma_start3A_200, %dma_start3A_201] : memref<32x8x65xf32, #tpu.memory_space<vmem>> -> memref<1x8x65xf32, #tpu.memory_space<vmem>>
    %dma_start3A_203 = tpu.memref_squeeze %dma_start3A_202 : memref<1x8x65xf32, #tpu.memory_space<vmem>> -> memref<8x65xf32, #tpu.memory_space<vmem>>
    %dma_start3A_204 = arith.constant 0 : i32
    %dma_start3A_205 = tpu.memref_slice %arg3[%multiple_of3A_196, %dma_start3A_204] : memref<100000x65xf32, #tpu.memory_space<hbm>> -> memref<8x65xf32, #tpu.memory_space<hbm>>
    %dma_start3A_206 = arith.constant 0 : i32
    %dma_start3A_207 = arith.constant 0 : i32
    %dma_start3A_208 = tpu.memref_slice %arg7[%and3A_199, %dma_start3A_206, %dma_start3A_207] : memref<32x8x65xf32, #tpu.memory_space<vmem>> -> memref<1x8x65xf32, #tpu.memory_space<vmem>>
    %dma_start3A_209 = tpu.memref_squeeze %dma_start3A_208 : memref<1x8x65xf32, #tpu.memory_space<vmem>> -> memref<8x65xf32, #tpu.memory_space<vmem>>
    %dma_start3A_210 = arith.constant 0 : i32
    %dma_start3A_211 = tpu.memref_slice %arg3[%multiple_of3A_196, %dma_start3A_210] : memref<100000x65xf32, #tpu.memory_space<hbm>> -> memref<8x65xf32, #tpu.memory_space<hbm>>
    tpu.enqueue_dma source(%dma_start3A_211 : memref<8x65xf32, #tpu.memory_space<hbm>>) target(%dma_start3A_209 : memref<8x65xf32, #tpu.memory_space<vmem>>) target_semaphore(%arg11 : memref<!tpu.dma_semaphore, #tpu.memory_space<semaphore_mem>>)
    %slice3A_212 = vector.extract_strided_slice %get3A_6 {offsets = [10], sizes = [1], strides = [1]} : vector<16xi32> to vector<1xi32>
    %squeeze3A_213 = vector.extract %slice3A_212[0] : i32 from vector<1xi32>
    %and3A_214 = arith.constant 7 : i32
    %and3A_215 = arith.andi %squeeze3A_213, %and3A_214 : i32
    %sub3A_216 = arith.subi %squeeze3A_213, %and3A_215 : i32
    %multiple_of3A_217 = tpu.assume_multiple %sub3A_216, 8 : i32
    %and3A_218 = arith.constant 10 : i32
    %and3A_219 = arith.constant 31 : i32
    %and3A_220 = arith.andi %and3A_218, %and3A_219 : i32
    %dma_start3A_221 = arith.constant 0 : i32
    %dma_start3A_222 = arith.constant 0 : i32
    %dma_start3A_223 = tpu.memref_slice %arg7[%and3A_220, %dma_start3A_221, %dma_start3A_222] : memref<32x8x65xf32, #tpu.memory_space<vmem>> -> memref<1x8x65xf32, #tpu.memory_space<vmem>>
    %dma_start3A_224 = tpu.memref_squeeze %dma_start3A_223 : memref<1x8x65xf32, #tpu.memory_space<vmem>> -> memref<8x65xf32, #tpu.memory_space<vmem>>
    %dma_start3A_225 = arith.constant 0 : i32
    %dma_start3A_226 = tpu.memref_slice %arg3[%multiple_of3A_217, %dma_start3A_225] : memref<100000x65xf32, #tpu.memory_space<hbm>> -> memref<8x65xf32, #tpu.memory_space<hbm>>
    %dma_start3A_227 = arith.constant 0 : i32
    %dma_start3A_228 = arith.constant 0 : i32
    %dma_start3A_229 = tpu.memref_slice %arg7[%and3A_220, %dma_start3A_227, %dma_start3A_228] : memref<32x8x65xf32, #tpu.memory_space<vmem>> -> memref<1x8x65xf32, #tpu.memory_space<vmem>>
    %dma_start3A_230 = tpu.memref_squeeze %dma_start3A_229 : memref<1x8x65xf32, #tpu.memory_space<vmem>> -> memref<8x65xf32, #tpu.memory_space<vmem>>
    %dma_start3A_231 = arith.constant 0 : i32
    %dma_start3A_232 = tpu.memref_slice %arg3[%multiple_of3A_217, %dma_start3A_231] : memref<100000x65xf32, #tpu.memory_space<hbm>> -> memref<8x65xf32, #tpu.memory_space<hbm>>
    tpu.enqueue_dma source(%dma_start3A_232 : memref<8x65xf32, #tpu.memory_space<hbm>>) target(%dma_start3A_230 : memref<8x65xf32, #tpu.memory_space<vmem>>) target_semaphore(%arg11 : memref<!tpu.dma_semaphore, #tpu.memory_space<semaphore_mem>>)
    %slice3A_233 = vector.extract_strided_slice %get3A_6 {offsets = [11], sizes = [1], strides = [1]} : vector<16xi32> to vector<1xi32>
    %squeeze3A_234 = vector.extract %slice3A_233[0] : i32 from vector<1xi32>
    %and3A_235 = arith.constant 7 : i32
    %and3A_236 = arith.andi %squeeze3A_234, %and3A_235 : i32
    %sub3A_237 = arith.subi %squeeze3A_234, %and3A_236 : i32
    %multiple_of3A_238 = tpu.assume_multiple %sub3A_237, 8 : i32
    %and3A_239 = arith.constant 11 : i32
    %and3A_240 = arith.constant 31 : i32
    %and3A_241 = arith.andi %and3A_239, %and3A_240 : i32
    %dma_start3A_242 = arith.constant 0 : i32
    %dma_start3A_243 = arith.constant 0 : i32
    %dma_start3A_244 = tpu.memref_slice %arg7[%and3A_241, %dma_start3A_242, %dma_start3A_243] : memref<32x8x65xf32, #tpu.memory_space<vmem>> -> memref<1x8x65xf32, #tpu.memory_space<vmem>>
    %dma_start3A_245 = tpu.memref_squeeze %dma_start3A_244 : memref<1x8x65xf32, #tpu.memory_space<vmem>> -> memref<8x65xf32, #tpu.memory_space<vmem>>
    %dma_start3A_246 = arith.constant 0 : i32
    %dma_start3A_247 = tpu.memref_slice %arg3[%multiple_of3A_238, %dma_start3A_246] : memref<100000x65xf32, #tpu.memory_space<hbm>> -> memref<8x65xf32, #tpu.memory_space<hbm>>
    %dma_start3A_248 = arith.constant 0 : i32
    %dma_start3A_249 = arith.constant 0 : i32
    %dma_start3A_250 = tpu.memref_slice %arg7[%and3A_241, %dma_start3A_248, %dma_start3A_249] : memref<32x8x65xf32, #tpu.memory_space<vmem>> -> memref<1x8x65xf32, #tpu.memory_space<vmem>>
    %dma_start3A_251 = tpu.memref_squeeze %dma_start3A_250 : memref<1x8x65xf32, #tpu.memory_space<vmem>> -> memref<8x65xf32, #tpu.memory_space<vmem>>
    %dma_start3A_252 = arith.constant 0 : i32
    %dma_start3A_253 = tpu.memref_slice %arg3[%multiple_of3A_238, %dma_start3A_252] : memref<100000x65xf32, #tpu.memory_space<hbm>> -> memref<8x65xf32, #tpu.memory_space<hbm>>
    tpu.enqueue_dma source(%dma_start3A_253 : memref<8x65xf32, #tpu.memory_space<hbm>>) target(%dma_start3A_251 : memref<8x65xf32, #tpu.memory_space<vmem>>) target_semaphore(%arg11 : memref<!tpu.dma_semaphore, #tpu.memory_space<semaphore_mem>>)
    %slice3A_254 = vector.extract_strided_slice %get3A_6 {offsets = [12], sizes = [1], strides = [1]} : vector<16xi32> to vector<1xi32>
    %squeeze3A_255 = vector.extract %slice3A_254[0] : i32 from vector<1xi32>
    %and3A_256 = arith.constant 7 : i32
    %and3A_257 = arith.andi %squeeze3A_255, %and3A_256 : i32
    %sub3A_258 = arith.subi %squeeze3A_255, %and3A_257 : i32
    %multiple_of3A_259 = tpu.assume_multiple %sub3A_258, 8 : i32
    %and3A_260 = arith.constant 12 : i32
    %and3A_261 = arith.constant 31 : i32
    %and3A_262 = arith.andi %and3A_260, %and3A_261 : i32
    %dma_start3A_263 = arith.constant 0 : i32
    %dma_start3A_264 = arith.constant 0 : i32
    %dma_start3A_265 = tpu.memref_slice %arg7[%and3A_262, %dma_start3A_263, %dma_start3A_264] : memref<32x8x65xf32, #tpu.memory_space<vmem>> -> memref<1x8x65xf32, #tpu.memory_space<vmem>>
    %dma_start3A_266 = tpu.memref_squeeze %dma_start3A_265 : memref<1x8x65xf32, #tpu.memory_space<vmem>> -> memref<8x65xf32, #tpu.memory_space<vmem>>
    %dma_start3A_267 = arith.constant 0 : i32
    %dma_start3A_268 = tpu.memref_slice %arg3[%multiple_of3A_259, %dma_start3A_267] : memref<100000x65xf32, #tpu.memory_space<hbm>> -> memref<8x65xf32, #tpu.memory_space<hbm>>
    %dma_start3A_269 = arith.constant 0 : i32
    %dma_start3A_270 = arith.constant 0 : i32
    %dma_start3A_271 = tpu.memref_slice %arg7[%and3A_262, %dma_start3A_269, %dma_start3A_270] : memref<32x8x65xf32, #tpu.memory_space<vmem>> -> memref<1x8x65xf32, #tpu.memory_space<vmem>>
    %dma_start3A_272 = tpu.memref_squeeze %dma_start3A_271 : memref<1x8x65xf32, #tpu.memory_space<vmem>> -> memref<8x65xf32, #tpu.memory_space<vmem>>
    %dma_start3A_273 = arith.constant 0 : i32
    %dma_start3A_274 = tpu.memref_slice %arg3[%multiple_of3A_259, %dma_start3A_273] : memref<100000x65xf32, #tpu.memory_space<hbm>> -> memref<8x65xf32, #tpu.memory_space<hbm>>
    tpu.enqueue_dma source(%dma_start3A_274 : memref<8x65xf32, #tpu.memory_space<hbm>>) target(%dma_start3A_272 : memref<8x65xf32, #tpu.memory_space<vmem>>) target_semaphore(%arg11 : memref<!tpu.dma_semaphore, #tpu.memory_space<semaphore_mem>>)
    %slice3A_275 = vector.extract_strided_slice %get3A_6 {offsets = [13], sizes = [1], strides = [1]} : vector<16xi32> to vector<1xi32>
    %squeeze3A_276 = vector.extract %slice3A_275[0] : i32 from vector<1xi32>
    %and3A_277 = arith.constant 7 : i32
    %and3A_278 = arith.andi %squeeze3A_276, %and3A_277 : i32
    %sub3A_279 = arith.subi %squeeze3A_276, %and3A_278 : i32
    %multiple_of3A_280 = tpu.assume_multiple %sub3A_279, 8 : i32
    %and3A_281 = arith.constant 13 : i32
    %and3A_282 = arith.constant 31 : i32
    %and3A_283 = arith.andi %and3A_281, %and3A_282 : i32
    %dma_start3A_284 = arith.constant 0 : i32
    %dma_start3A_285 = arith.constant 0 : i32
    %dma_start3A_286 = tpu.memref_slice %arg7[%and3A_283, %dma_start3A_284, %dma_start3A_285] : memref<32x8x65xf32, #tpu.memory_space<vmem>> -> memref<1x8x65xf32, #tpu.memory_space<vmem>>
    %dma_start3A_287 = tpu.memref_squeeze %dma_start3A_286 : memref<1x8x65xf32, #tpu.memory_space<vmem>> -> memref<8x65xf32, #tpu.memory_space<vmem>>
    %dma_start3A_288 = arith.constant 0 : i32
    %dma_start3A_289 = tpu.memref_slice %arg3[%multiple_of3A_280, %dma_start3A_288] : memref<100000x65xf32, #tpu.memory_space<hbm>> -> memref<8x65xf32, #tpu.memory_space<hbm>>
    %dma_start3A_290 = arith.constant 0 : i32
    %dma_start3A_291 = arith.constant 0 : i32
    %dma_start3A_292 = tpu.memref_slice %arg7[%and3A_283, %dma_start3A_290, %dma_start3A_291] : memref<32x8x65xf32, #tpu.memory_space<vmem>> -> memref<1x8x65xf32, #tpu.memory_space<vmem>>
    %dma_start3A_293 = tpu.memref_squeeze %dma_start3A_292 : memref<1x8x65xf32, #tpu.memory_space<vmem>> -> memref<8x65xf32, #tpu.memory_space<vmem>>
    %dma_start3A_294 = arith.constant 0 : i32
    %dma_start3A_295 = tpu.memref_slice %arg3[%multiple_of3A_280, %dma_start3A_294] : memref<100000x65xf32, #tpu.memory_space<hbm>> -> memref<8x65xf32, #tpu.memory_space<hbm>>
    tpu.enqueue_dma source(%dma_start3A_295 : memref<8x65xf32, #tpu.memory_space<hbm>>) target(%dma_start3A_293 : memref<8x65xf32, #tpu.memory_space<vmem>>) target_semaphore(%arg11 : memref<!tpu.dma_semaphore, #tpu.memory_space<semaphore_mem>>)
    %slice3A_296 = vector.extract_strided_slice %get3A_6 {offsets = [14], sizes = [1], strides = [1]} : vector<16xi32> to vector<1xi32>
    %squeeze3A_297 = vector.extract %slice3A_296[0] : i32 from vector<1xi32>
    %and3A_298 = arith.constant 7 : i32
    %and3A_299 = arith.andi %squeeze3A_297, %and3A_298 : i32
    %sub3A_300 = arith.subi %squeeze3A_297, %and3A_299 : i32
    %multiple_of3A_301 = tpu.assume_multiple %sub3A_300, 8 : i32
    %and3A_302 = arith.constant 14 : i32
    %and3A_303 = arith.constant 31 : i32
    %and3A_304 = arith.andi %and3A_302, %and3A_303 : i32
    %dma_start3A_305 = arith.constant 0 : i32
    %dma_start3A_306 = arith.constant 0 : i32
    %dma_start3A_307 = tpu.memref_slice %arg7[%and3A_304, %dma_start3A_305, %dma_start3A_306] : memref<32x8x65xf32, #tpu.memory_space<vmem>> -> memref<1x8x65xf32, #tpu.memory_space<vmem>>
    %dma_start3A_308 = tpu.memref_squeeze %dma_start3A_307 : memref<1x8x65xf32, #tpu.memory_space<vmem>> -> memref<8x65xf32, #tpu.memory_space<vmem>>
    %dma_start3A_309 = arith.constant 0 : i32
    %dma_start3A_310 = tpu.memref_slice %arg3[%multiple_of3A_301, %dma_start3A_309] : memref<100000x65xf32, #tpu.memory_space<hbm>> -> memref<8x65xf32, #tpu.memory_space<hbm>>
    %dma_start3A_311 = arith.constant 0 : i32
    %dma_start3A_312 = arith.constant 0 : i32
    %dma_start3A_313 = tpu.memref_slice %arg7[%and3A_304, %dma_start3A_311, %dma_start3A_312] : memref<32x8x65xf32, #tpu.memory_space<vmem>> -> memref<1x8x65xf32, #tpu.memory_space<vmem>>
    %dma_start3A_314 = tpu.memref_squeeze %dma_start3A_313 : memref<1x8x65xf32, #tpu.memory_space<vmem>> -> memref<8x65xf32, #tpu.memory_space<vmem>>
    %dma_start3A_315 = arith.constant 0 : i32
    %dma_start3A_316 = tpu.memref_slice %arg3[%multiple_of3A_301, %dma_start3A_315] : memref<100000x65xf32, #tpu.memory_space<hbm>> -> memref<8x65xf32, #tpu.memory_space<hbm>>
    tpu.enqueue_dma source(%dma_start3A_316 : memref<8x65xf32, #tpu.memory_space<hbm>>) target(%dma_start3A_314 : memref<8x65xf32, #tpu.memory_space<vmem>>) target_semaphore(%arg11 : memref<!tpu.dma_semaphore, #tpu.memory_space<semaphore_mem>>)
    %slice3A_317 = vector.extract_strided_slice %get3A_6 {offsets = [15], sizes = [1], strides = [1]} : vector<16xi32> to vector<1xi32>
    %squeeze3A_318 = vector.extract %slice3A_317[0] : i32 from vector<1xi32>
    %and3A_319 = arith.constant 7 : i32
    %and3A_320 = arith.andi %squeeze3A_318, %and3A_319 : i32
    %sub3A_321 = arith.subi %squeeze3A_318, %and3A_320 : i32
    %multiple_of3A_322 = tpu.assume_multiple %sub3A_321, 8 : i32
    %and3A_323 = arith.constant 15 : i32
    %and3A_324 = arith.constant 31 : i32
    %and3A_325 = arith.andi %and3A_323, %and3A_324 : i32
    %dma_start3A_326 = arith.constant 0 : i32
    %dma_start3A_327 = arith.constant 0 : i32
    %dma_start3A_328 = tpu.memref_slice %arg7[%and3A_325, %dma_start3A_326, %dma_start3A_327] : memref<32x8x65xf32, #tpu.memory_space<vmem>> -> memref<1x8x65xf32, #tpu.memory_space<vmem>>
    %dma_start3A_329 = tpu.memref_squeeze %dma_start3A_328 : memref<1x8x65xf32, #tpu.memory_space<vmem>> -> memref<8x65xf32, #tpu.memory_space<vmem>>
    %dma_start3A_330 = arith.constant 0 : i32
    %dma_start3A_331 = tpu.memref_slice %arg3[%multiple_of3A_322, %dma_start3A_330] : memref<100000x65xf32, #tpu.memory_space<hbm>> -> memref<8x65xf32, #tpu.memory_space<hbm>>
    %dma_start3A_332 = arith.constant 0 : i32
    %dma_start3A_333 = arith.constant 0 : i32
    %dma_start3A_334 = tpu.memref_slice %arg7[%and3A_325, %dma_start3A_332, %dma_start3A_333] : memref<32x8x65xf32, #tpu.memory_space<vmem>> -> memref<1x8x65xf32, #tpu.memory_space<vmem>>
    %dma_start3A_335 = tpu.memref_squeeze %dma_start3A_334 : memref<1x8x65xf32, #tpu.memory_space<vmem>> -> memref<8x65xf32, #tpu.memory_space<vmem>>
    %dma_start3A_336 = arith.constant 0 : i32
    %dma_start3A_337 = tpu.memref_slice %arg3[%multiple_of3A_322, %dma_start3A_336] : memref<100000x65xf32, #tpu.memory_space<hbm>> -> memref<8x65xf32, #tpu.memory_space<hbm>>
    tpu.enqueue_dma source(%dma_start3A_337 : memref<8x65xf32, #tpu.memory_space<hbm>>) target(%dma_start3A_335 : memref<8x65xf32, #tpu.memory_space<vmem>>) target_semaphore(%arg11 : memref<!tpu.dma_semaphore, #tpu.memory_space<semaphore_mem>>)
    %get3A_338 = arith.constant 16 : index
    %get3A_339 = tpu.vector_load %arg6[%get3A_338] {strides = array<i32>} : memref<512xi32, #tpu.memory_space<vmem>>, vector<16xi32>,
    %slice3A_340 = vector.extract_strided_slice %get3A_339 {offsets = [0], sizes = [1], strides = [1]} : vector<16xi32> to vector<1xi32>
    %squeeze3A_341 = vector.extract %slice3A_340[0] : i32 from vector<1xi32>
    %and3A_342 = arith.constant 7 : i32
    %and3A_343 = arith.andi %squeeze3A_341, %and3A_342 : i32
    %sub3A_344 = arith.subi %squeeze3A_341, %and3A_343 : i32
    %multiple_of3A_345 = tpu.assume_multiple %sub3A_344, 8 : i32
    %and3A_346 = arith.constant 16 : i32
    %and3A_347 = arith.constant 31 : i32
    %and3A_348 = arith.andi %and3A_346, %and3A_347 : i32
    %dma_start3A_349 = arith.constant 0 : i32
    %dma_start3A_350 = arith.constant 0 : i32
    %dma_start3A_351 = tpu.memref_slice %arg7[%and3A_348, %dma_start3A_349, %dma_start3A_350] : memref<32x8x65xf32, #tpu.memory_space<vmem>> -> memref<1x8x65xf32, #tpu.memory_space<vmem>>
    %dma_start3A_352 = tpu.memref_squeeze %dma_start3A_351 : memref<1x8x65xf32, #tpu.memory_space<vmem>> -> memref<8x65xf32, #tpu.memory_space<vmem>>
    %dma_start3A_353 = arith.constant 0 : i32
    %dma_start3A_354 = tpu.memref_slice %arg3[%multiple_of3A_345, %dma_start3A_353] : memref<100000x65xf32, #tpu.memory_space<hbm>> -> memref<8x65xf32, #tpu.memory_space<hbm>>
    %dma_start3A_355 = arith.constant 0 : i32
    %dma_start3A_356 = arith.constant 0 : i32
    %dma_start3A_357 = tpu.memref_slice %arg7[%and3A_348, %dma_start3A_355, %dma_start3A_356] : memref<32x8x65xf32, #tpu.memory_space<vmem>> -> memref<1x8x65xf32, #tpu.memory_space<vmem>>
    %dma_start3A_358 = tpu.memref_squeeze %dma_start3A_357 : memref<1x8x65xf32, #tpu.memory_space<vmem>> -> memref<8x65xf32, #tpu.memory_space<vmem>>
    %dma_start3A_359 = arith.constant 0 : i32
    %dma_start3A_360 = tpu.memref_slice %arg3[%multiple_of3A_345, %dma_start3A_359] : memref<100000x65xf32, #tpu.memory_space<hbm>> -> memref<8x65xf32, #tpu.memory_space<hbm>>
    tpu.enqueue_dma source(%dma_start3A_360 : memref<8x65xf32, #tpu.memory_space<hbm>>) target(%dma_start3A_358 : memref<8x65xf32, #tpu.memory_space<vmem>>) target_semaphore(%arg11 : memref<!tpu.dma_semaphore, #tpu.memory_space<semaphore_mem>>)
    %slice3A_361 = vector.extract_strided_slice %get3A_339 {offsets = [1], sizes = [1], strides = [1]} : vector<16xi32> to vector<1xi32>
    %squeeze3A_362 = vector.extract %slice3A_361[0] : i32 from vector<1xi32>
    %and3A_363 = arith.constant 7 : i32
    %and3A_364 = arith.andi %squeeze3A_362, %and3A_363 : i32
    %sub3A_365 = arith.subi %squeeze3A_362, %and3A_364 : i32
    %multiple_of3A_366 = tpu.assume_multiple %sub3A_365, 8 : i32
    %and3A_367 = arith.constant 17 : i32
    %and3A_368 = arith.constant 31 : i32
    %and3A_369 = arith.andi %and3A_367, %and3A_368 : i32
    %dma_start3A_370 = arith.constant 0 : i32
    %dma_start3A_371 = arith.constant 0 : i32
    %dma_start3A_372 = tpu.memref_slice %arg7[%and3A_369, %dma_start3A_370, %dma_start3A_371] : memref<32x8x65xf32, #tpu.memory_space<vmem>> -> memref<1x8x65xf32, #tpu.memory_space<vmem>>
    %dma_start3A_373 = tpu.memref_squeeze %dma_start3A_372 : memref<1x8x65xf32, #tpu.memory_space<vmem>> -> memref<8x65xf32, #tpu.memory_space<vmem>>
    %dma_start3A_374 = arith.constant 0 : i32
    %dma_start3A_375 = tpu.memref_slice %arg3[%multiple_of3A_366, %dma_start3A_374] : memref<100000x65xf32, #tpu.memory_space<hbm>> -> memref<8x65xf32, #tpu.memory_space<hbm>>
    %dma_start3A_376 = arith.constant 0 : i32
    %dma_start3A_377 = arith.constant 0 : i32
    %dma_start3A_378 = tpu.memref_slice %arg7[%and3A_369, %dma_start3A_376, %dma_start3A_377] : memref<32x8x65xf32, #tpu.memory_space<vmem>> -> memref<1x8x65xf32, #tpu.memory_space<vmem>>
    %dma_start3A_379 = tpu.memref_squeeze %dma_start3A_378 : memref<1x8x65xf32, #tpu.memory_space<vmem>> -> memref<8x65xf32, #tpu.memory_space<vmem>>
    %dma_start3A_380 = arith.constant 0 : i32
    %dma_start3A_381 = tpu.memref_slice %arg3[%multiple_of3A_366, %dma_start3A_380] : memref<100000x65xf32, #tpu.memory_space<hbm>> -> memref<8x65xf32, #tpu.memory_space<hbm>>
    tpu.enqueue_dma source(%dma_start3A_381 : memref<8x65xf32, #tpu.memory_space<hbm>>) target(%dma_start3A_379 : memref<8x65xf32, #tpu.memory_space<vmem>>) target_semaphore(%arg11 : memref<!tpu.dma_semaphore, #tpu.memory_space<semaphore_mem>>)
    %slice3A_382 = vector.extract_strided_slice %get3A_339 {offsets = [2], sizes = [1], strides = [1]} : vector<16xi32> to vector<1xi32>
    %squeeze3A_383 = vector.extract %slice3A_382[0] : i32 from vector<1xi32>
    %and3A_384 = arith.constant 7 : i32
    %and3A_385 = arith.andi %squeeze3A_383, %and3A_384 : i32
    %sub3A_386 = arith.subi %squeeze3A_383, %and3A_385 : i32
    %multiple_of3A_387 = tpu.assume_multiple %sub3A_386, 8 : i32
    %and3A_388 = arith.constant 18 : i32
    %and3A_389 = arith.constant 31 : i32
    %and3A_390 = arith.andi %and3A_388, %and3A_389 : i32
    %dma_start3A_391 = arith.constant 0 : i32
    %dma_start3A_392 = arith.constant 0 : i32
    %dma_start3A_393 = tpu.memref_slice %arg7[%and3A_390, %dma_start3A_391, %dma_start3A_392] : memref<32x8x65xf32, #tpu.memory_space<vmem>> -> memref<1x8x65xf32, #tpu.memory_space<vmem>>
    %dma_start3A_394 = tpu.memref_squeeze %dma_start3A_393 : memref<1x8x65xf32, #tpu.memory_space<vmem>> -> memref<8x65xf32, #tpu.memory_space<vmem>>
    %dma_start3A_395 = arith.constant 0 : i32
    %dma_start3A_396 = tpu.memref_slice %arg3[%multiple_of3A_387, %dma_start3A_395] : memref<100000x65xf32, #tpu.memory_space<hbm>> -> memref<8x65xf32, #tpu.memory_space<hbm>>
    %dma_start3A_397 = arith.constant 0 : i32
    %dma_start3A_398 = arith.constant 0 : i32
    %dma_start3A_399 = tpu.memref_slice %arg7[%and3A_390, %dma_start3A_397, %dma_start3A_398] : memref<32x8x65xf32, #tpu.memory_space<vmem>> -> memref<1x8x65xf32, #tpu.memory_space<vmem>>
    %dma_start3A_400 = tpu.memref_squeeze %dma_start3A_399 : memref<1x8x65xf32, #tpu.memory_space<vmem>> -> memref<8x65xf32, #tpu.memory_space<vmem>>
    %dma_start3A_401 = arith.constant 0 : i32
    %dma_start3A_402 = tpu.memref_slice %arg3[%multiple_of3A_387, %dma_start3A_401] : memref<100000x65xf32, #tpu.memory_space<hbm>> -> memref<8x65xf32, #tpu.memory_space<hbm>>
    tpu.enqueue_dma source(%dma_start3A_402 : memref<8x65xf32, #tpu.memory_space<hbm>>) target(%dma_start3A_400 : memref<8x65xf32, #tpu.memory_space<vmem>>) target_semaphore(%arg11 : memref<!tpu.dma_semaphore, #tpu.memory_space<semaphore_mem>>)
    %slice3A_403 = vector.extract_strided_slice %get3A_339 {offsets = [3], sizes = [1], strides = [1]} : vector<16xi32> to vector<1xi32>
    %squeeze3A_404 = vector.extract %slice3A_403[0] : i32 from vector<1xi32>
    %and3A_405 = arith.constant 7 : i32
    %and3A_406 = arith.andi %squeeze3A_404, %and3A_405 : i32
    %sub3A_407 = arith.subi %squeeze3A_404, %and3A_406 : i32
    %multiple_of3A_408 = tpu.assume_multiple %sub3A_407, 8 : i32
    %and3A_409 = arith.constant 19 : i32
    %and3A_410 = arith.constant 31 : i32
    %and3A_411 = arith.andi %and3A_409, %and3A_410 : i32
    %dma_start3A_412 = arith.constant 0 : i32
    %dma_start3A_413 = arith.constant 0 : i32
    %dma_start3A_414 = tpu.memref_slice %arg7[%and3A_411, %dma_start3A_412, %dma_start3A_413] : memref<32x8x65xf32, #tpu.memory_space<vmem>> -> memref<1x8x65xf32, #tpu.memory_space<vmem>>
    %dma_start3A_415 = tpu.memref_squeeze %dma_start3A_414 : memref<1x8x65xf32, #tpu.memory_space<vmem>> -> memref<8x65xf32, #tpu.memory_space<vmem>>
    %dma_start3A_416 = arith.constant 0 : i32
    %dma_start3A_417 = tpu.memref_slice %arg3[%multiple_of3A_408, %dma_start3A_416] : memref<100000x65xf32, #tpu.memory_space<hbm>> -> memref<8x65xf32, #tpu.memory_space<hbm>>
    %dma_start3A_418 = arith.constant 0 : i32
    %dma_start3A_419 = arith.constant 0 : i32
    %dma_start3A_420 = tpu.memref_slice %arg7[%and3A_411, %dma_start3A_418, %dma_start3A_419] : memref<32x8x65xf32, #tpu.memory_space<vmem>> -> memref<1x8x65xf32, #tpu.memory_space<vmem>>
    %dma_start3A_421 = tpu.memref_squeeze %dma_start3A_420 : memref<1x8x65xf32, #tpu.memory_space<vmem>> -> memref<8x65xf32, #tpu.memory_space<vmem>>
    %dma_start3A_422 = arith.constant 0 : i32
    %dma_start3A_423 = tpu.memref_slice %arg3[%multiple_of3A_408, %dma_start3A_422] : memref<100000x65xf32, #tpu.memory_space<hbm>> -> memref<8x65xf32, #tpu.memory_space<hbm>>
    tpu.enqueue_dma source(%dma_start3A_423 : memref<8x65xf32, #tpu.memory_space<hbm>>) target(%dma_start3A_421 : memref<8x65xf32, #tpu.memory_space<vmem>>) target_semaphore(%arg11 : memref<!tpu.dma_semaphore, #tpu.memory_space<semaphore_mem>>)
    %slice3A_424 = vector.extract_strided_slice %get3A_339 {offsets = [4], sizes = [1], strides = [1]} : vector<16xi32> to vector<1xi32>
    %squeeze3A_425 = vector.extract %slice3A_424[0] : i32 from vector<1xi32>
    %and3A_426 = arith.constant 7 : i32
    %and3A_427 = arith.andi %squeeze3A_425, %and3A_426 : i32
    %sub3A_428 = arith.subi %squeeze3A_425, %and3A_427 : i32
    %multiple_of3A_429 = tpu.assume_multiple %sub3A_428, 8 : i32
    %and3A_430 = arith.constant 20 : i32
    %and3A_431 = arith.constant 31 : i32
    %and3A_432 = arith.andi %and3A_430, %and3A_431 : i32
    %dma_start3A_433 = arith.constant 0 : i32
    %dma_start3A_434 = arith.constant 0 : i32
    %dma_start3A_435 = tpu.memref_slice %arg7[%and3A_432, %dma_start3A_433, %dma_start3A_434] : memref<32x8x65xf32, #tpu.memory_space<vmem>> -> memref<1x8x65xf32, #tpu.memory_space<vmem>>
    %dma_start3A_436 = tpu.memref_squeeze %dma_start3A_435 : memref<1x8x65xf32, #tpu.memory_space<vmem>> -> memref<8x65xf32, #tpu.memory_space<vmem>>
    %dma_start3A_437 = arith.constant 0 : i32
    %dma_start3A_438 = tpu.memref_slice %arg3[%multiple_of3A_429, %dma_start3A_437] : memref<100000x65xf32, #tpu.memory_space<hbm>> -> memref<8x65xf32, #tpu.memory_space<hbm>>
    %dma_start3A_439 = arith.constant 0 : i32
    %dma_start3A_440 = arith.constant 0 : i32
    %dma_start3A_441 = tpu.memref_slice %arg7[%and3A_432, %dma_start3A_439, %dma_start3A_440] : memref<32x8x65xf32, #tpu.memory_space<vmem>> -> memref<1x8x65xf32, #tpu.memory_space<vmem>>
    %dma_start3A_442 = tpu.memref_squeeze %dma_start3A_441 : memref<1x8x65xf32, #tpu.memory_space<vmem>> -> memref<8x65xf32, #tpu.memory_space<vmem>>
    %dma_start3A_443 = arith.constant 0 : i32
    %dma_start3A_444 = tpu.memref_slice %arg3[%multiple_of3A_429, %dma_start3A_443] : memref<100000x65xf32, #tpu.memory_space<hbm>> -> memref<8x65xf32, #tpu.memory_space<hbm>>
    tpu.enqueue_dma source(%dma_start3A_444 : memref<8x65xf32, #tpu.memory_space<hbm>>) target(%dma_start3A_442 : memref<8x65xf32, #tpu.memory_space<vmem>>) target_semaphore(%arg11 : memref<!tpu.dma_semaphore, #tpu.memory_space<semaphore_mem>>)
    %slice3A_445 = vector.extract_strided_slice %get3A_339 {offsets = [5], sizes = [1], strides = [1]} : vector<16xi32> to vector<1xi32>
    %squeeze3A_446 = vector.extract %slice3A_445[0] : i32 from vector<1xi32>
    %and3A_447 = arith.constant 7 : i32
    %and3A_448 = arith.andi %squeeze3A_446, %and3A_447 : i32
    %sub3A_449 = arith.subi %squeeze3A_446, %and3A_448 : i32
    %multiple_of3A_450 = tpu.assume_multiple %sub3A_449, 8 : i32
    %and3A_451 = arith.constant 21 : i32
    %and3A_452 = arith.constant 31 : i32
    %and3A_453 = arith.andi %and3A_451, %and3A_452 : i32
    %dma_start3A_454 = arith.constant 0 : i32
    %dma_start3A_455 = arith.constant 0 : i32
    %dma_start3A_456 = tpu.memref_slice %arg7[%and3A_453, %dma_start3A_454, %dma_start3A_455] : memref<32x8x65xf32, #tpu.memory_space<vmem>> -> memref<1x8x65xf32, #tpu.memory_space<vmem>>
    %dma_start3A_457 = tpu.memref_squeeze %dma_start3A_456 : memref<1x8x65xf32, #tpu.memory_space<vmem>> -> memref<8x65xf32, #tpu.memory_space<vmem>>
    %dma_start3A_458 = arith.constant 0 : i32
    %dma_start3A_459 = tpu.memref_slice %arg3[%multiple_of3A_450, %dma_start3A_458] : memref<100000x65xf32, #tpu.memory_space<hbm>> -> memref<8x65xf32, #tpu.memory_space<hbm>>
    %dma_start3A_460 = arith.constant 0 : i32
    %dma_start3A_461 = arith.constant 0 : i32
    %dma_start3A_462 = tpu.memref_slice %arg7[%and3A_453, %dma_start3A_460, %dma_start3A_461] : memref<32x8x65xf32, #tpu.memory_space<vmem>> -> memref<1x8x65xf32, #tpu.memory_space<vmem>>
    %dma_start3A_463 = tpu.memref_squeeze %dma_start3A_462 : memref<1x8x65xf32, #tpu.memory_space<vmem>> -> memref<8x65xf32, #tpu.memory_space<vmem>>
    %dma_start3A_464 = arith.constant 0 : i32
    %dma_start3A_465 = tpu.memref_slice %arg3[%multiple_of3A_450, %dma_start3A_464] : memref<100000x65xf32, #tpu.memory_space<hbm>> -> memref<8x65xf32, #tpu.memory_space<hbm>>
    tpu.enqueue_dma source(%dma_start3A_465 : memref<8x65xf32, #tpu.memory_space<hbm>>) target(%dma_start3A_463 : memref<8x65xf32, #tpu.memory_space<vmem>>) target_semaphore(%arg11 : memref<!tpu.dma_semaphore, #tpu.memory_space<semaphore_mem>>)
    %slice3A_466 = vector.extract_strided_slice %get3A_339 {offsets = [6], sizes = [1], strides = [1]} : vector<16xi32> to vector<1xi32>
    %squeeze3A_467 = vector.extract %slice3A_466[0] : i32 from vector<1xi32>
    %and3A_468 = arith.constant 7 : i32
    %and3A_469 = arith.andi %squeeze3A_467, %and3A_468 : i32
    %sub3A_470 = arith.subi %squeeze3A_467, %and3A_469 : i32
    %multiple_of3A_471 = tpu.assume_multiple %sub3A_470, 8 : i32
    %and3A_472 = arith.constant 22 : i32
    %and3A_473 = arith.constant 31 : i32
    %and3A_474 = arith.andi %and3A_472, %and3A_473 : i32
    %dma_start3A_475 = arith.constant 0 : i32
    %dma_start3A_476 = arith.constant 0 : i32
    %dma_start3A_477 = tpu.memref_slice %arg7[%and3A_474, %dma_start3A_475, %dma_start3A_476] : memref<32x8x65xf32, #tpu.memory_space<vmem>> -> memref<1x8x65xf32, #tpu.memory_space<vmem>>
    %dma_start3A_478 = tpu.memref_squeeze %dma_start3A_477 : memref<1x8x65xf32, #tpu.memory_space<vmem>> -> memref<8x65xf32, #tpu.memory_space<vmem>>
    %dma_start3A_479 = arith.constant 0 : i32
    %dma_start3A_480 = tpu.memref_slice %arg3[%multiple_of3A_471, %dma_start3A_479] : memref<100000x65xf32, #tpu.memory_space<hbm>> -> memref<8x65xf32, #tpu.memory_space<hbm>>
    %dma_start3A_481 = arith.constant 0 : i32
    %dma_start3A_482 = arith.constant 0 : i32
    %dma_start3A_483 = tpu.memref_slice %arg7[%and3A_474, %dma_start3A_481, %dma_start3A_482] : memref<32x8x65xf32, #tpu.memory_space<vmem>> -> memref<1x8x65xf32, #tpu.memory_space<vmem>>
    %dma_start3A_484 = tpu.memref_squeeze %dma_start3A_483 : memref<1x8x65xf32, #tpu.memory_space<vmem>> -> memref<8x65xf32, #tpu.memory_space<vmem>>
    %dma_start3A_485 = arith.constant 0 : i32
    %dma_start3A_486 = tpu.memref_slice %arg3[%multiple_of3A_471, %dma_start3A_485] : memref<100000x65xf32, #tpu.memory_space<hbm>> -> memref<8x65xf32, #tpu.memory_space<hbm>>
    tpu.enqueue_dma source(%dma_start3A_486 : memref<8x65xf32, #tpu.memory_space<hbm>>) target(%dma_start3A_484 : memref<8x65xf32, #tpu.memory_space<vmem>>) target_semaphore(%arg11 : memref<!tpu.dma_semaphore, #tpu.memory_space<semaphore_mem>>)
    %slice3A_487 = vector.extract_strided_slice %get3A_339 {offsets = [7], sizes = [1], strides = [1]} : vector<16xi32> to vector<1xi32>
    %squeeze3A_488 = vector.extract %slice3A_487[0] : i32 from vector<1xi32>
    %and3A_489 = arith.constant 7 : i32
    %and3A_490 = arith.andi %squeeze3A_488, %and3A_489 : i32
    %sub3A_491 = arith.subi %squeeze3A_488, %and3A_490 : i32
    %multiple_of3A_492 = tpu.assume_multiple %sub3A_491, 8 : i32
    %and3A_493 = arith.constant 23 : i32
    %and3A_494 = arith.constant 31 : i32
    %and3A_495 = arith.andi %and3A_493, %and3A_494 : i32
    %dma_start3A_496 = arith.constant 0 : i32
    %dma_start3A_497 = arith.constant 0 : i32
    %dma_start3A_498 = tpu.memref_slice %arg7[%and3A_495, %dma_start3A_496, %dma_start3A_497] : memref<32x8x65xf32, #tpu.memory_space<vmem>> -> memref<1x8x65xf32, #tpu.memory_space<vmem>>
    %dma_start3A_499 = tpu.memref_squeeze %dma_start3A_498 : memref<1x8x65xf32, #tpu.memory_space<vmem>> -> memref<8x65xf32, #tpu.memory_space<vmem>>
    %dma_start3A_500 = arith.constant 0 : i32
    %dma_start3A_501 = tpu.memref_slice %arg3[%multiple_of3A_492, %dma_start3A_500] : memref<100000x65xf32, #tpu.memory_space<hbm>> -> memref<8x65xf32, #tpu.memory_space<hbm>>
    %dma_start3A_502 = arith.constant 0 : i32
    %dma_start3A_503 = arith.constant 0 : i32
    %dma_start3A_504 = tpu.memref_slice %arg7[%and3A_495, %dma_start3A_502, %dma_start3A_503] : memref<32x8x65xf32, #tpu.memory_space<vmem>> -> memref<1x8x65xf32, #tpu.memory_space<vmem>>
    %dma_start3A_505 = tpu.memref_squeeze %dma_start3A_504 : memref<1x8x65xf32, #tpu.memory_space<vmem>> -> memref<8x65xf32, #tpu.memory_space<vmem>>
    %dma_start3A_506 = arith.constant 0 : i32
    %dma_start3A_507 = tpu.memref_slice %arg3[%multiple_of3A_492, %dma_start3A_506] : memref<100000x65xf32, #tpu.memory_space<hbm>> -> memref<8x65xf32, #tpu.memory_space<hbm>>
    tpu.enqueue_dma source(%dma_start3A_507 : memref<8x65xf32, #tpu.memory_space<hbm>>) target(%dma_start3A_505 : memref<8x65xf32, #tpu.memory_space<vmem>>) target_semaphore(%arg11 : memref<!tpu.dma_semaphore, #tpu.memory_space<semaphore_mem>>)
    %slice3A_508 = vector.extract_strided_slice %get3A_339 {offsets = [8], sizes = [1], strides = [1]} : vector<16xi32> to vector<1xi32>
    %squeeze3A_509 = vector.extract %slice3A_508[0] : i32 from vector<1xi32>
    %and3A_510 = arith.constant 7 : i32
    %and3A_511 = arith.andi %squeeze3A_509, %and3A_510 : i32
    %sub3A_512 = arith.subi %squeeze3A_509, %and3A_511 : i32
    %multiple_of3A_513 = tpu.assume_multiple %sub3A_512, 8 : i32
    %and3A_514 = arith.constant 24 : i32
    %and3A_515 = arith.constant 31 : i32
    %and3A_516 = arith.andi %and3A_514, %and3A_515 : i32
    %dma_start3A_517 = arith.constant 0 : i32
    %dma_start3A_518 = arith.constant 0 : i32
    %dma_start3A_519 = tpu.memref_slice %arg7[%and3A_516, %dma_start3A_517, %dma_start3A_518] : memref<32x8x65xf32, #tpu.memory_space<vmem>> -> memref<1x8x65xf32, #tpu.memory_space<vmem>>
    %dma_start3A_520 = tpu.memref_squeeze %dma_start3A_519 : memref<1x8x65xf32, #tpu.memory_space<vmem>> -> memref<8x65xf32, #tpu.memory_space<vmem>>
    %dma_start3A_521 = arith.constant 0 : i32
    %dma_start3A_522 = tpu.memref_slice %arg3[%multiple_of3A_513, %dma_start3A_521] : memref<100000x65xf32, #tpu.memory_space<hbm>> -> memref<8x65xf32, #tpu.memory_space<hbm>>
    %dma_start3A_523 = arith.constant 0 : i32
    %dma_start3A_524 = arith.constant 0 : i32
    %dma_start3A_525 = tpu.memref_slice %arg7[%and3A_516, %dma_start3A_523, %dma_start3A_524] : memref<32x8x65xf32, #tpu.memory_space<vmem>> -> memref<1x8x65xf32, #tpu.memory_space<vmem>>
    %dma_start3A_526 = tpu.memref_squeeze %dma_start3A_525 : memref<1x8x65xf32, #tpu.memory_space<vmem>> -> memref<8x65xf32, #tpu.memory_space<vmem>>
    %dma_start3A_527 = arith.constant 0 : i32
    %dma_start3A_528 = tpu.memref_slice %arg3[%multiple_of3A_513, %dma_start3A_527] : memref<100000x65xf32, #tpu.memory_space<hbm>> -> memref<8x65xf32, #tpu.memory_space<hbm>>
    tpu.enqueue_dma source(%dma_start3A_528 : memref<8x65xf32, #tpu.memory_space<hbm>>) target(%dma_start3A_526 : memref<8x65xf32, #tpu.memory_space<vmem>>) target_semaphore(%arg11 : memref<!tpu.dma_semaphore, #tpu.memory_space<semaphore_mem>>)
    %slice3A_529 = vector.extract_strided_slice %get3A_339 {offsets = [9], sizes = [1], strides = [1]} : vector<16xi32> to vector<1xi32>
    %squeeze3A_530 = vector.extract %slice3A_529[0] : i32 from vector<1xi32>
    %and3A_531 = arith.constant 7 : i32
    %and3A_532 = arith.andi %squeeze3A_530, %and3A_531 : i32
    %sub3A_533 = arith.subi %squeeze3A_530, %and3A_532 : i32
    %multiple_of3A_534 = tpu.assume_multiple %sub3A_533, 8 : i32
    %and3A_535 = arith.constant 25 : i32
    %and3A_536 = arith.constant 31 : i32
    %and3A_537 = arith.andi %and3A_535, %and3A_536 : i32
    %dma_start3A_538 = arith.constant 0 : i32
    %dma_start3A_539 = arith.constant 0 : i32
    %dma_start3A_540 = tpu.memref_slice %arg7[%and3A_537, %dma_start3A_538, %dma_start3A_539] : memref<32x8x65xf32, #tpu.memory_space<vmem>> -> memref<1x8x65xf32, #tpu.memory_space<vmem>>
    %dma_start3A_541 = tpu.memref_squeeze %dma_start3A_540 : memref<1x8x65xf32, #tpu.memory_space<vmem>> -> memref<8x65xf32, #tpu.memory_space<vmem>>
    %dma_start3A_542 = arith.constant 0 : i32
    %dma_start3A_543 = tpu.memref_slice %arg3[%multiple_of3A_534, %dma_start3A_542] : memref<100000x65xf32, #tpu.memory_space<hbm>> -> memref<8x65xf32, #tpu.memory_space<hbm>>
    %dma_start3A_544 = arith.constant 0 : i32
    %dma_start3A_545 = arith.constant 0 : i32
    %dma_start3A_546 = tpu.memref_slice %arg7[%and3A_537, %dma_start3A_544, %dma_start3A_545] : memref<32x8x65xf32, #tpu.memory_space<vmem>> -> memref<1x8x65xf32, #tpu.memory_space<vmem>>
    %dma_start3A_547 = tpu.memref_squeeze %dma_start3A_546 : memref<1x8x65xf32, #tpu.memory_space<vmem>> -> memref<8x65xf32, #tpu.memory_space<vmem>>
    %dma_start3A_548 = arith.constant 0 : i32
    %dma_start3A_549 = tpu.memref_slice %arg3[%multiple_of3A_534, %dma_start3A_548] : memref<100000x65xf32, #tpu.memory_space<hbm>> -> memref<8x65xf32, #tpu.memory_space<hbm>>
    tpu.enqueue_dma source(%dma_start3A_549 : memref<8x65xf32, #tpu.memory_space<hbm>>) target(%dma_start3A_547 : memref<8x65xf32, #tpu.memory_space<vmem>>) target_semaphore(%arg11 : memref<!tpu.dma_semaphore, #tpu.memory_space<semaphore_mem>>)
    %slice3A_550 = vector.extract_strided_slice %get3A_339 {offsets = [10], sizes = [1], strides = [1]} : vector<16xi32> to vector<1xi32>
    %squeeze3A_551 = vector.extract %slice3A_550[0] : i32 from vector<1xi32>
    %and3A_552 = arith.constant 7 : i32
    %and3A_553 = arith.andi %squeeze3A_551, %and3A_552 : i32
    %sub3A_554 = arith.subi %squeeze3A_551, %and3A_553 : i32
    %multiple_of3A_555 = tpu.assume_multiple %sub3A_554, 8 : i32
    %and3A_556 = arith.constant 26 : i32
    %and3A_557 = arith.constant 31 : i32
    %and3A_558 = arith.andi %and3A_556, %and3A_557 : i32
    %dma_start3A_559 = arith.constant 0 : i32
    %dma_start3A_560 = arith.constant 0 : i32
    %dma_start3A_561 = tpu.memref_slice %arg7[%and3A_558, %dma_start3A_559, %dma_start3A_560] : memref<32x8x65xf32, #tpu.memory_space<vmem>> -> memref<1x8x65xf32, #tpu.memory_space<vmem>>
    %dma_start3A_562 = tpu.memref_squeeze %dma_start3A_561 : memref<1x8x65xf32, #tpu.memory_space<vmem>> -> memref<8x65xf32, #tpu.memory_space<vmem>>
    %dma_start3A_563 = arith.constant 0 : i32
    %dma_start3A_564 = tpu.memref_slice %arg3[%multiple_of3A_555, %dma_start3A_563] : memref<100000x65xf32, #tpu.memory_space<hbm>> -> memref<8x65xf32, #tpu.memory_space<hbm>>
    %dma_start3A_565 = arith.constant 0 : i32
    %dma_start3A_566 = arith.constant 0 : i32
    %dma_start3A_567 = tpu.memref_slice %arg7[%and3A_558, %dma_start3A_565, %dma_start3A_566] : memref<32x8x65xf32, #tpu.memory_space<vmem>> -> memref<1x8x65xf32, #tpu.memory_space<vmem>>
    %dma_start3A_568 = tpu.memref_squeeze %dma_start3A_567 : memref<1x8x65xf32, #tpu.memory_space<vmem>> -> memref<8x65xf32, #tpu.memory_space<vmem>>
    %dma_start3A_569 = arith.constant 0 : i32
    %dma_start3A_570 = tpu.memref_slice %arg3[%multiple_of3A_555, %dma_start3A_569] : memref<100000x65xf32, #tpu.memory_space<hbm>> -> memref<8x65xf32, #tpu.memory_space<hbm>>
    tpu.enqueue_dma source(%dma_start3A_570 : memref<8x65xf32, #tpu.memory_space<hbm>>) target(%dma_start3A_568 : memref<8x65xf32, #tpu.memory_space<vmem>>) target_semaphore(%arg11 : memref<!tpu.dma_semaphore, #tpu.memory_space<semaphore_mem>>)
    %slice3A_571 = vector.extract_strided_slice %get3A_339 {offsets = [11], sizes = [1], strides = [1]} : vector<16xi32> to vector<1xi32>
    %squeeze3A_572 = vector.extract %slice3A_571[0] : i32 from vector<1xi32>
    %and3A_573 = arith.constant 7 : i32
    %and3A_574 = arith.andi %squeeze3A_572, %and3A_573 : i32
    %sub3A_575 = arith.subi %squeeze3A_572, %and3A_574 : i32
    %multiple_of3A_576 = tpu.assume_multiple %sub3A_575, 8 : i32
    %and3A_577 = arith.constant 27 : i32
    %and3A_578 = arith.constant 31 : i32
    %and3A_579 = arith.andi %and3A_577, %and3A_578 : i32
    %dma_start3A_580 = arith.constant 0 : i32
    %dma_start3A_581 = arith.constant 0 : i32
    %dma_start3A_582 = tpu.memref_slice %arg7[%and3A_579, %dma_start3A_580, %dma_start3A_581] : memref<32x8x65xf32, #tpu.memory_space<vmem>> -> memref<1x8x65xf32, #tpu.memory_space<vmem>>
    %dma_start3A_583 = tpu.memref_squeeze %dma_start3A_582 : memref<1x8x65xf32, #tpu.memory_space<vmem>> -> memref<8x65xf32, #tpu.memory_space<vmem>>
    %dma_start3A_584 = arith.constant 0 : i32
    %dma_start3A_585 = tpu.memref_slice %arg3[%multiple_of3A_576, %dma_start3A_584] : memref<100000x65xf32, #tpu.memory_space<hbm>> -> memref<8x65xf32, #tpu.memory_space<hbm>>
    %dma_start3A_586 = arith.constant 0 : i32
    %dma_start3A_587 = arith.constant 0 : i32
    %dma_start3A_588 = tpu.memref_slice %arg7[%and3A_579, %dma_start3A_586, %dma_start3A_587] : memref<32x8x65xf32, #tpu.memory_space<vmem>> -> memref<1x8x65xf32, #tpu.memory_space<vmem>>
    %dma_start3A_589 = tpu.memref_squeeze %dma_start3A_588 : memref<1x8x65xf32, #tpu.memory_space<vmem>> -> memref<8x65xf32, #tpu.memory_space<vmem>>
    %dma_start3A_590 = arith.constant 0 : i32
    %dma_start3A_591 = tpu.memref_slice %arg3[%multiple_of3A_576, %dma_start3A_590] : memref<100000x65xf32, #tpu.memory_space<hbm>> -> memref<8x65xf32, #tpu.memory_space<hbm>>
    tpu.enqueue_dma source(%dma_start3A_591 : memref<8x65xf32, #tpu.memory_space<hbm>>) target(%dma_start3A_589 : memref<8x65xf32, #tpu.memory_space<vmem>>) target_semaphore(%arg11 : memref<!tpu.dma_semaphore, #tpu.memory_space<semaphore_mem>>)
    %slice3A_592 = vector.extract_strided_slice %get3A_339 {offsets = [12], sizes = [1], strides = [1]} : vector<16xi32> to vector<1xi32>
    %squeeze3A_593 = vector.extract %slice3A_592[0] : i32 from vector<1xi32>
    %and3A_594 = arith.constant 7 : i32
    %and3A_595 = arith.andi %squeeze3A_593, %and3A_594 : i32
    %sub3A_596 = arith.subi %squeeze3A_593, %and3A_595 : i32
    %multiple_of3A_597 = tpu.assume_multiple %sub3A_596, 8 : i32
    %and3A_598 = arith.constant 28 : i32
    %and3A_599 = arith.constant 31 : i32
    %and3A_600 = arith.andi %and3A_598, %and3A_599 : i32
    %dma_start3A_601 = arith.constant 0 : i32
    %dma_start3A_602 = arith.constant 0 : i32
    %dma_start3A_603 = tpu.memref_slice %arg7[%and3A_600, %dma_start3A_601, %dma_start3A_602] : memref<32x8x65xf32, #tpu.memory_space<vmem>> -> memref<1x8x65xf32, #tpu.memory_space<vmem>>
    %dma_start3A_604 = tpu.memref_squeeze %dma_start3A_603 : memref<1x8x65xf32, #tpu.memory_space<vmem>> -> memref<8x65xf32, #tpu.memory_space<vmem>>
    %dma_start3A_605 = arith.constant 0 : i32
    %dma_start3A_606 = tpu.memref_slice %arg3[%multiple_of3A_597, %dma_start3A_605] : memref<100000x65xf32, #tpu.memory_space<hbm>> -> memref<8x65xf32, #tpu.memory_space<hbm>>
    %dma_start3A_607 = arith.constant 0 : i32
    %dma_start3A_608 = arith.constant 0 : i32
    %dma_start3A_609 = tpu.memref_slice %arg7[%and3A_600, %dma_start3A_607, %dma_start3A_608] : memref<32x8x65xf32, #tpu.memory_space<vmem>> -> memref<1x8x65xf32, #tpu.memory_space<vmem>>
    %dma_start3A_610 = tpu.memref_squeeze %dma_start3A_609 : memref<1x8x65xf32, #tpu.memory_space<vmem>> -> memref<8x65xf32, #tpu.memory_space<vmem>>
    %dma_start3A_611 = arith.constant 0 : i32
    %dma_start3A_612 = tpu.memref_slice %arg3[%multiple_of3A_597, %dma_start3A_611] : memref<100000x65xf32, #tpu.memory_space<hbm>> -> memref<8x65xf32, #tpu.memory_space<hbm>>
    tpu.enqueue_dma source(%dma_start3A_612 : memref<8x65xf32, #tpu.memory_space<hbm>>) target(%dma_start3A_610 : memref<8x65xf32, #tpu.memory_space<vmem>>) target_semaphore(%arg11 : memref<!tpu.dma_semaphore, #tpu.memory_space<semaphore_mem>>)
    %slice3A_613 = vector.extract_strided_slice %get3A_339 {offsets = [13], sizes = [1], strides = [1]} : vector<16xi32> to vector<1xi32>
    %squeeze3A_614 = vector.extract %slice3A_613[0] : i32 from vector<1xi32>
    %and3A_615 = arith.constant 7 : i32
    %and3A_616 = arith.andi %squeeze3A_614, %and3A_615 : i32
    %sub3A_617 = arith.subi %squeeze3A_614, %and3A_616 : i32
    %multiple_of3A_618 = tpu.assume_multiple %sub3A_617, 8 : i32
    %and3A_619 = arith.constant 29 : i32
    %and3A_620 = arith.constant 31 : i32
    %and3A_621 = arith.andi %and3A_619, %and3A_620 : i32
    %dma_start3A_622 = arith.constant 0 : i32
    %dma_start3A_623 = arith.constant 0 : i32
    %dma_start3A_624 = tpu.memref_slice %arg7[%and3A_621, %dma_start3A_622, %dma_start3A_623] : memref<32x8x65xf32, #tpu.memory_space<vmem>> -> memref<1x8x65xf32, #tpu.memory_space<vmem>>
    %dma_start3A_625 = tpu.memref_squeeze %dma_start3A_624 : memref<1x8x65xf32, #tpu.memory_space<vmem>> -> memref<8x65xf32, #tpu.memory_space<vmem>>
    %dma_start3A_626 = arith.constant 0 : i32
    %dma_start3A_627 = tpu.memref_slice %arg3[%multiple_of3A_618, %dma_start3A_626] : memref<100000x65xf32, #tpu.memory_space<hbm>> -> memref<8x65xf32, #tpu.memory_space<hbm>>
    %dma_start3A_628 = arith.constant 0 : i32
    %dma_start3A_629 = arith.constant 0 : i32
    %dma_start3A_630 = tpu.memref_slice %arg7[%and3A_621, %dma_start3A_628, %dma_start3A_629] : memref<32x8x65xf32, #tpu.memory_space<vmem>> -> memref<1x8x65xf32, #tpu.memory_space<vmem>>
    %dma_start3A_631 = tpu.memref_squeeze %dma_start3A_630 : memref<1x8x65xf32, #tpu.memory_space<vmem>> -> memref<8x65xf32, #tpu.memory_space<vmem>>
    %dma_start3A_632 = arith.constant 0 : i32
    %dma_start3A_633 = tpu.memref_slice %arg3[%multiple_of3A_618, %dma_start3A_632] : memref<100000x65xf32, #tpu.memory_space<hbm>> -> memref<8x65xf32, #tpu.memory_space<hbm>>
    tpu.enqueue_dma source(%dma_start3A_633 : memref<8x65xf32, #tpu.memory_space<hbm>>) target(%dma_start3A_631 : memref<8x65xf32, #tpu.memory_space<vmem>>) target_semaphore(%arg11 : memref<!tpu.dma_semaphore, #tpu.memory_space<semaphore_mem>>)
    %slice3A_634 = vector.extract_strided_slice %get3A_339 {offsets = [14], sizes = [1], strides = [1]} : vector<16xi32> to vector<1xi32>
    %squeeze3A_635 = vector.extract %slice3A_634[0] : i32 from vector<1xi32>
    %and3A_636 = arith.constant 7 : i32
    %and3A_637 = arith.andi %squeeze3A_635, %and3A_636 : i32
    %sub3A_638 = arith.subi %squeeze3A_635, %and3A_637 : i32
    %multiple_of3A_639 = tpu.assume_multiple %sub3A_638, 8 : i32
    %and3A_640 = arith.constant 30 : i32
    %and3A_641 = arith.constant 31 : i32
    %and3A_642 = arith.andi %and3A_640, %and3A_641 : i32
    %dma_start3A_643 = arith.constant 0 : i32
    %dma_start3A_644 = arith.constant 0 : i32
    %dma_start3A_645 = tpu.memref_slice %arg7[%and3A_642, %dma_start3A_643, %dma_start3A_644] : memref<32x8x65xf32, #tpu.memory_space<vmem>> -> memref<1x8x65xf32, #tpu.memory_space<vmem>>
    %dma_start3A_646 = tpu.memref_squeeze %dma_start3A_645 : memref<1x8x65xf32, #tpu.memory_space<vmem>> -> memref<8x65xf32, #tpu.memory_space<vmem>>
    %dma_start3A_647 = arith.constant 0 : i32
    %dma_start3A_648 = tpu.memref_slice %arg3[%multiple_of3A_639, %dma_start3A_647] : memref<100000x65xf32, #tpu.memory_space<hbm>> -> memref<8x65xf32, #tpu.memory_space<hbm>>
    %dma_start3A_649 = arith.constant 0 : i32
    %dma_start3A_650 = arith.constant 0 : i32
    %dma_start3A_651 = tpu.memref_slice %arg7[%and3A_642, %dma_start3A_649, %dma_start3A_650] : memref<32x8x65xf32, #tpu.memory_space<vmem>> -> memref<1x8x65xf32, #tpu.memory_space<vmem>>
    %dma_start3A_652 = tpu.memref_squeeze %dma_start3A_651 : memref<1x8x65xf32, #tpu.memory_space<vmem>> -> memref<8x65xf32, #tpu.memory_space<vmem>>
    %dma_start3A_653 = arith.constant 0 : i32
    %dma_start3A_654 = tpu.memref_slice %arg3[%multiple_of3A_639, %dma_start3A_653] : memref<100000x65xf32, #tpu.memory_space<hbm>> -> memref<8x65xf32, #tpu.memory_space<hbm>>
    tpu.enqueue_dma source(%dma_start3A_654 : memref<8x65xf32, #tpu.memory_space<hbm>>) target(%dma_start3A_652 : memref<8x65xf32, #tpu.memory_space<vmem>>) target_semaphore(%arg11 : memref<!tpu.dma_semaphore, #tpu.memory_space<semaphore_mem>>)
    %slice3A_655 = vector.extract_strided_slice %get3A_339 {offsets = [15], sizes = [1], strides = [1]} : vector<16xi32> to vector<1xi32>
    %squeeze3A_656 = vector.extract %slice3A_655[0] : i32 from vector<1xi32>
    %and3A_657 = arith.constant 7 : i32
    %and3A_658 = arith.andi %squeeze3A_656, %and3A_657 : i32
    %sub3A_659 = arith.subi %squeeze3A_656, %and3A_658 : i32
    %multiple_of3A_660 = tpu.assume_multiple %sub3A_659, 8 : i32
    %and3A_661 = arith.constant 31 : i32
    %and3A_662 = arith.constant 31 : i32
    %and3A_663 = arith.andi %and3A_661, %and3A_662 : i32
    %dma_start3A_664 = arith.constant 0 : i32
    %dma_start3A_665 = arith.constant 0 : i32
    %dma_start3A_666 = tpu.memref_slice %arg7[%and3A_663, %dma_start3A_664, %dma_start3A_665] : memref<32x8x65xf32, #tpu.memory_space<vmem>> -> memref<1x8x65xf32, #tpu.memory_space<vmem>>
    %dma_start3A_667 = tpu.memref_squeeze %dma_start3A_666 : memref<1x8x65xf32, #tpu.memory_space<vmem>> -> memref<8x65xf32, #tpu.memory_space<vmem>>
    %dma_start3A_668 = arith.constant 0 : i32
    %dma_start3A_669 = tpu.memref_slice %arg3[%multiple_of3A_660, %dma_start3A_668] : memref<100000x65xf32, #tpu.memory_space<hbm>> -> memref<8x65xf32, #tpu.memory_space<hbm>>
    %dma_start3A_670 = arith.constant 0 : i32
    %dma_start3A_671 = arith.constant 0 : i32
    %dma_start3A_672 = tpu.memref_slice %arg7[%and3A_663, %dma_start3A_670, %dma_start3A_671] : memref<32x8x65xf32, #tpu.memory_space<vmem>> -> memref<1x8x65xf32, #tpu.memory_space<vmem>>
    %dma_start3A_673 = tpu.memref_squeeze %dma_start3A_672 : memref<1x8x65xf32, #tpu.memory_space<vmem>> -> memref<8x65xf32, #tpu.memory_space<vmem>>
    %dma_start3A_674 = arith.constant 0 : i32
    %dma_start3A_675 = tpu.memref_slice %arg3[%multiple_of3A_660, %dma_start3A_674] : memref<100000x65xf32, #tpu.memory_space<hbm>> -> memref<8x65xf32, #tpu.memory_space<hbm>>
    tpu.enqueue_dma source(%dma_start3A_675 : memref<8x65xf32, #tpu.memory_space<hbm>>) target(%dma_start3A_673 : memref<8x65xf32, #tpu.memory_space<vmem>>) target_semaphore(%arg11 : memref<!tpu.dma_semaphore, #tpu.memory_space<semaphore_mem>>)
    %dma_wait3A = arith.constant 0 : i32
    %dma_wait3A_676 = tpu.memref_slice %arg4[%mul3A_2, %dma_wait3A] : memref<16384x64xf32, #tpu.memory_space<hbm>> -> memref<512x64xf32, #tpu.memory_space<hbm>>
    %dma_wait3A_677 = arith.constant 0 : i32
    %dma_wait3A_678 = tpu.memref_slice %arg4[%mul3A_2, %dma_wait3A_677] : memref<16384x64xf32, #tpu.memory_space<hbm>> -> memref<512x64xf32, #tpu.memory_space<hbm>>
    tpu.wait_dma2 semaphore(%arg12 : memref<!tpu.dma_semaphore, #tpu.memory_space<semaphore_mem>>) src(%dma_wait3A_678 : memref<512x64xf32, #tpu.memory_space<hbm>>) dst(%arg8 : memref<512x64xf32, #tpu.memory_space<vmem>>)
    %iota3A = tpu.iota {dimensions = array<i32: 0>} : vector<16xi32>
    %scan3A = arith.constant 0 : i32
    %scan3A_679 = arith.constant 0 : i32
    %scan3A_680 = arith.constant 32 : i32
    %scan3A_681 = arith.addi %scan3A_679, %scan3A_680 : i32
    %scan3A_682 = arith.constant 1 : i32
    %scan3A_683 = scf.for %scan3A_685 = %scan3A_679 to %scan3A_681 step %scan3A_682 iter_args(%scan3A_686 = %scan3A) -> (i32)  : i32 {
      %dma_wait3A_687 = arith.constant 0 : i32
      %dma_wait3A_688 = arith.constant 0 : i32
      %dma_wait3A_689 = arith.constant 0 : i32
      %dma_wait3A_690 = tpu.memref_slice %arg7[%dma_wait3A_687, %dma_wait3A_688, %dma_wait3A_689] : memref<32x8x65xf32, #tpu.memory_space<vmem>> -> memref<1x8x65xf32, #tpu.memory_space<vmem>>
      %dma_wait3A_691 = tpu.memref_squeeze %dma_wait3A_690 : memref<1x8x65xf32, #tpu.memory_space<vmem>> -> memref<8x65xf32, #tpu.memory_space<vmem>>
      %dma_wait3A_692 = arith.constant 0 : i32
      %dma_wait3A_693 = arith.constant 0 : i32
      %dma_wait3A_694 = tpu.memref_slice %arg3[%dma_wait3A_692, %dma_wait3A_693] : memref<100000x65xf32, #tpu.memory_space<hbm>> -> memref<8x65xf32, #tpu.memory_space<hbm>>
      %dma_wait3A_695 = arith.constant 0 : i32
      %dma_wait3A_696 = arith.constant 0 : i32
      %dma_wait3A_697 = tpu.memref_slice %arg7[%dma_wait3A_687, %dma_wait3A_695, %dma_wait3A_696] : memref<32x8x65xf32, #tpu.memory_space<vmem>> -> memref<1x8x65xf32, #tpu.memory_space<vmem>>
      %dma_wait3A_698 = tpu.memref_squeeze %dma_wait3A_697 : memref<1x8x65xf32, #tpu.memory_space<vmem>> -> memref<8x65xf32, #tpu.memory_space<vmem>>
      %dma_wait3A_699 = arith.constant 0 : i32
      %dma_wait3A_700 = arith.constant 0 : i32
      %dma_wait3A_701 = tpu.memref_slice %arg3[%dma_wait3A_699, %dma_wait3A_700] : memref<100000x65xf32, #tpu.memory_space<hbm>> -> memref<8x65xf32, #tpu.memory_space<hbm>>
      tpu.wait_dma2 semaphore(%arg11 : memref<!tpu.dma_semaphore, #tpu.memory_space<semaphore_mem>>) src(%dma_wait3A_701 : memref<8x65xf32, #tpu.memory_space<hbm>>) dst(%dma_wait3A_698 : memref<8x65xf32, #tpu.memory_space<vmem>>)
      %dma_wait3A_702 = arith.constant 0 : i32
      %dma_wait3A_703 = arith.constant 0 : i32
      %dma_wait3A_704 = arith.constant 0 : i32
      %dma_wait3A_705 = tpu.memref_slice %arg7[%dma_wait3A_702, %dma_wait3A_703, %dma_wait3A_704] : memref<32x8x65xf32, #tpu.memory_space<vmem>> -> memref<1x8x65xf32, #tpu.memory_space<vmem>>
      %dma_wait3A_706 = tpu.memref_squeeze %dma_wait3A_705 : memref<1x8x65xf32, #tpu.memory_space<vmem>> -> memref<8x65xf32, #tpu.memory_space<vmem>>
      %dma_wait3A_707 = arith.constant 0 : i32
      %dma_wait3A_708 = arith.constant 0 : i32
      %dma_wait3A_709 = tpu.memref_slice %arg3[%dma_wait3A_707, %dma_wait3A_708] : memref<100000x65xf32, #tpu.memory_space<hbm>> -> memref<8x65xf32, #tpu.memory_space<hbm>>
      %dma_wait3A_710 = arith.constant 0 : i32
      %dma_wait3A_711 = arith.constant 0 : i32
      %dma_wait3A_712 = tpu.memref_slice %arg7[%dma_wait3A_702, %dma_wait3A_710, %dma_wait3A_711] : memref<32x8x65xf32, #tpu.memory_space<vmem>> -> memref<1x8x65xf32, #tpu.memory_space<vmem>>
      %dma_wait3A_713 = tpu.memref_squeeze %dma_wait3A_712 : memref<1x8x65xf32, #tpu.memory_space<vmem>> -> memref<8x65xf32, #tpu.memory_space<vmem>>
      %dma_wait3A_714 = arith.constant 0 : i32
      %dma_wait3A_715 = arith.constant 0 : i32
      %dma_wait3A_716 = tpu.memref_slice %arg3[%dma_wait3A_714, %dma_wait3A_715] : memref<100000x65xf32, #tpu.memory_space<hbm>> -> memref<8x65xf32, #tpu.memory_space<hbm>>
      tpu.wait_dma2 semaphore(%arg11 : memref<!tpu.dma_semaphore, #tpu.memory_space<semaphore_mem>>) src(%dma_wait3A_716 : memref<8x65xf32, #tpu.memory_space<hbm>>) dst(%dma_wait3A_713 : memref<8x65xf32, #tpu.memory_space<vmem>>)
      %dma_wait3A_717 = arith.constant 0 : i32
      %dma_wait3A_718 = arith.constant 0 : i32
      %dma_wait3A_719 = arith.constant 0 : i32
      %dma_wait3A_720 = tpu.memref_slice %arg7[%dma_wait3A_717, %dma_wait3A_718, %dma_wait3A_719] : memref<32x8x65xf32, #tpu.memory_space<vmem>> -> memref<1x8x65xf32, #tpu.memory_space<vmem>>
      %dma_wait3A_721 = tpu.memref_squeeze %dma_wait3A_720 : memref<1x8x65xf32, #tpu.memory_space<vmem>> -> memref<8x65xf32, #tpu.memory_space<vmem>>
      %dma_wait3A_722 = arith.constant 0 : i32
      %dma_wait3A_723 = arith.constant 0 : i32
      %dma_wait3A_724 = tpu.memref_slice %arg3[%dma_wait3A_722, %dma_wait3A_723] : memref<100000x65xf32, #tpu.memory_space<hbm>> -> memref<8x65xf32, #tpu.memory_space<hbm>>
      %dma_wait3A_725 = arith.constant 0 : i32
      %dma_wait3A_726 = arith.constant 0 : i32
      %dma_wait3A_727 = tpu.memref_slice %arg7[%dma_wait3A_717, %dma_wait3A_725, %dma_wait3A_726] : memref<32x8x65xf32, #tpu.memory_space<vmem>> -> memref<1x8x65xf32, #tpu.memory_space<vmem>>
      %dma_wait3A_728 = tpu.memref_squeeze %dma_wait3A_727 : memref<1x8x65xf32, #tpu.memory_space<vmem>> -> memref<8x65xf32, #tpu.memory_space<vmem>>
      %dma_wait3A_729 = arith.constant 0 : i32
      %dma_wait3A_730 = arith.constant 0 : i32
      %dma_wait3A_731 = tpu.memref_slice %arg3[%dma_wait3A_729, %dma_wait3A_730] : memref<100000x65xf32, #tpu.memory_space<hbm>> -> memref<8x65xf32, #tpu.memory_space<hbm>>
      tpu.wait_dma2 semaphore(%arg11 : memref<!tpu.dma_semaphore, #tpu.memory_space<semaphore_mem>>) src(%dma_wait3A_731 : memref<8x65xf32, #tpu.memory_space<hbm>>) dst(%dma_wait3A_728 : memref<8x65xf32, #tpu.memory_space<vmem>>)
      %dma_wait3A_732 = arith.constant 0 : i32
      %dma_wait3A_733 = arith.constant 0 : i32
      %dma_wait3A_734 = arith.constant 0 : i32
      %dma_wait3A_735 = tpu.memref_slice %arg7[%dma_wait3A_732, %dma_wait3A_733, %dma_wait3A_734] : memref<32x8x65xf32, #tpu.memory_space<vmem>> -> memref<1x8x65xf32, #tpu.memory_space<vmem>>
      %dma_wait3A_736 = tpu.memref_squeeze %dma_wait3A_735 : memref<1x8x65xf32, #tpu.memory_space<vmem>> -> memref<8x65xf32, #tpu.memory_space<vmem>>
      %dma_wait3A_737 = arith.constant 0 : i32
      %dma_wait3A_738 = arith.constant 0 : i32
      %dma_wait3A_739 = tpu.memref_slice %arg3[%dma_wait3A_737, %dma_wait3A_738] : memref<100000x65xf32, #tpu.memory_space<hbm>> -> memref<8x65xf32, #tpu.memory_space<hbm>>
      %dma_wait3A_740 = arith.constant 0 : i32
      %dma_wait3A_741 = arith.constant 0 : i32
      %dma_wait3A_742 = tpu.memref_slice %arg7[%dma_wait3A_732, %dma_wait3A_740, %dma_wait3A_741] : memref<32x8x65xf32, #tpu.memory_space<vmem>> -> memref<1x8x65xf32, #tpu.memory_space<vmem>>
      %dma_wait3A_743 = tpu.memref_squeeze %dma_wait3A_742 : memref<1x8x65xf32, #tpu.memory_space<vmem>> -> memref<8x65xf32, #tpu.memory_space<vmem>>
      %dma_wait3A_744 = arith.constant 0 : i32
      %dma_wait3A_745 = arith.constant 0 : i32
      %dma_wait3A_746 = tpu.memref_slice %arg3[%dma_wait3A_744, %dma_wait3A_745] : memref<100000x65xf32, #tpu.memory_space<hbm>> -> memref<8x65xf32, #tpu.memory_space<hbm>>
      tpu.wait_dma2 semaphore(%arg11 : memref<!tpu.dma_semaphore, #tpu.memory_space<semaphore_mem>>) src(%dma_wait3A_746 : memref<8x65xf32, #tpu.memory_space<hbm>>) dst(%dma_wait3A_743 : memref<8x65xf32, #tpu.memory_space<vmem>>)
      %dma_wait3A_747 = arith.constant 0 : i32
      %dma_wait3A_748 = arith.constant 0 : i32
      %dma_wait3A_749 = arith.constant 0 : i32
      %dma_wait3A_750 = tpu.memref_slice %arg7[%dma_wait3A_747, %dma_wait3A_748, %dma_wait3A_749] : memref<32x8x65xf32, #tpu.memory_space<vmem>> -> memref<1x8x65xf32, #tpu.memory_space<vmem>>
      %dma_wait3A_751 = tpu.memref_squeeze %dma_wait3A_750 : memref<1x8x65xf32, #tpu.memory_space<vmem>> -> memref<8x65xf32, #tpu.memory_space<vmem>>
      %dma_wait3A_752 = arith.constant 0 : i32
      %dma_wait3A_753 = arith.constant 0 : i32
      %dma_wait3A_754 = tpu.memref_slice %arg3[%dma_wait3A_752, %dma_wait3A_753] : memref<100000x65xf32, #tpu.memory_space<hbm>> -> memref<8x65xf32, #tpu.memory_space<hbm>>
      %dma_wait3A_755 = arith.constant 0 : i32
      %dma_wait3A_756 = arith.constant 0 : i32
      %dma_wait3A_757 = tpu.memref_slice %arg7[%dma_wait3A_747, %dma_wait3A_755, %dma_wait3A_756] : memref<32x8x65xf32, #tpu.memory_space<vmem>> -> memref<1x8x65xf32, #tpu.memory_space<vmem>>
      %dma_wait3A_758 = tpu.memref_squeeze %dma_wait3A_757 : memref<1x8x65xf32, #tpu.memory_space<vmem>> -> memref<8x65xf32, #tpu.memory_space<vmem>>
      %dma_wait3A_759 = arith.constant 0 : i32
      %dma_wait3A_760 = arith.constant 0 : i32
      %dma_wait3A_761 = tpu.memref_slice %arg3[%dma_wait3A_759, %dma_wait3A_760] : memref<100000x65xf32, #tpu.memory_space<hbm>> -> memref<8x65xf32, #tpu.memory_space<hbm>>
      tpu.wait_dma2 semaphore(%arg11 : memref<!tpu.dma_semaphore, #tpu.memory_space<semaphore_mem>>) src(%dma_wait3A_761 : memref<8x65xf32, #tpu.memory_space<hbm>>) dst(%dma_wait3A_758 : memref<8x65xf32, #tpu.memory_space<vmem>>)
      %dma_wait3A_762 = arith.constant 0 : i32
      %dma_wait3A_763 = arith.constant 0 : i32
      %dma_wait3A_764 = arith.constant 0 : i32
      %dma_wait3A_765 = tpu.memref_slice %arg7[%dma_wait3A_762, %dma_wait3A_763, %dma_wait3A_764] : memref<32x8x65xf32, #tpu.memory_space<vmem>> -> memref<1x8x65xf32, #tpu.memory_space<vmem>>
      %dma_wait3A_766 = tpu.memref_squeeze %dma_wait3A_765 : memref<1x8x65xf32, #tpu.memory_space<vmem>> -> memref<8x65xf32, #tpu.memory_space<vmem>>
      %dma_wait3A_767 = arith.constant 0 : i32
      %dma_wait3A_768 = arith.constant 0 : i32
      %dma_wait3A_769 = tpu.memref_slice %arg3[%dma_wait3A_767, %dma_wait3A_768] : memref<100000x65xf32, #tpu.memory_space<hbm>> -> memref<8x65xf32, #tpu.memory_space<hbm>>
      %dma_wait3A_770 = arith.constant 0 : i32
      %dma_wait3A_771 = arith.constant 0 : i32
      %dma_wait3A_772 = tpu.memref_slice %arg7[%dma_wait3A_762, %dma_wait3A_770, %dma_wait3A_771] : memref<32x8x65xf32, #tpu.memory_space<vmem>> -> memref<1x8x65xf32, #tpu.memory_space<vmem>>
      %dma_wait3A_773 = tpu.memref_squeeze %dma_wait3A_772 : memref<1x8x65xf32, #tpu.memory_space<vmem>> -> memref<8x65xf32, #tpu.memory_space<vmem>>
      %dma_wait3A_774 = arith.constant 0 : i32
      %dma_wait3A_775 = arith.constant 0 : i32
      %dma_wait3A_776 = tpu.memref_slice %arg3[%dma_wait3A_774, %dma_wait3A_775] : memref<100000x65xf32, #tpu.memory_space<hbm>> -> memref<8x65xf32, #tpu.memory_space<hbm>>
      tpu.wait_dma2 semaphore(%arg11 : memref<!tpu.dma_semaphore, #tpu.memory_space<semaphore_mem>>) src(%dma_wait3A_776 : memref<8x65xf32, #tpu.memory_space<hbm>>) dst(%dma_wait3A_773 : memref<8x65xf32, #tpu.memory_space<vmem>>)
      %dma_wait3A_777 = arith.constant 0 : i32
      %dma_wait3A_778 = arith.constant 0 : i32
      %dma_wait3A_779 = arith.constant 0 : i32
      %dma_wait3A_780 = tpu.memref_slice %arg7[%dma_wait3A_777, %dma_wait3A_778, %dma_wait3A_779] : memref<32x8x65xf32, #tpu.memory_space<vmem>> -> memref<1x8x65xf32, #tpu.memory_space<vmem>>
      %dma_wait3A_781 = tpu.memref_squeeze %dma_wait3A_780 : memref<1x8x65xf32, #tpu.memory_space<vmem>> -> memref<8x65xf32, #tpu.memory_space<vmem>>
      %dma_wait3A_782 = arith.constant 0 : i32
      %dma_wait3A_783 = arith.constant 0 : i32
      %dma_wait3A_784 = tpu.memref_slice %arg3[%dma_wait3A_782, %dma_wait3A_783] : memref<100000x65xf32, #tpu.memory_space<hbm>> -> memref<8x65xf32, #tpu.memory_space<hbm>>
      %dma_wait3A_785 = arith.constant 0 : i32
      %dma_wait3A_786 = arith.constant 0 : i32
      %dma_wait3A_787 = tpu.memref_slice %arg7[%dma_wait3A_777, %dma_wait3A_785, %dma_wait3A_786] : memref<32x8x65xf32, #tpu.memory_space<vmem>> -> memref<1x8x65xf32, #tpu.memory_space<vmem>>
      %dma_wait3A_788 = tpu.memref_squeeze %dma_wait3A_787 : memref<1x8x65xf32, #tpu.memory_space<vmem>> -> memref<8x65xf32, #tpu.memory_space<vmem>>
      %dma_wait3A_789 = arith.constant 0 : i32
      %dma_wait3A_790 = arith.constant 0 : i32
      %dma_wait3A_791 = tpu.memref_slice %arg3[%dma_wait3A_789, %dma_wait3A_790] : memref<100000x65xf32, #tpu.memory_space<hbm>> -> memref<8x65xf32, #tpu.memory_space<hbm>>
      tpu.wait_dma2 semaphore(%arg11 : memref<!tpu.dma_semaphore, #tpu.memory_space<semaphore_mem>>) src(%dma_wait3A_791 : memref<8x65xf32, #tpu.memory_space<hbm>>) dst(%dma_wait3A_788 : memref<8x65xf32, #tpu.memory_space<vmem>>)
      %dma_wait3A_792 = arith.constant 0 : i32
      %dma_wait3A_793 = arith.constant 0 : i32
      %dma_wait3A_794 = arith.constant 0 : i32
      %dma_wait3A_795 = tpu.memref_slice %arg7[%dma_wait3A_792, %dma_wait3A_793, %dma_wait3A_794] : memref<32x8x65xf32, #tpu.memory_space<vmem>> -> memref<1x8x65xf32, #tpu.memory_space<vmem>>
      %dma_wait3A_796 = tpu.memref_squeeze %dma_wait3A_795 : memref<1x8x65xf32, #tpu.memory_space<vmem>> -> memref<8x65xf32, #tpu.memory_space<vmem>>
      %dma_wait3A_797 = arith.constant 0 : i32
      %dma_wait3A_798 = arith.constant 0 : i32
      %dma_wait3A_799 = tpu.memref_slice %arg3[%dma_wait3A_797, %dma_wait3A_798] : memref<100000x65xf32, #tpu.memory_space<hbm>> -> memref<8x65xf32, #tpu.memory_space<hbm>>
      %dma_wait3A_800 = arith.constant 0 : i32
      %dma_wait3A_801 = arith.constant 0 : i32
      %dma_wait3A_802 = tpu.memref_slice %arg7[%dma_wait3A_792, %dma_wait3A_800, %dma_wait3A_801] : memref<32x8x65xf32, #tpu.memory_space<vmem>> -> memref<1x8x65xf32, #tpu.memory_space<vmem>>
      %dma_wait3A_803 = tpu.memref_squeeze %dma_wait3A_802 : memref<1x8x65xf32, #tpu.memory_space<vmem>> -> memref<8x65xf32, #tpu.memory_space<vmem>>
      %dma_wait3A_804 = arith.constant 0 : i32
      %dma_wait3A_805 = arith.constant 0 : i32
      %dma_wait3A_806 = tpu.memref_slice %arg3[%dma_wait3A_804, %dma_wait3A_805] : memref<100000x65xf32, #tpu.memory_space<hbm>> -> memref<8x65xf32, #tpu.memory_space<hbm>>
      tpu.wait_dma2 semaphore(%arg11 : memref<!tpu.dma_semaphore, #tpu.memory_space<semaphore_mem>>) src(%dma_wait3A_806 : memref<8x65xf32, #tpu.memory_space<hbm>>) dst(%dma_wait3A_803 : memref<8x65xf32, #tpu.memory_space<vmem>>)
      %dma_wait3A_807 = arith.constant 0 : i32
      %dma_wait3A_808 = arith.constant 0 : i32
      %dma_wait3A_809 = arith.constant 0 : i32
      %dma_wait3A_810 = tpu.memref_slice %arg7[%dma_wait3A_807, %dma_wait3A_808, %dma_wait3A_809] : memref<32x8x65xf32, #tpu.memory_space<vmem>> -> memref<1x8x65xf32, #tpu.memory_space<vmem>>
      %dma_wait3A_811 = tpu.memref_squeeze %dma_wait3A_810 : memref<1x8x65xf32, #tpu.memory_space<vmem>> -> memref<8x65xf32, #tpu.memory_space<vmem>>
      %dma_wait3A_812 = arith.constant 0 : i32
      %dma_wait3A_813 = arith.constant 0 : i32
      %dma_wait3A_814 = tpu.memref_slice %arg3[%dma_wait3A_812, %dma_wait3A_813] : memref<100000x65xf32, #tpu.memory_space<hbm>> -> memref<8x65xf32, #tpu.memory_space<hbm>>
      %dma_wait3A_815 = arith.constant 0 : i32
      %dma_wait3A_816 = arith.constant 0 : i32
      %dma_wait3A_817 = tpu.memref_slice %arg7[%dma_wait3A_807, %dma_wait3A_815, %dma_wait3A_816] : memref<32x8x65xf32, #tpu.memory_space<vmem>> -> memref<1x8x65xf32, #tpu.memory_space<vmem>>
      %dma_wait3A_818 = tpu.memref_squeeze %dma_wait3A_817 : memref<1x8x65xf32, #tpu.memory_space<vmem>> -> memref<8x65xf32, #tpu.memory_space<vmem>>
      %dma_wait3A_819 = arith.constant 0 : i32
      %dma_wait3A_820 = arith.constant 0 : i32
      %dma_wait3A_821 = tpu.memref_slice %arg3[%dma_wait3A_819, %dma_wait3A_820] : memref<100000x65xf32, #tpu.memory_space<hbm>> -> memref<8x65xf32, #tpu.memory_space<hbm>>
      tpu.wait_dma2 semaphore(%arg11 : memref<!tpu.dma_semaphore, #tpu.memory_space<semaphore_mem>>) src(%dma_wait3A_821 : memref<8x65xf32, #tpu.memory_space<hbm>>) dst(%dma_wait3A_818 : memref<8x65xf32, #tpu.memory_space<vmem>>)
      %dma_wait3A_822 = arith.constant 0 : i32
      %dma_wait3A_823 = arith.constant 0 : i32
      %dma_wait3A_824 = arith.constant 0 : i32
      %dma_wait3A_825 = tpu.memref_slice %arg7[%dma_wait3A_822, %dma_wait3A_823, %dma_wait3A_824] : memref<32x8x65xf32, #tpu.memory_space<vmem>> -> memref<1x8x65xf32, #tpu.memory_space<vmem>>
      %dma_wait3A_826 = tpu.memref_squeeze %dma_wait3A_825 : memref<1x8x65xf32, #tpu.memory_space<vmem>> -> memref<8x65xf32, #tpu.memory_space<vmem>>
      %dma_wait3A_827 = arith.constant 0 : i32
      %dma_wait3A_828 = arith.constant 0 : i32
      %dma_wait3A_829 = tpu.memref_slice %arg3[%dma_wait3A_827, %dma_wait3A_828] : memref<100000x65xf32, #tpu.memory_space<hbm>> -> memref<8x65xf32, #tpu.memory_space<hbm>>
      %dma_wait3A_830 = arith.constant 0 : i32
      %dma_wait3A_831 = arith.constant 0 : i32
      %dma_wait3A_832 = tpu.memref_slice %arg7[%dma_wait3A_822, %dma_wait3A_830, %dma_wait3A_831] : memref<32x8x65xf32, #tpu.memory_space<vmem>> -> memref<1x8x65xf32, #tpu.memory_space<vmem>>
      %dma_wait3A_833 = tpu.memref_squeeze %dma_wait3A_832 : memref<1x8x65xf32, #tpu.memory_space<vmem>> -> memref<8x65xf32, #tpu.memory_space<vmem>>
      %dma_wait3A_834 = arith.constant 0 : i32
      %dma_wait3A_835 = arith.constant 0 : i32
      %dma_wait3A_836 = tpu.memref_slice %arg3[%dma_wait3A_834, %dma_wait3A_835] : memref<100000x65xf32, #tpu.memory_space<hbm>> -> memref<8x65xf32, #tpu.memory_space<hbm>>
      tpu.wait_dma2 semaphore(%arg11 : memref<!tpu.dma_semaphore, #tpu.memory_space<semaphore_mem>>) src(%dma_wait3A_836 : memref<8x65xf32, #tpu.memory_space<hbm>>) dst(%dma_wait3A_833 : memref<8x65xf32, #tpu.memory_space<vmem>>)
      %dma_wait3A_837 = arith.constant 0 : i32
      %dma_wait3A_838 = arith.constant 0 : i32
      %dma_wait3A_839 = arith.constant 0 : i32
      %dma_wait3A_840 = tpu.memref_slice %arg7[%dma_wait3A_837, %dma_wait3A_838, %dma_wait3A_839] : memref<32x8x65xf32, #tpu.memory_space<vmem>> -> memref<1x8x65xf32, #tpu.memory_space<vmem>>
      %dma_wait3A_841 = tpu.memref_squeeze %dma_wait3A_840 : memref<1x8x65xf32, #tpu.memory_space<vmem>> -> memref<8x65xf32, #tpu.memory_space<vmem>>
      %dma_wait3A_842 = arith.constant 0 : i32
      %dma_wait3A_843 = arith.constant 0 : i32
      %dma_wait3A_844 = tpu.memref_slice %arg3[%dma_wait3A_842, %dma_wait3A_843] : memref<100000x65xf32, #tpu.memory_space<hbm>> -> memref<8x65xf32, #tpu.memory_space<hbm>>
      %dma_wait3A_845 = arith.constant 0 : i32
      %dma_wait3A_846 = arith.constant 0 : i32
      %dma_wait3A_847 = tpu.memref_slice %arg7[%dma_wait3A_837, %dma_wait3A_845, %dma_wait3A_846] : memref<32x8x65xf32, #tpu.memory_space<vmem>> -> memref<1x8x65xf32, #tpu.memory_space<vmem>>
      %dma_wait3A_848 = tpu.memref_squeeze %dma_wait3A_847 : memref<1x8x65xf32, #tpu.memory_space<vmem>> -> memref<8x65xf32, #tpu.memory_space<vmem>>
      %dma_wait3A_849 = arith.constant 0 : i32
      %dma_wait3A_850 = arith.constant 0 : i32
      %dma_wait3A_851 = tpu.memref_slice %arg3[%dma_wait3A_849, %dma_wait3A_850] : memref<100000x65xf32, #tpu.memory_space<hbm>> -> memref<8x65xf32, #tpu.memory_space<hbm>>
      tpu.wait_dma2 semaphore(%arg11 : memref<!tpu.dma_semaphore, #tpu.memory_space<semaphore_mem>>) src(%dma_wait3A_851 : memref<8x65xf32, #tpu.memory_space<hbm>>) dst(%dma_wait3A_848 : memref<8x65xf32, #tpu.memory_space<vmem>>)
      %dma_wait3A_852 = arith.constant 0 : i32
      %dma_wait3A_853 = arith.constant 0 : i32
      %dma_wait3A_854 = arith.constant 0 : i32
      %dma_wait3A_855 = tpu.memref_slice %arg7[%dma_wait3A_852, %dma_wait3A_853, %dma_wait3A_854] : memref<32x8x65xf32, #tpu.memory_space<vmem>> -> memref<1x8x65xf32, #tpu.memory_space<vmem>>
      %dma_wait3A_856 = tpu.memref_squeeze %dma_wait3A_855 : memref<1x8x65xf32, #tpu.memory_space<vmem>> -> memref<8x65xf32, #tpu.memory_space<vmem>>
      %dma_wait3A_857 = arith.constant 0 : i32
      %dma_wait3A_858 = arith.constant 0 : i32
      %dma_wait3A_859 = tpu.memref_slice %arg3[%dma_wait3A_857, %dma_wait3A_858] : memref<100000x65xf32, #tpu.memory_space<hbm>> -> memref<8x65xf32, #tpu.memory_space<hbm>>
      %dma_wait3A_860 = arith.constant 0 : i32
      %dma_wait3A_861 = arith.constant 0 : i32
      %dma_wait3A_862 = tpu.memref_slice %arg7[%dma_wait3A_852, %dma_wait3A_860, %dma_wait3A_861] : memref<32x8x65xf32, #tpu.memory_space<vmem>> -> memref<1x8x65xf32, #tpu.memory_space<vmem>>
      %dma_wait3A_863 = tpu.memref_squeeze %dma_wait3A_862 : memref<1x8x65xf32, #tpu.memory_space<vmem>> -> memref<8x65xf32, #tpu.memory_space<vmem>>
      %dma_wait3A_864 = arith.constant 0 : i32
      %dma_wait3A_865 = arith.constant 0 : i32
      %dma_wait3A_866 = tpu.memref_slice %arg3[%dma_wait3A_864, %dma_wait3A_865] : memref<100000x65xf32, #tpu.memory_space<hbm>> -> memref<8x65xf32, #tpu.memory_space<hbm>>
      tpu.wait_dma2 semaphore(%arg11 : memref<!tpu.dma_semaphore, #tpu.memory_space<semaphore_mem>>) src(%dma_wait3A_866 : memref<8x65xf32, #tpu.memory_space<hbm>>) dst(%dma_wait3A_863 : memref<8x65xf32, #tpu.memory_space<vmem>>)
      %dma_wait3A_867 = arith.constant 0 : i32
      %dma_wait3A_868 = arith.constant 0 : i32
      %dma_wait3A_869 = arith.constant 0 : i32
      %dma_wait3A_870 = tpu.memref_slice %arg7[%dma_wait3A_867, %dma_wait3A_868, %dma_wait3A_869] : memref<32x8x65xf32, #tpu.memory_space<vmem>> -> memref<1x8x65xf32, #tpu.memory_space<vmem>>
      %dma_wait3A_871 = tpu.memref_squeeze %dma_wait3A_870 : memref<1x8x65xf32, #tpu.memory_space<vmem>> -> memref<8x65xf32, #tpu.memory_space<vmem>>
      %dma_wait3A_872 = arith.constant 0 : i32
      %dma_wait3A_873 = arith.constant 0 : i32
      %dma_wait3A_874 = tpu.memref_slice %arg3[%dma_wait3A_872, %dma_wait3A_873] : memref<100000x65xf32, #tpu.memory_space<hbm>> -> memref<8x65xf32, #tpu.memory_space<hbm>>
      %dma_wait3A_875 = arith.constant 0 : i32
      %dma_wait3A_876 = arith.constant 0 : i32
      %dma_wait3A_877 = tpu.memref_slice %arg7[%dma_wait3A_867, %dma_wait3A_875, %dma_wait3A_876] : memref<32x8x65xf32, #tpu.memory_space<vmem>> -> memref<1x8x65xf32, #tpu.memory_space<vmem>>
      %dma_wait3A_878 = tpu.memref_squeeze %dma_wait3A_877 : memref<1x8x65xf32, #tpu.memory_space<vmem>> -> memref<8x65xf32, #tpu.memory_space<vmem>>
      %dma_wait3A_879 = arith.constant 0 : i32
      %dma_wait3A_880 = arith.constant 0 : i32
      %dma_wait3A_881 = tpu.memref_slice %arg3[%dma_wait3A_879, %dma_wait3A_880] : memref<100000x65xf32, #tpu.memory_space<hbm>> -> memref<8x65xf32, #tpu.memory_space<hbm>>
      tpu.wait_dma2 semaphore(%arg11 : memref<!tpu.dma_semaphore, #tpu.memory_space<semaphore_mem>>) src(%dma_wait3A_881 : memref<8x65xf32, #tpu.memory_space<hbm>>) dst(%dma_wait3A_878 : memref<8x65xf32, #tpu.memory_space<vmem>>)
      %dma_wait3A_882 = arith.constant 0 : i32
      %dma_wait3A_883 = arith.constant 0 : i32
      %dma_wait3A_884 = arith.constant 0 : i32
      %dma_wait3A_885 = tpu.memref_slice %arg7[%dma_wait3A_882, %dma_wait3A_883, %dma_wait3A_884] : memref<32x8x65xf32, #tpu.memory_space<vmem>> -> memref<1x8x65xf32, #tpu.memory_space<vmem>>
      %dma_wait3A_886 = tpu.memref_squeeze %dma_wait3A_885 : memref<1x8x65xf32, #tpu.memory_space<vmem>> -> memref<8x65xf32, #tpu.memory_space<vmem>>
      %dma_wait3A_887 = arith.constant 0 : i32
      %dma_wait3A_888 = arith.constant 0 : i32
      %dma_wait3A_889 = tpu.memref_slice %arg3[%dma_wait3A_887, %dma_wait3A_888] : memref<100000x65xf32, #tpu.memory_space<hbm>> -> memref<8x65xf32, #tpu.memory_space<hbm>>
      %dma_wait3A_890 = arith.constant 0 : i32
      %dma_wait3A_891 = arith.constant 0 : i32
      %dma_wait3A_892 = tpu.memref_slice %arg7[%dma_wait3A_882, %dma_wait3A_890, %dma_wait3A_891] : memref<32x8x65xf32, #tpu.memory_space<vmem>> -> memref<1x8x65xf32, #tpu.memory_space<vmem>>
      %dma_wait3A_893 = tpu.memref_squeeze %dma_wait3A_892 : memref<1x8x65xf32, #tpu.memory_space<vmem>> -> memref<8x65xf32, #tpu.memory_space<vmem>>
      %dma_wait3A_894 = arith.constant 0 : i32
      %dma_wait3A_895 = arith.constant 0 : i32
      %dma_wait3A_896 = tpu.memref_slice %arg3[%dma_wait3A_894, %dma_wait3A_895] : memref<100000x65xf32, #tpu.memory_space<hbm>> -> memref<8x65xf32, #tpu.memory_space<hbm>>
      tpu.wait_dma2 semaphore(%arg11 : memref<!tpu.dma_semaphore, #tpu.memory_space<semaphore_mem>>) src(%dma_wait3A_896 : memref<8x65xf32, #tpu.memory_space<hbm>>) dst(%dma_wait3A_893 : memref<8x65xf32, #tpu.memory_space<vmem>>)
      %dma_wait3A_897 = arith.constant 0 : i32
      %dma_wait3A_898 = arith.constant 0 : i32
      %dma_wait3A_899 = arith.constant 0 : i32
      %dma_wait3A_900 = tpu.memref_slice %arg7[%dma_wait3A_897, %dma_wait3A_898, %dma_wait3A_899] : memref<32x8x65xf32, #tpu.memory_space<vmem>> -> memref<1x8x65xf32, #tpu.memory_space<vmem>>
      %dma_wait3A_901 = tpu.memref_squeeze %dma_wait3A_900 : memref<1x8x65xf32, #tpu.memory_space<vmem>> -> memref<8x65xf32, #tpu.memory_space<vmem>>
      %dma_wait3A_902 = arith.constant 0 : i32
      %dma_wait3A_903 = arith.constant 0 : i32
      %dma_wait3A_904 = tpu.memref_slice %arg3[%dma_wait3A_902, %dma_wait3A_903] : memref<100000x65xf32, #tpu.memory_space<hbm>> -> memref<8x65xf32, #tpu.memory_space<hbm>>
      %dma_wait3A_905 = arith.constant 0 : i32
      %dma_wait3A_906 = arith.constant 0 : i32
      %dma_wait3A_907 = tpu.memref_slice %arg7[%dma_wait3A_897, %dma_wait3A_905, %dma_wait3A_906] : memref<32x8x65xf32, #tpu.memory_space<vmem>> -> memref<1x8x65xf32, #tpu.memory_space<vmem>>
      %dma_wait3A_908 = tpu.memref_squeeze %dma_wait3A_907 : memref<1x8x65xf32, #tpu.memory_space<vmem>> -> memref<8x65xf32, #tpu.memory_space<vmem>>
      %dma_wait3A_909 = arith.constant 0 : i32
      %dma_wait3A_910 = arith.constant 0 : i32
      %dma_wait3A_911 = tpu.memref_slice %arg3[%dma_wait3A_909, %dma_wait3A_910] : memref<100000x65xf32, #tpu.memory_space<hbm>> -> memref<8x65xf32, #tpu.memory_space<hbm>>
      tpu.wait_dma2 semaphore(%arg11 : memref<!tpu.dma_semaphore, #tpu.memory_space<semaphore_mem>>) src(%dma_wait3A_911 : memref<8x65xf32, #tpu.memory_space<hbm>>) dst(%dma_wait3A_908 : memref<8x65xf32, #tpu.memory_space<vmem>>)
      %dma_wait3A_912 = arith.constant 0 : i32
      %dma_wait3A_913 = arith.constant 0 : i32
      %dma_wait3A_914 = arith.constant 0 : i32
      %dma_wait3A_915 = tpu.memref_slice %arg7[%dma_wait3A_912, %dma_wait3A_913, %dma_wait3A_914] : memref<32x8x65xf32, #tpu.memory_space<vmem>> -> memref<1x8x65xf32, #tpu.memory_space<vmem>>
      %dma_wait3A_916 = tpu.memref_squeeze %dma_wait3A_915 : memref<1x8x65xf32, #tpu.memory_space<vmem>> -> memref<8x65xf32, #tpu.memory_space<vmem>>
      %dma_wait3A_917 = arith.constant 0 : i32
      %dma_wait3A_918 = arith.constant 0 : i32
      %dma_wait3A_919 = tpu.memref_slice %arg3[%dma_wait3A_917, %dma_wait3A_918] : memref<100000x65xf32, #tpu.memory_space<hbm>> -> memref<8x65xf32, #tpu.memory_space<hbm>>
      %dma_wait3A_920 = arith.constant 0 : i32
      %dma_wait3A_921 = arith.constant 0 : i32
      %dma_wait3A_922 = tpu.memref_slice %arg7[%dma_wait3A_912, %dma_wait3A_920, %dma_wait3A_921] : memref<32x8x65xf32, #tpu.memory_space<vmem>> -> memref<1x8x65xf32, #tpu.memory_space<vmem>>
      %dma_wait3A_923 = tpu.memref_squeeze %dma_wait3A_922 : memref<1x8x65xf32, #tpu.memory_space<vmem>> -> memref<8x65xf32, #tpu.memory_space<vmem>>
      %dma_wait3A_924 = arith.constant 0 : i32
      %dma_wait3A_925 = arith.constant 0 : i32
      %dma_wait3A_926 = tpu.memref_slice %arg3[%dma_wait3A_924, %dma_wait3A_925] : memref<100000x65xf32, #tpu.memory_space<hbm>> -> memref<8x65xf32, #tpu.memory_space<hbm>>
      tpu.wait_dma2 semaphore(%arg11 : memref<!tpu.dma_semaphore, #tpu.memory_space<semaphore_mem>>) src(%dma_wait3A_926 : memref<8x65xf32, #tpu.memory_space<hbm>>) dst(%dma_wait3A_923 : memref<8x65xf32, #tpu.memory_space<vmem>>)
      %mul3A_927 = arith.constant 16 : i32
      %mul3A_928 = arith.muli %scan3A_685, %mul3A_927 : i32
      %get3A_929 = arith.index_cast %mul3A_928 : i32 to index
      %get3A_930 = tpu.vector_load %arg6[%get3A_929] {strides = array<i32>} : memref<512xi32, #tpu.memory_space<vmem>>, vector<16xi32>,
      %add3A_931 = arith.constant 0 : i32
      %add3A_932 = arith.addi %mul3A_928, %add3A_931 : i32
      %slice3A_933 = vector.extract_strided_slice %get3A_930 {offsets = [0], sizes = [1], strides = [1]} : vector<16xi32> to vector<1xi32>
      %squeeze3A_934 = vector.extract %slice3A_933[0] : i32 from vector<1xi32>
      %and3A_935 = arith.constant 7 : i32
      %and3A_936 = arith.andi %squeeze3A_934, %and3A_935 : i32
      %and3A_937 = arith.constant 31 : i32
      %and3A_938 = arith.andi %add3A_932, %and3A_937 : i32
      %get3A_939 = arith.index_cast %and3A_938 : i32 to index
      %get3A_940 = arith.index_cast %and3A_936 : i32 to index
      %get3A_941 = arith.constant 0 : index
      %get3A_942 = tpu.vector_load %arg7[%get3A_939, %get3A_940, %get3A_941] {strides = array<i32>} : memref<32x8x65xf32, #tpu.memory_space<vmem>>, vector<16xf32>,
      %get3A_943 = arith.index_cast %add3A_932 : i32 to index
      %get3A_944 = arith.constant 0 : index
      %get3A_945 = tpu.vector_load %arg8[%get3A_943, %get3A_944] {strides = array<i32>} : memref<512x64xf32, #tpu.memory_space<vmem>>, vector<16xf32>,
      %mul3A_946 = arith.mulf %get3A_942, %get3A_945 : vector<16xf32>
      %get3A_947 = arith.index_cast %and3A_938 : i32 to index
      %get3A_948 = arith.index_cast %and3A_936 : i32 to index
      %get3A_949 = arith.constant 16 : index
      %get3A_950 = tpu.vector_load %arg7[%get3A_947, %get3A_948, %get3A_949] {strides = array<i32>} : memref<32x8x65xf32, #tpu.memory_space<vmem>>, vector<16xf32>,
      %get3A_951 = arith.index_cast %add3A_932 : i32 to index
      %get3A_952 = arith.constant 16 : index
      %get3A_953 = tpu.vector_load %arg8[%get3A_951, %get3A_952] {strides = array<i32>} : memref<512x64xf32, #tpu.memory_space<vmem>>, vector<16xf32>,
      %mul3A_954 = arith.mulf %get3A_950, %get3A_953 : vector<16xf32>
      %add3A_955 = arith.addf %mul3A_946, %mul3A_954 : vector<16xf32>
      %get3A_956 = arith.index_cast %and3A_938 : i32 to index
      %get3A_957 = arith.index_cast %and3A_936 : i32 to index
      %get3A_958 = arith.constant 32 : index
      %get3A_959 = tpu.vector_load %arg7[%get3A_956, %get3A_957, %get3A_958] {strides = array<i32>} : memref<32x8x65xf32, #tpu.memory_space<vmem>>, vector<16xf32>,
      %get3A_960 = arith.index_cast %add3A_932 : i32 to index
      %get3A_961 = arith.constant 32 : index
      %get3A_962 = tpu.vector_load %arg8[%get3A_960, %get3A_961] {strides = array<i32>} : memref<512x64xf32, #tpu.memory_space<vmem>>, vector<16xf32>,
      %mul3A_963 = arith.mulf %get3A_959, %get3A_962 : vector<16xf32>
      %add3A_964 = arith.addf %add3A_955, %mul3A_963 : vector<16xf32>
      %get3A_965 = arith.index_cast %and3A_938 : i32 to index
      %get3A_966 = arith.index_cast %and3A_936 : i32 to index
      %get3A_967 = arith.constant 48 : index
      %get3A_968 = tpu.vector_load %arg7[%get3A_965, %get3A_966, %get3A_967] {strides = array<i32>} : memref<32x8x65xf32, #tpu.memory_space<vmem>>, vector<16xf32>,
      %get3A_969 = arith.index_cast %add3A_932 : i32 to index
      %get3A_970 = arith.constant 48 : index
      %get3A_971 = tpu.vector_load %arg8[%get3A_969, %get3A_970] {strides = array<i32>} : memref<512x64xf32, #tpu.memory_space<vmem>>, vector<16xf32>,
      %mul3A_972 = arith.mulf %get3A_968, %get3A_971 : vector<16xf32>
      %add3A_973 = arith.addf %add3A_964, %mul3A_972 : vector<16xf32>
      %swap3A = arith.constant 0 : i32
      %swap3A_974 = arith.index_cast %swap3A : i32 to index
      %swap3A_975 = arith.constant 0 : index
      %swap3A_976 = tpu.vector_load %arg9[%swap3A_974, %swap3A_975] {strides = array<i32>} : memref<16x17xf32, #tpu.memory_space<vmem>>, vector<16xf32>,
      tpu.vector_store %arg9[%swap3A_974, %swap3A_975], %add3A_973 {strides = array<i32>} : memref<16x17xf32, #tpu.memory_space<vmem>>, vector<16xf32>,
      %add3A_977 = arith.constant 1 : i32
      %add3A_978 = arith.addi %mul3A_928, %add3A_977 : i32
      %slice3A_979 = vector.extract_strided_slice %get3A_930 {offsets = [1], sizes = [1], strides = [1]} : vector<16xi32> to vector<1xi32>
      %squeeze3A_980 = vector.extract %slice3A_979[0] : i32 from vector<1xi32>
      %and3A_981 = arith.constant 7 : i32
      %and3A_982 = arith.andi %squeeze3A_980, %and3A_981 : i32
      %and3A_983 = arith.constant 31 : i32
      %and3A_984 = arith.andi %add3A_978, %and3A_983 : i32
      %get3A_985 = arith.index_cast %and3A_984 : i32 to index
      %get3A_986 = arith.index_cast %and3A_982 : i32 to index
      %get3A_987 = arith.constant 0 : index
      %get3A_988 = tpu.vector_load %arg7[%get3A_985, %get3A_986, %get3A_987] {strides = array<i32>} : memref<32x8x65xf32, #tpu.memory_space<vmem>>, vector<16xf32>,
      %get3A_989 = arith.index_cast %add3A_978 : i32 to index
      %get3A_990 = arith.constant 0 : index
      %get3A_991 = tpu.vector_load %arg8[%get3A_989, %get3A_990] {strides = array<i32>} : memref<512x64xf32, #tpu.memory_space<vmem>>, vector<16xf32>,
      %mul3A_992 = arith.mulf %get3A_988, %get3A_991 : vector<16xf32>
      %get3A_993 = arith.index_cast %and3A_984 : i32 to index
      %get3A_994 = arith.index_cast %and3A_982 : i32 to index
      %get3A_995 = arith.constant 16 : index
      %get3A_996 = tpu.vector_load %arg7[%get3A_993, %get3A_994, %get3A_995] {strides = array<i32>} : memref<32x8x65xf32, #tpu.memory_space<vmem>>, vector<16xf32>,
      %get3A_997 = arith.index_cast %add3A_978 : i32 to index
      %get3A_998 = arith.constant 16 : index
      %get3A_999 = tpu.vector_load %arg8[%get3A_997, %get3A_998] {strides = array<i32>} : memref<512x64xf32, #tpu.memory_space<vmem>>, vector<16xf32>,
      %mul3A_1000 = arith.mulf %get3A_996, %get3A_999 : vector<16xf32>
      %add3A_1001 = arith.addf %mul3A_992, %mul3A_1000 : vector<16xf32>
      %get3A_1002 = arith.index_cast %and3A_984 : i32 to index
      %get3A_1003 = arith.index_cast %and3A_982 : i32 to index
      %get3A_1004 = arith.constant 32 : index
      %get3A_1005 = tpu.vector_load %arg7[%get3A_1002, %get3A_1003, %get3A_1004] {strides = array<i32>} : memref<32x8x65xf32, #tpu.memory_space<vmem>>, vector<16xf32>,
      %get3A_1006 = arith.index_cast %add3A_978 : i32 to index
      %get3A_1007 = arith.constant 32 : index
      %get3A_1008 = tpu.vector_load %arg8[%get3A_1006, %get3A_1007] {strides = array<i32>} : memref<512x64xf32, #tpu.memory_space<vmem>>, vector<16xf32>,
      %mul3A_1009 = arith.mulf %get3A_1005, %get3A_1008 : vector<16xf32>
      %add3A_1010 = arith.addf %add3A_1001, %mul3A_1009 : vector<16xf32>
      %get3A_1011 = arith.index_cast %and3A_984 : i32 to index
      %get3A_1012 = arith.index_cast %and3A_982 : i32 to index
      %get3A_1013 = arith.constant 48 : index
      %get3A_1014 = tpu.vector_load %arg7[%get3A_1011, %get3A_1012, %get3A_1013] {strides = array<i32>} : memref<32x8x65xf32, #tpu.memory_space<vmem>>, vector<16xf32>,
      %get3A_1015 = arith.index_cast %add3A_978 : i32 to index
      %get3A_1016 = arith.constant 48 : index
      %get3A_1017 = tpu.vector_load %arg8[%get3A_1015, %get3A_1016] {strides = array<i32>} : memref<512x64xf32, #tpu.memory_space<vmem>>, vector<16xf32>,
      %mul3A_1018 = arith.mulf %get3A_1014, %get3A_1017 : vector<16xf32>
      %add3A_1019 = arith.addf %add3A_1010, %mul3A_1018 : vector<16xf32>
      %swap3A_1020 = arith.constant 1 : i32
      %swap3A_1021 = arith.index_cast %swap3A_1020 : i32 to index
      %swap3A_1022 = arith.constant 0 : index
      %swap3A_1023 = tpu.vector_load %arg9[%swap3A_1021, %swap3A_1022] {strides = array<i32>} : memref<16x17xf32, #tpu.memory_space<vmem>>, vector<16xf32>,
      tpu.vector_store %arg9[%swap3A_1021, %swap3A_1022], %add3A_1019 {strides = array<i32>} : memref<16x17xf32, #tpu.memory_space<vmem>>, vector<16xf32>,
      %add3A_1024 = arith.constant 2 : i32
      %add3A_1025 = arith.addi %mul3A_928, %add3A_1024 : i32
      %slice3A_1026 = vector.extract_strided_slice %get3A_930 {offsets = [2], sizes = [1], strides = [1]} : vector<16xi32> to vector<1xi32>
      %squeeze3A_1027 = vector.extract %slice3A_1026[0] : i32 from vector<1xi32>
      %and3A_1028 = arith.constant 7 : i32
      %and3A_1029 = arith.andi %squeeze3A_1027, %and3A_1028 : i32
      %and3A_1030 = arith.constant 31 : i32
      %and3A_1031 = arith.andi %add3A_1025, %and3A_1030 : i32
      %get3A_1032 = arith.index_cast %and3A_1031 : i32 to index
      %get3A_1033 = arith.index_cast %and3A_1029 : i32 to index
      %get3A_1034 = arith.constant 0 : index
      %get3A_1035 = tpu.vector_load %arg7[%get3A_1032, %get3A_1033, %get3A_1034] {strides = array<i32>} : memref<32x8x65xf32, #tpu.memory_space<vmem>>, vector<16xf32>,
      %get3A_1036 = arith.index_cast %add3A_1025 : i32 to index
      %get3A_1037 = arith.constant 0 : index
      %get3A_1038 = tpu.vector_load %arg8[%get3A_1036, %get3A_1037] {strides = array<i32>} : memref<512x64xf32, #tpu.memory_space<vmem>>, vector<16xf32>,
      %mul3A_1039 = arith.mulf %get3A_1035, %get3A_1038 : vector<16xf32>
      %get3A_1040 = arith.index_cast %and3A_1031 : i32 to index
      %get3A_1041 = arith.index_cast %and3A_1029 : i32 to index
      %get3A_1042 = arith.constant 16 : index
      %get3A_1043 = tpu.vector_load %arg7[%get3A_1040, %get3A_1041, %get3A_1042] {strides = array<i32>} : memref<32x8x65xf32, #tpu.memory_space<vmem>>, vector<16xf32>,
      %get3A_1044 = arith.index_cast %add3A_1025 : i32 to index
      %get3A_1045 = arith.constant 16 : index
      %get3A_1046 = tpu.vector_load %arg8[%get3A_1044, %get3A_1045] {strides = array<i32>} : memref<512x64xf32, #tpu.memory_space<vmem>>, vector<16xf32>,
      %mul3A_1047 = arith.mulf %get3A_1043, %get3A_1046 : vector<16xf32>
      %add3A_1048 = arith.addf %mul3A_1039, %mul3A_1047 : vector<16xf32>
      %get3A_1049 = arith.index_cast %and3A_1031 : i32 to index
      %get3A_1050 = arith.index_cast %and3A_1029 : i32 to index
      %get3A_1051 = arith.constant 32 : index
      %get3A_1052 = tpu.vector_load %arg7[%get3A_1049, %get3A_1050, %get3A_1051] {strides = array<i32>} : memref<32x8x65xf32, #tpu.memory_space<vmem>>, vector<16xf32>,
      %get3A_1053 = arith.index_cast %add3A_1025 : i32 to index
      %get3A_1054 = arith.constant 32 : index
      %get3A_1055 = tpu.vector_load %arg8[%get3A_1053, %get3A_1054] {strides = array<i32>} : memref<512x64xf32, #tpu.memory_space<vmem>>, vector<16xf32>,
      %mul3A_1056 = arith.mulf %get3A_1052, %get3A_1055 : vector<16xf32>
      %add3A_1057 = arith.addf %add3A_1048, %mul3A_1056 : vector<16xf32>
      %get3A_1058 = arith.index_cast %and3A_1031 : i32 to index
      %get3A_1059 = arith.index_cast %and3A_1029 : i32 to index
      %get3A_1060 = arith.constant 48 : index
      %get3A_1061 = tpu.vector_load %arg7[%get3A_1058, %get3A_1059, %get3A_1060] {strides = array<i32>} : memref<32x8x65xf32, #tpu.memory_space<vmem>>, vector<16xf32>,
      %get3A_1062 = arith.index_cast %add3A_1025 : i32 to index
      %get3A_1063 = arith.constant 48 : index
      %get3A_1064 = tpu.vector_load %arg8[%get3A_1062, %get3A_1063] {strides = array<i32>} : memref<512x64xf32, #tpu.memory_space<vmem>>, vector<16xf32>,
      %mul3A_1065 = arith.mulf %get3A_1061, %get3A_1064 : vector<16xf32>
      %add3A_1066 = arith.addf %add3A_1057, %mul3A_1065 : vector<16xf32>
      %swap3A_1067 = arith.constant 2 : i32
      %swap3A_1068 = arith.index_cast %swap3A_1067 : i32 to index
      %swap3A_1069 = arith.constant 0 : index
      %swap3A_1070 = tpu.vector_load %arg9[%swap3A_1068, %swap3A_1069] {strides = array<i32>} : memref<16x17xf32, #tpu.memory_space<vmem>>, vector<16xf32>,
      tpu.vector_store %arg9[%swap3A_1068, %swap3A_1069], %add3A_1066 {strides = array<i32>} : memref<16x17xf32, #tpu.memory_space<vmem>>, vector<16xf32>,
      %add3A_1071 = arith.constant 3 : i32
      %add3A_1072 = arith.addi %mul3A_928, %add3A_1071 : i32
      %slice3A_1073 = vector.extract_strided_slice %get3A_930 {offsets = [3], sizes = [1], strides = [1]} : vector<16xi32> to vector<1xi32>
      %squeeze3A_1074 = vector.extract %slice3A_1073[0] : i32 from vector<1xi32>
      %and3A_1075 = arith.constant 7 : i32
      %and3A_1076 = arith.andi %squeeze3A_1074, %and3A_1075 : i32
      %and3A_1077 = arith.constant 31 : i32
      %and3A_1078 = arith.andi %add3A_1072, %and3A_1077 : i32
      %get3A_1079 = arith.index_cast %and3A_1078 : i32 to index
      %get3A_1080 = arith.index_cast %and3A_1076 : i32 to index
      %get3A_1081 = arith.constant 0 : index
      %get3A_1082 = tpu.vector_load %arg7[%get3A_1079, %get3A_1080, %get3A_1081] {strides = array<i32>} : memref<32x8x65xf32, #tpu.memory_space<vmem>>, vector<16xf32>,
      %get3A_1083 = arith.index_cast %add3A_1072 : i32 to index
      %get3A_1084 = arith.constant 0 : index
      %get3A_1085 = tpu.vector_load %arg8[%get3A_1083, %get3A_1084] {strides = array<i32>} : memref<512x64xf32, #tpu.memory_space<vmem>>, vector<16xf32>,
      %mul3A_1086 = arith.mulf %get3A_1082, %get3A_1085 : vector<16xf32>
      %get3A_1087 = arith.index_cast %and3A_1078 : i32 to index
      %get3A_1088 = arith.index_cast %and3A_1076 : i32 to index
      %get3A_1089 = arith.constant 16 : index
      %get3A_1090 = tpu.vector_load %arg7[%get3A_1087, %get3A_1088, %get3A_1089] {strides = array<i32>} : memref<32x8x65xf32, #tpu.memory_space<vmem>>, vector<16xf32>,
      %get3A_1091 = arith.index_cast %add3A_1072 : i32 to index
      %get3A_1092 = arith.constant 16 : index
      %get3A_1093 = tpu.vector_load %arg8[%get3A_1091, %get3A_1092] {strides = array<i32>} : memref<512x64xf32, #tpu.memory_space<vmem>>, vector<16xf32>,
      %mul3A_1094 = arith.mulf %get3A_1090, %get3A_1093 : vector<16xf32>
      %add3A_1095 = arith.addf %mul3A_1086, %mul3A_1094 : vector<16xf32>
      %get3A_1096 = arith.index_cast %and3A_1078 : i32 to index
      %get3A_1097 = arith.index_cast %and3A_1076 : i32 to index
      %get3A_1098 = arith.constant 32 : index
      %get3A_1099 = tpu.vector_load %arg7[%get3A_1096, %get3A_1097, %get3A_1098] {strides = array<i32>} : memref<32x8x65xf32, #tpu.memory_space<vmem>>, vector<16xf32>,
      %get3A_1100 = arith.index_cast %add3A_1072 : i32 to index
      %get3A_1101 = arith.constant 32 : index
      %get3A_1102 = tpu.vector_load %arg8[%get3A_1100, %get3A_1101] {strides = array<i32>} : memref<512x64xf32, #tpu.memory_space<vmem>>, vector<16xf32>,
      %mul3A_1103 = arith.mulf %get3A_1099, %get3A_1102 : vector<16xf32>
      %add3A_1104 = arith.addf %add3A_1095, %mul3A_1103 : vector<16xf32>
      %get3A_1105 = arith.index_cast %and3A_1078 : i32 to index
      %get3A_1106 = arith.index_cast %and3A_1076 : i32 to index
      %get3A_1107 = arith.constant 48 : index
      %get3A_1108 = tpu.vector_load %arg7[%get3A_1105, %get3A_1106, %get3A_1107] {strides = array<i32>} : memref<32x8x65xf32, #tpu.memory_space<vmem>>, vector<16xf32>,
      %get3A_1109 = arith.index_cast %add3A_1072 : i32 to index
      %get3A_1110 = arith.constant 48 : index
      %get3A_1111 = tpu.vector_load %arg8[%get3A_1109, %get3A_1110] {strides = array<i32>} : memref<512x64xf32, #tpu.memory_space<vmem>>, vector<16xf32>,
      %mul3A_1112 = arith.mulf %get3A_1108, %get3A_1111 : vector<16xf32>
      %add3A_1113 = arith.addf %add3A_1104, %mul3A_1112 : vector<16xf32>
      %swap3A_1114 = arith.constant 3 : i32
      %swap3A_1115 = arith.index_cast %swap3A_1114 : i32 to index
      %swap3A_1116 = arith.constant 0 : index
      %swap3A_1117 = tpu.vector_load %arg9[%swap3A_1115, %swap3A_1116] {strides = array<i32>} : memref<16x17xf32, #tpu.memory_space<vmem>>, vector<16xf32>,
      tpu.vector_store %arg9[%swap3A_1115, %swap3A_1116], %add3A_1113 {strides = array<i32>} : memref<16x17xf32, #tpu.memory_space<vmem>>, vector<16xf32>,
      %add3A_1118 = arith.constant 4 : i32
      %add3A_1119 = arith.addi %mul3A_928, %add3A_1118 : i32
      %slice3A_1120 = vector.extract_strided_slice %get3A_930 {offsets = [4], sizes = [1], strides = [1]} : vector<16xi32> to vector<1xi32>
      %squeeze3A_1121 = vector.extract %slice3A_1120[0] : i32 from vector<1xi32>
      %and3A_1122 = arith.constant 7 : i32
      %and3A_1123 = arith.andi %squeeze3A_1121, %and3A_1122 : i32
      %and3A_1124 = arith.constant 31 : i32
      %and3A_1125 = arith.andi %add3A_1119, %and3A_1124 : i32
      %get3A_1126 = arith.index_cast %and3A_1125 : i32 to index
      %get3A_1127 = arith.index_cast %and3A_1123 : i32 to index
      %get3A_1128 = arith.constant 0 : index
      %get3A_1129 = tpu.vector_load %arg7[%get3A_1126, %get3A_1127, %get3A_1128] {strides = array<i32>} : memref<32x8x65xf32, #tpu.memory_space<vmem>>, vector<16xf32>,
      %get3A_1130 = arith.index_cast %add3A_1119 : i32 to index
      %get3A_1131 = arith.constant 0 : index
      %get3A_1132 = tpu.vector_load %arg8[%get3A_1130, %get3A_1131] {strides = array<i32>} : memref<512x64xf32, #tpu.memory_space<vmem>>, vector<16xf32>,
      %mul3A_1133 = arith.mulf %get3A_1129, %get3A_1132 : vector<16xf32>
      %get3A_1134 = arith.index_cast %and3A_1125 : i32 to index
      %get3A_1135 = arith.index_cast %and3A_1123 : i32 to index
      %get3A_1136 = arith.constant 16 : index
      %get3A_1137 = tpu.vector_load %arg7[%get3A_1134, %get3A_1135, %get3A_1136] {strides = array<i32>} : memref<32x8x65xf32, #tpu.memory_space<vmem>>, vector<16xf32>,
      %get3A_1138 = arith.index_cast %add3A_1119 : i32 to index
      %get3A_1139 = arith.constant 16 : index
      %get3A_1140 = tpu.vector_load %arg8[%get3A_1138, %get3A_1139] {strides = array<i32>} : memref<512x64xf32, #tpu.memory_space<vmem>>, vector<16xf32>,
      %mul3A_1141 = arith.mulf %get3A_1137, %get3A_1140 : vector<16xf32>
      %add3A_1142 = arith.addf %mul3A_1133, %mul3A_1141 : vector<16xf32>
      %get3A_1143 = arith.index_cast %and3A_1125 : i32 to index
      %get3A_1144 = arith.index_cast %and3A_1123 : i32 to index
      %get3A_1145 = arith.constant 32 : index
      %get3A_1146 = tpu.vector_load %arg7[%get3A_1143, %get3A_1144, %get3A_1145] {strides = array<i32>} : memref<32x8x65xf32, #tpu.memory_space<vmem>>, vector<16xf32>,
      %get3A_1147 = arith.index_cast %add3A_1119 : i32 to index
      %get3A_1148 = arith.constant 32 : index
      %get3A_1149 = tpu.vector_load %arg8[%get3A_1147, %get3A_1148] {strides = array<i32>} : memref<512x64xf32, #tpu.memory_space<vmem>>, vector<16xf32>,
      %mul3A_1150 = arith.mulf %get3A_1146, %get3A_1149 : vector<16xf32>
      %add3A_1151 = arith.addf %add3A_1142, %mul3A_1150 : vector<16xf32>
      %get3A_1152 = arith.index_cast %and3A_1125 : i32 to index
      %get3A_1153 = arith.index_cast %and3A_1123 : i32 to index
      %get3A_1154 = arith.constant 48 : index
      %get3A_1155 = tpu.vector_load %arg7[%get3A_1152, %get3A_1153, %get3A_1154] {strides = array<i32>} : memref<32x8x65xf32, #tpu.memory_space<vmem>>, vector<16xf32>,
      %get3A_1156 = arith.index_cast %add3A_1119 : i32 to index
      %get3A_1157 = arith.constant 48 : index
      %get3A_1158 = tpu.vector_load %arg8[%get3A_1156, %get3A_1157] {strides = array<i32>} : memref<512x64xf32, #tpu.memory_space<vmem>>, vector<16xf32>,
      %mul3A_1159 = arith.mulf %get3A_1155, %get3A_1158 : vector<16xf32>
      %add3A_1160 = arith.addf %add3A_1151, %mul3A_1159 : vector<16xf32>
      %swap3A_1161 = arith.constant 4 : i32
      %swap3A_1162 = arith.index_cast %swap3A_1161 : i32 to index
      %swap3A_1163 = arith.constant 0 : index
      %swap3A_1164 = tpu.vector_load %arg9[%swap3A_1162, %swap3A_1163] {strides = array<i32>} : memref<16x17xf32, #tpu.memory_space<vmem>>, vector<16xf32>,
      tpu.vector_store %arg9[%swap3A_1162, %swap3A_1163], %add3A_1160 {strides = array<i32>} : memref<16x17xf32, #tpu.memory_space<vmem>>, vector<16xf32>,
      %add3A_1165 = arith.constant 5 : i32
      %add3A_1166 = arith.addi %mul3A_928, %add3A_1165 : i32
      %slice3A_1167 = vector.extract_strided_slice %get3A_930 {offsets = [5], sizes = [1], strides = [1]} : vector<16xi32> to vector<1xi32>
      %squeeze3A_1168 = vector.extract %slice3A_1167[0] : i32 from vector<1xi32>
      %and3A_1169 = arith.constant 7 : i32
      %and3A_1170 = arith.andi %squeeze3A_1168, %and3A_1169 : i32
      %and3A_1171 = arith.constant 31 : i32
      %and3A_1172 = arith.andi %add3A_1166, %and3A_1171 : i32
      %get3A_1173 = arith.index_cast %and3A_1172 : i32 to index
      %get3A_1174 = arith.index_cast %and3A_1170 : i32 to index
      %get3A_1175 = arith.constant 0 : index
      %get3A_1176 = tpu.vector_load %arg7[%get3A_1173, %get3A_1174, %get3A_1175] {strides = array<i32>} : memref<32x8x65xf32, #tpu.memory_space<vmem>>, vector<16xf32>,
      %get3A_1177 = arith.index_cast %add3A_1166 : i32 to index
      %get3A_1178 = arith.constant 0 : index
      %get3A_1179 = tpu.vector_load %arg8[%get3A_1177, %get3A_1178] {strides = array<i32>} : memref<512x64xf32, #tpu.memory_space<vmem>>, vector<16xf32>,
      %mul3A_1180 = arith.mulf %get3A_1176, %get3A_1179 : vector<16xf32>
      %get3A_1181 = arith.index_cast %and3A_1172 : i32 to index
      %get3A_1182 = arith.index_cast %and3A_1170 : i32 to index
      %get3A_1183 = arith.constant 16 : index
      %get3A_1184 = tpu.vector_load %arg7[%get3A_1181, %get3A_1182, %get3A_1183] {strides = array<i32>} : memref<32x8x65xf32, #tpu.memory_space<vmem>>, vector<16xf32>,
      %get3A_1185 = arith.index_cast %add3A_1166 : i32 to index
      %get3A_1186 = arith.constant 16 : index
      %get3A_1187 = tpu.vector_load %arg8[%get3A_1185, %get3A_1186] {strides = array<i32>} : memref<512x64xf32, #tpu.memory_space<vmem>>, vector<16xf32>,
      %mul3A_1188 = arith.mulf %get3A_1184, %get3A_1187 : vector<16xf32>
      %add3A_1189 = arith.addf %mul3A_1180, %mul3A_1188 : vector<16xf32>
      %get3A_1190 = arith.index_cast %and3A_1172 : i32 to index
      %get3A_1191 = arith.index_cast %and3A_1170 : i32 to index
      %get3A_1192 = arith.constant 32 : index
      %get3A_1193 = tpu.vector_load %arg7[%get3A_1190, %get3A_1191, %get3A_1192] {strides = array<i32>} : memref<32x8x65xf32, #tpu.memory_space<vmem>>, vector<16xf32>,
      %get3A_1194 = arith.index_cast %add3A_1166 : i32 to index
      %get3A_1195 = arith.constant 32 : index
      %get3A_1196 = tpu.vector_load %arg8[%get3A_1194, %get3A_1195] {strides = array<i32>} : memref<512x64xf32, #tpu.memory_space<vmem>>, vector<16xf32>,
      %mul3A_1197 = arith.mulf %get3A_1193, %get3A_1196 : vector<16xf32>
      %add3A_1198 = arith.addf %add3A_1189, %mul3A_1197 : vector<16xf32>
      %get3A_1199 = arith.index_cast %and3A_1172 : i32 to index
      %get3A_1200 = arith.index_cast %and3A_1170 : i32 to index
      %get3A_1201 = arith.constant 48 : index
      %get3A_1202 = tpu.vector_load %arg7[%get3A_1199, %get3A_1200, %get3A_1201] {strides = array<i32>} : memref<32x8x65xf32, #tpu.memory_space<vmem>>, vector<16xf32>,
      %get3A_1203 = arith.index_cast %add3A_1166 : i32 to index
      %get3A_1204 = arith.constant 48 : index
      %get3A_1205 = tpu.vector_load %arg8[%get3A_1203, %get3A_1204] {strides = array<i32>} : memref<512x64xf32, #tpu.memory_space<vmem>>, vector<16xf32>,
      %mul3A_1206 = arith.mulf %get3A_1202, %get3A_1205 : vector<16xf32>
      %add3A_1207 = arith.addf %add3A_1198, %mul3A_1206 : vector<16xf32>
      %swap3A_1208 = arith.constant 5 : i32
      %swap3A_1209 = arith.index_cast %swap3A_1208 : i32 to index
      %swap3A_1210 = arith.constant 0 : index
      %swap3A_1211 = tpu.vector_load %arg9[%swap3A_1209, %swap3A_1210] {strides = array<i32>} : memref<16x17xf32, #tpu.memory_space<vmem>>, vector<16xf32>,
      tpu.vector_store %arg9[%swap3A_1209, %swap3A_1210], %add3A_1207 {strides = array<i32>} : memref<16x17xf32, #tpu.memory_space<vmem>>, vector<16xf32>,
      %add3A_1212 = arith.constant 6 : i32
      %add3A_1213 = arith.addi %mul3A_928, %add3A_1212 : i32
      %slice3A_1214 = vector.extract_strided_slice %get3A_930 {offsets = [6], sizes = [1], strides = [1]} : vector<16xi32> to vector<1xi32>
      %squeeze3A_1215 = vector.extract %slice3A_1214[0] : i32 from vector<1xi32>
      %and3A_1216 = arith.constant 7 : i32
      %and3A_1217 = arith.andi %squeeze3A_1215, %and3A_1216 : i32
      %and3A_1218 = arith.constant 31 : i32
      %and3A_1219 = arith.andi %add3A_1213, %and3A_1218 : i32
      %get3A_1220 = arith.index_cast %and3A_1219 : i32 to index
      %get3A_1221 = arith.index_cast %and3A_1217 : i32 to index
      %get3A_1222 = arith.constant 0 : index
      %get3A_1223 = tpu.vector_load %arg7[%get3A_1220, %get3A_1221, %get3A_1222] {strides = array<i32>} : memref<32x8x65xf32, #tpu.memory_space<vmem>>, vector<16xf32>,
      %get3A_1224 = arith.index_cast %add3A_1213 : i32 to index
      %get3A_1225 = arith.constant 0 : index
      %get3A_1226 = tpu.vector_load %arg8[%get3A_1224, %get3A_1225] {strides = array<i32>} : memref<512x64xf32, #tpu.memory_space<vmem>>, vector<16xf32>,
      %mul3A_1227 = arith.mulf %get3A_1223, %get3A_1226 : vector<16xf32>
      %get3A_1228 = arith.index_cast %and3A_1219 : i32 to index
      %get3A_1229 = arith.index_cast %and3A_1217 : i32 to index
      %get3A_1230 = arith.constant 16 : index
      %get3A_1231 = tpu.vector_load %arg7[%get3A_1228, %get3A_1229, %get3A_1230] {strides = array<i32>} : memref<32x8x65xf32, #tpu.memory_space<vmem>>, vector<16xf32>,
      %get3A_1232 = arith.index_cast %add3A_1213 : i32 to index
      %get3A_1233 = arith.constant 16 : index
      %get3A_1234 = tpu.vector_load %arg8[%get3A_1232, %get3A_1233] {strides = array<i32>} : memref<512x64xf32, #tpu.memory_space<vmem>>, vector<16xf32>,
      %mul3A_1235 = arith.mulf %get3A_1231, %get3A_1234 : vector<16xf32>
      %add3A_1236 = arith.addf %mul3A_1227, %mul3A_1235 : vector<16xf32>
      %get3A_1237 = arith.index_cast %and3A_1219 : i32 to index
      %get3A_1238 = arith.index_cast %and3A_1217 : i32 to index
      %get3A_1239 = arith.constant 32 : index
      %get3A_1240 = tpu.vector_load %arg7[%get3A_1237, %get3A_1238, %get3A_1239] {strides = array<i32>} : memref<32x8x65xf32, #tpu.memory_space<vmem>>, vector<16xf32>,
      %get3A_1241 = arith.index_cast %add3A_1213 : i32 to index
      %get3A_1242 = arith.constant 32 : index
      %get3A_1243 = tpu.vector_load %arg8[%get3A_1241, %get3A_1242] {strides = array<i32>} : memref<512x64xf32, #tpu.memory_space<vmem>>, vector<16xf32>,
      %mul3A_1244 = arith.mulf %get3A_1240, %get3A_1243 : vector<16xf32>
      %add3A_1245 = arith.addf %add3A_1236, %mul3A_1244 : vector<16xf32>
      %get3A_1246 = arith.index_cast %and3A_1219 : i32 to index
      %get3A_1247 = arith.index_cast %and3A_1217 : i32 to index
      %get3A_1248 = arith.constant 48 : index
      %get3A_1249 = tpu.vector_load %arg7[%get3A_1246, %get3A_1247, %get3A_1248] {strides = array<i32>} : memref<32x8x65xf32, #tpu.memory_space<vmem>>, vector<16xf32>,
      %get3A_1250 = arith.index_cast %add3A_1213 : i32 to index
      %get3A_1251 = arith.constant 48 : index
      %get3A_1252 = tpu.vector_load %arg8[%get3A_1250, %get3A_1251] {strides = array<i32>} : memref<512x64xf32, #tpu.memory_space<vmem>>, vector<16xf32>,
      %mul3A_1253 = arith.mulf %get3A_1249, %get3A_1252 : vector<16xf32>
      %add3A_1254 = arith.addf %add3A_1245, %mul3A_1253 : vector<16xf32>
      %swap3A_1255 = arith.constant 6 : i32
      %swap3A_1256 = arith.index_cast %swap3A_1255 : i32 to index
      %swap3A_1257 = arith.constant 0 : index
      %swap3A_1258 = tpu.vector_load %arg9[%swap3A_1256, %swap3A_1257] {strides = array<i32>} : memref<16x17xf32, #tpu.memory_space<vmem>>, vector<16xf32>,
      tpu.vector_store %arg9[%swap3A_1256, %swap3A_1257], %add3A_1254 {strides = array<i32>} : memref<16x17xf32, #tpu.memory_space<vmem>>, vector<16xf32>,
      %add3A_1259 = arith.constant 7 : i32
      %add3A_1260 = arith.addi %mul3A_928, %add3A_1259 : i32
      %slice3A_1261 = vector.extract_strided_slice %get3A_930 {offsets = [7], sizes = [1], strides = [1]} : vector<16xi32> to vector<1xi32>
      %squeeze3A_1262 = vector.extract %slice3A_1261[0] : i32 from vector<1xi32>
      %and3A_1263 = arith.constant 7 : i32
      %and3A_1264 = arith.andi %squeeze3A_1262, %and3A_1263 : i32
      %and3A_1265 = arith.constant 31 : i32
      %and3A_1266 = arith.andi %add3A_1260, %and3A_1265 : i32
      %get3A_1267 = arith.index_cast %and3A_1266 : i32 to index
      %get3A_1268 = arith.index_cast %and3A_1264 : i32 to index
      %get3A_1269 = arith.constant 0 : index
      %get3A_1270 = tpu.vector_load %arg7[%get3A_1267, %get3A_1268, %get3A_1269] {strides = array<i32>} : memref<32x8x65xf32, #tpu.memory_space<vmem>>, vector<16xf32>,
      %get3A_1271 = arith.index_cast %add3A_1260 : i32 to index
      %get3A_1272 = arith.constant 0 : index
      %get3A_1273 = tpu.vector_load %arg8[%get3A_1271, %get3A_1272] {strides = array<i32>} : memref<512x64xf32, #tpu.memory_space<vmem>>, vector<16xf32>,
      %mul3A_1274 = arith.mulf %get3A_1270, %get3A_1273 : vector<16xf32>
      %get3A_1275 = arith.index_cast %and3A_1266 : i32 to index
      %get3A_1276 = arith.index_cast %and3A_1264 : i32 to index
      %get3A_1277 = arith.constant 16 : index
      %get3A_1278 = tpu.vector_load %arg7[%get3A_1275, %get3A_1276, %get3A_1277] {strides = array<i32>} : memref<32x8x65xf32, #tpu.memory_space<vmem>>, vector<16xf32>,
      %get3A_1279 = arith.index_cast %add3A_1260 : i32 to index
      %get3A_1280 = arith.constant 16 : index
      %get3A_1281 = tpu.vector_load %arg8[%get3A_1279, %get3A_1280] {strides = array<i32>} : memref<512x64xf32, #tpu.memory_space<vmem>>, vector<16xf32>,
      %mul3A_1282 = arith.mulf %get3A_1278, %get3A_1281 : vector<16xf32>
      %add3A_1283 = arith.addf %mul3A_1274, %mul3A_1282 : vector<16xf32>
      %get3A_1284 = arith.index_cast %and3A_1266 : i32 to index
      %get3A_1285 = arith.index_cast %and3A_1264 : i32 to index
      %get3A_1286 = arith.constant 32 : index
      %get3A_1287 = tpu.vector_load %arg7[%get3A_1284, %get3A_1285, %get3A_1286] {strides = array<i32>} : memref<32x8x65xf32, #tpu.memory_space<vmem>>, vector<16xf32>,
      %get3A_1288 = arith.index_cast %add3A_1260 : i32 to index
      %get3A_1289 = arith.constant 32 : index
      %get3A_1290 = tpu.vector_load %arg8[%get3A_1288, %get3A_1289] {strides = array<i32>} : memref<512x64xf32, #tpu.memory_space<vmem>>, vector<16xf32>,
      %mul3A_1291 = arith.mulf %get3A_1287, %get3A_1290 : vector<16xf32>
      %add3A_1292 = arith.addf %add3A_1283, %mul3A_1291 : vector<16xf32>
      %get3A_1293 = arith.index_cast %and3A_1266 : i32 to index
      %get3A_1294 = arith.index_cast %and3A_1264 : i32 to index
      %get3A_1295 = arith.constant 48 : index
      %get3A_1296 = tpu.vector_load %arg7[%get3A_1293, %get3A_1294, %get3A_1295] {strides = array<i32>} : memref<32x8x65xf32, #tpu.memory_space<vmem>>, vector<16xf32>,
      %get3A_1297 = arith.index_cast %add3A_1260 : i32 to index
      %get3A_1298 = arith.constant 48 : index
      %get3A_1299 = tpu.vector_load %arg8[%get3A_1297, %get3A_1298] {strides = array<i32>} : memref<512x64xf32, #tpu.memory_space<vmem>>, vector<16xf32>,
      %mul3A_1300 = arith.mulf %get3A_1296, %get3A_1299 : vector<16xf32>
      %add3A_1301 = arith.addf %add3A_1292, %mul3A_1300 : vector<16xf32>
      %swap3A_1302 = arith.constant 7 : i32
      %swap3A_1303 = arith.index_cast %swap3A_1302 : i32 to index
      %swap3A_1304 = arith.constant 0 : index
      %swap3A_1305 = tpu.vector_load %arg9[%swap3A_1303, %swap3A_1304] {strides = array<i32>} : memref<16x17xf32, #tpu.memory_space<vmem>>, vector<16xf32>,
      tpu.vector_store %arg9[%swap3A_1303, %swap3A_1304], %add3A_1301 {strides = array<i32>} : memref<16x17xf32, #tpu.memory_space<vmem>>, vector<16xf32>,
      %add3A_1306 = arith.constant 8 : i32
      %add3A_1307 = arith.addi %mul3A_928, %add3A_1306 : i32
      %slice3A_1308 = vector.extract_strided_slice %get3A_930 {offsets = [8], sizes = [1], strides = [1]} : vector<16xi32> to vector<1xi32>
      %squeeze3A_1309 = vector.extract %slice3A_1308[0] : i32 from vector<1xi32>
      %and3A_1310 = arith.constant 7 : i32
      %and3A_1311 = arith.andi %squeeze3A_1309, %and3A_1310 : i32
      %and3A_1312 = arith.constant 31 : i32
      %and3A_1313 = arith.andi %add3A_1307, %and3A_1312 : i32
      %get3A_1314 = arith.index_cast %and3A_1313 : i32 to index
      %get3A_1315 = arith.index_cast %and3A_1311 : i32 to index
      %get3A_1316 = arith.constant 0 : index
      %get3A_1317 = tpu.vector_load %arg7[%get3A_1314, %get3A_1315, %get3A_1316] {strides = array<i32>} : memref<32x8x65xf32, #tpu.memory_space<vmem>>, vector<16xf32>,
      %get3A_1318 = arith.index_cast %add3A_1307 : i32 to index
      %get3A_1319 = arith.constant 0 : index
      %get3A_1320 = tpu.vector_load %arg8[%get3A_1318, %get3A_1319] {strides = array<i32>} : memref<512x64xf32, #tpu.memory_space<vmem>>, vector<16xf32>,
      %mul3A_1321 = arith.mulf %get3A_1317, %get3A_1320 : vector<16xf32>
      %get3A_1322 = arith.index_cast %and3A_1313 : i32 to index
      %get3A_1323 = arith.index_cast %and3A_1311 : i32 to index
      %get3A_1324 = arith.constant 16 : index
      %get3A_1325 = tpu.vector_load %arg7[%get3A_1322, %get3A_1323, %get3A_1324] {strides = array<i32>} : memref<32x8x65xf32, #tpu.memory_space<vmem>>, vector<16xf32>,
      %get3A_1326 = arith.index_cast %add3A_1307 : i32 to index
      %get3A_1327 = arith.constant 16 : index
      %get3A_1328 = tpu.vector_load %arg8[%get3A_1326, %get3A_1327] {strides = array<i32>} : memref<512x64xf32, #tpu.memory_space<vmem>>, vector<16xf32>,
      %mul3A_1329 = arith.mulf %get3A_1325, %get3A_1328 : vector<16xf32>
      %add3A_1330 = arith.addf %mul3A_1321, %mul3A_1329 : vector<16xf32>
      %get3A_1331 = arith.index_cast %and3A_1313 : i32 to index
      %get3A_1332 = arith.index_cast %and3A_1311 : i32 to index
      %get3A_1333 = arith.constant 32 : index
      %get3A_1334 = tpu.vector_load %arg7[%get3A_1331, %get3A_1332, %get3A_1333] {strides = array<i32>} : memref<32x8x65xf32, #tpu.memory_space<vmem>>, vector<16xf32>,
      %get3A_1335 = arith.index_cast %add3A_1307 : i32 to index
      %get3A_1336 = arith.constant 32 : index
      %get3A_1337 = tpu.vector_load %arg8[%get3A_1335, %get3A_1336] {strides = array<i32>} : memref<512x64xf32, #tpu.memory_space<vmem>>, vector<16xf32>,
      %mul3A_1338 = arith.mulf %get3A_1334, %get3A_1337 : vector<16xf32>
      %add3A_1339 = arith.addf %add3A_1330, %mul3A_1338 : vector<16xf32>
      %get3A_1340 = arith.index_cast %and3A_1313 : i32 to index
      %get3A_1341 = arith.index_cast %and3A_1311 : i32 to index
      %get3A_1342 = arith.constant 48 : index
      %get3A_1343 = tpu.vector_load %arg7[%get3A_1340, %get3A_1341, %get3A_1342] {strides = array<i32>} : memref<32x8x65xf32, #tpu.memory_space<vmem>>, vector<16xf32>,
      %get3A_1344 = arith.index_cast %add3A_1307 : i32 to index
      %get3A_1345 = arith.constant 48 : index
      %get3A_1346 = tpu.vector_load %arg8[%get3A_1344, %get3A_1345] {strides = array<i32>} : memref<512x64xf32, #tpu.memory_space<vmem>>, vector<16xf32>,
      %mul3A_1347 = arith.mulf %get3A_1343, %get3A_1346 : vector<16xf32>
      %add3A_1348 = arith.addf %add3A_1339, %mul3A_1347 : vector<16xf32>
      %swap3A_1349 = arith.constant 8 : i32
      %swap3A_1350 = arith.index_cast %swap3A_1349 : i32 to index
      %swap3A_1351 = arith.constant 0 : index
      %swap3A_1352 = tpu.vector_load %arg9[%swap3A_1350, %swap3A_1351] {strides = array<i32>} : memref<16x17xf32, #tpu.memory_space<vmem>>, vector<16xf32>,
      tpu.vector_store %arg9[%swap3A_1350, %swap3A_1351], %add3A_1348 {strides = array<i32>} : memref<16x17xf32, #tpu.memory_space<vmem>>, vector<16xf32>,
      %add3A_1353 = arith.constant 9 : i32
      %add3A_1354 = arith.addi %mul3A_928, %add3A_1353 : i32
      %slice3A_1355 = vector.extract_strided_slice %get3A_930 {offsets = [9], sizes = [1], strides = [1]} : vector<16xi32> to vector<1xi32>
      %squeeze3A_1356 = vector.extract %slice3A_1355[0] : i32 from vector<1xi32>
      %and3A_1357 = arith.constant 7 : i32
      %and3A_1358 = arith.andi %squeeze3A_1356, %and3A_1357 : i32
      %and3A_1359 = arith.constant 31 : i32
      %and3A_1360 = arith.andi %add3A_1354, %and3A_1359 : i32
      %get3A_1361 = arith.index_cast %and3A_1360 : i32 to index
      %get3A_1362 = arith.index_cast %and3A_1358 : i32 to index
      %get3A_1363 = arith.constant 0 : index
      %get3A_1364 = tpu.vector_load %arg7[%get3A_1361, %get3A_1362, %get3A_1363] {strides = array<i32>} : memref<32x8x65xf32, #tpu.memory_space<vmem>>, vector<16xf32>,
      %get3A_1365 = arith.index_cast %add3A_1354 : i32 to index
      %get3A_1366 = arith.constant 0 : index
      %get3A_1367 = tpu.vector_load %arg8[%get3A_1365, %get3A_1366] {strides = array<i32>} : memref<512x64xf32, #tpu.memory_space<vmem>>, vector<16xf32>,
      %mul3A_1368 = arith.mulf %get3A_1364, %get3A_1367 : vector<16xf32>
      %get3A_1369 = arith.index_cast %and3A_1360 : i32 to index
      %get3A_1370 = arith.index_cast %and3A_1358 : i32 to index
      %get3A_1371 = arith.constant 16 : index
      %get3A_1372 = tpu.vector_load %arg7[%get3A_1369, %get3A_1370, %get3A_1371] {strides = array<i32>} : memref<32x8x65xf32, #tpu.memory_space<vmem>>, vector<16xf32>,
      %get3A_1373 = arith.index_cast %add3A_1354 : i32 to index
      %get3A_1374 = arith.constant 16 : index
      %get3A_1375 = tpu.vector_load %arg8[%get3A_1373, %get3A_1374] {strides = array<i32>} : memref<512x64xf32, #tpu.memory_space<vmem>>, vector<16xf32>,
      %mul3A_1376 = arith.mulf %get3A_1372, %get3A_1375 : vector<16xf32>
      %add3A_1377 = arith.addf %mul3A_1368, %mul3A_1376 : vector<16xf32>
      %get3A_1378 = arith.index_cast %and3A_1360 : i32 to index
      %get3A_1379 = arith.index_cast %and3A_1358 : i32 to index
      %get3A_1380 = arith.constant 32 : index
      %get3A_1381 = tpu.vector_load %arg7[%get3A_1378, %get3A_1379, %get3A_1380] {strides = array<i32>} : memref<32x8x65xf32, #tpu.memory_space<vmem>>, vector<16xf32>,
      %get3A_1382 = arith.index_cast %add3A_1354 : i32 to index
      %get3A_1383 = arith.constant 32 : index
      %get3A_1384 = tpu.vector_load %arg8[%get3A_1382, %get3A_1383] {strides = array<i32>} : memref<512x64xf32, #tpu.memory_space<vmem>>, vector<16xf32>,
      %mul3A_1385 = arith.mulf %get3A_1381, %get3A_1384 : vector<16xf32>
      %add3A_1386 = arith.addf %add3A_1377, %mul3A_1385 : vector<16xf32>
      %get3A_1387 = arith.index_cast %and3A_1360 : i32 to index
      %get3A_1388 = arith.index_cast %and3A_1358 : i32 to index
      %get3A_1389 = arith.constant 48 : index
      %get3A_1390 = tpu.vector_load %arg7[%get3A_1387, %get3A_1388, %get3A_1389] {strides = array<i32>} : memref<32x8x65xf32, #tpu.memory_space<vmem>>, vector<16xf32>,
      %get3A_1391 = arith.index_cast %add3A_1354 : i32 to index
      %get3A_1392 = arith.constant 48 : index
      %get3A_1393 = tpu.vector_load %arg8[%get3A_1391, %get3A_1392] {strides = array<i32>} : memref<512x64xf32, #tpu.memory_space<vmem>>, vector<16xf32>,
      %mul3A_1394 = arith.mulf %get3A_1390, %get3A_1393 : vector<16xf32>
      %add3A_1395 = arith.addf %add3A_1386, %mul3A_1394 : vector<16xf32>
      %swap3A_1396 = arith.constant 9 : i32
      %swap3A_1397 = arith.index_cast %swap3A_1396 : i32 to index
      %swap3A_1398 = arith.constant 0 : index
      %swap3A_1399 = tpu.vector_load %arg9[%swap3A_1397, %swap3A_1398] {strides = array<i32>} : memref<16x17xf32, #tpu.memory_space<vmem>>, vector<16xf32>,
      tpu.vector_store %arg9[%swap3A_1397, %swap3A_1398], %add3A_1395 {strides = array<i32>} : memref<16x17xf32, #tpu.memory_space<vmem>>, vector<16xf32>,
      %add3A_1400 = arith.constant 10 : i32
      %add3A_1401 = arith.addi %mul3A_928, %add3A_1400 : i32
      %slice3A_1402 = vector.extract_strided_slice %get3A_930 {offsets = [10], sizes = [1], strides = [1]} : vector<16xi32> to vector<1xi32>
      %squeeze3A_1403 = vector.extract %slice3A_1402[0] : i32 from vector<1xi32>
      %and3A_1404 = arith.constant 7 : i32
      %and3A_1405 = arith.andi %squeeze3A_1403, %and3A_1404 : i32
      %and3A_1406 = arith.constant 31 : i32
      %and3A_1407 = arith.andi %add3A_1401, %and3A_1406 : i32
      %get3A_1408 = arith.index_cast %and3A_1407 : i32 to index
      %get3A_1409 = arith.index_cast %and3A_1405 : i32 to index
      %get3A_1410 = arith.constant 0 : index
      %get3A_1411 = tpu.vector_load %arg7[%get3A_1408, %get3A_1409, %get3A_1410] {strides = array<i32>} : memref<32x8x65xf32, #tpu.memory_space<vmem>>, vector<16xf32>,
      %get3A_1412 = arith.index_cast %add3A_1401 : i32 to index
      %get3A_1413 = arith.constant 0 : index
      %get3A_1414 = tpu.vector_load %arg8[%get3A_1412, %get3A_1413] {strides = array<i32>} : memref<512x64xf32, #tpu.memory_space<vmem>>, vector<16xf32>,
      %mul3A_1415 = arith.mulf %get3A_1411, %get3A_1414 : vector<16xf32>
      %get3A_1416 = arith.index_cast %and3A_1407 : i32 to index
      %get3A_1417 = arith.index_cast %and3A_1405 : i32 to index
      %get3A_1418 = arith.constant 16 : index
      %get3A_1419 = tpu.vector_load %arg7[%get3A_1416, %get3A_1417, %get3A_1418] {strides = array<i32>} : memref<32x8x65xf32, #tpu.memory_space<vmem>>, vector<16xf32>,
      %get3A_1420 = arith.index_cast %add3A_1401 : i32 to index
      %get3A_1421 = arith.constant 16 : index
      %get3A_1422 = tpu.vector_load %arg8[%get3A_1420, %get3A_1421] {strides = array<i32>} : memref<512x64xf32, #tpu.memory_space<vmem>>, vector<16xf32>,
      %mul3A_1423 = arith.mulf %get3A_1419, %get3A_1422 : vector<16xf32>
      %add3A_1424 = arith.addf %mul3A_1415, %mul3A_1423 : vector<16xf32>
      %get3A_1425 = arith.index_cast %and3A_1407 : i32 to index
      %get3A_1426 = arith.index_cast %and3A_1405 : i32 to index
      %get3A_1427 = arith.constant 32 : index
      %get3A_1428 = tpu.vector_load %arg7[%get3A_1425, %get3A_1426, %get3A_1427] {strides = array<i32>} : memref<32x8x65xf32, #tpu.memory_space<vmem>>, vector<16xf32>,
      %get3A_1429 = arith.index_cast %add3A_1401 : i32 to index
      %get3A_1430 = arith.constant 32 : index
      %get3A_1431 = tpu.vector_load %arg8[%get3A_1429, %get3A_1430] {strides = array<i32>} : memref<512x64xf32, #tpu.memory_space<vmem>>, vector<16xf32>,
      %mul3A_1432 = arith.mulf %get3A_1428, %get3A_1431 : vector<16xf32>
      %add3A_1433 = arith.addf %add3A_1424, %mul3A_1432 : vector<16xf32>
      %get3A_1434 = arith.index_cast %and3A_1407 : i32 to index
      %get3A_1435 = arith.index_cast %and3A_1405 : i32 to index
      %get3A_1436 = arith.constant 48 : index
      %get3A_1437 = tpu.vector_load %arg7[%get3A_1434, %get3A_1435, %get3A_1436] {strides = array<i32>} : memref<32x8x65xf32, #tpu.memory_space<vmem>>, vector<16xf32>,
      %get3A_1438 = arith.index_cast %add3A_1401 : i32 to index
      %get3A_1439 = arith.constant 48 : index
      %get3A_1440 = tpu.vector_load %arg8[%get3A_1438, %get3A_1439] {strides = array<i32>} : memref<512x64xf32, #tpu.memory_space<vmem>>, vector<16xf32>,
      %mul3A_1441 = arith.mulf %get3A_1437, %get3A_1440 : vector<16xf32>
      %add3A_1442 = arith.addf %add3A_1433, %mul3A_1441 : vector<16xf32>
      %swap3A_1443 = arith.constant 10 : i32
      %swap3A_1444 = arith.index_cast %swap3A_1443 : i32 to index
      %swap3A_1445 = arith.constant 0 : index
      %swap3A_1446 = tpu.vector_load %arg9[%swap3A_1444, %swap3A_1445] {strides = array<i32>} : memref<16x17xf32, #tpu.memory_space<vmem>>, vector<16xf32>,
      tpu.vector_store %arg9[%swap3A_1444, %swap3A_1445], %add3A_1442 {strides = array<i32>} : memref<16x17xf32, #tpu.memory_space<vmem>>, vector<16xf32>,
      %add3A_1447 = arith.constant 11 : i32
      %add3A_1448 = arith.addi %mul3A_928, %add3A_1447 : i32
      %slice3A_1449 = vector.extract_strided_slice %get3A_930 {offsets = [11], sizes = [1], strides = [1]} : vector<16xi32> to vector<1xi32>
      %squeeze3A_1450 = vector.extract %slice3A_1449[0] : i32 from vector<1xi32>
      %and3A_1451 = arith.constant 7 : i32
      %and3A_1452 = arith.andi %squeeze3A_1450, %and3A_1451 : i32
      %and3A_1453 = arith.constant 31 : i32
      %and3A_1454 = arith.andi %add3A_1448, %and3A_1453 : i32
      %get3A_1455 = arith.index_cast %and3A_1454 : i32 to index
      %get3A_1456 = arith.index_cast %and3A_1452 : i32 to index
      %get3A_1457 = arith.constant 0 : index
      %get3A_1458 = tpu.vector_load %arg7[%get3A_1455, %get3A_1456, %get3A_1457] {strides = array<i32>} : memref<32x8x65xf32, #tpu.memory_space<vmem>>, vector<16xf32>,
      %get3A_1459 = arith.index_cast %add3A_1448 : i32 to index
      %get3A_1460 = arith.constant 0 : index
      %get3A_1461 = tpu.vector_load %arg8[%get3A_1459, %get3A_1460] {strides = array<i32>} : memref<512x64xf32, #tpu.memory_space<vmem>>, vector<16xf32>,
      %mul3A_1462 = arith.mulf %get3A_1458, %get3A_1461 : vector<16xf32>
      %get3A_1463 = arith.index_cast %and3A_1454 : i32 to index
      %get3A_1464 = arith.index_cast %and3A_1452 : i32 to index
      %get3A_1465 = arith.constant 16 : index
      %get3A_1466 = tpu.vector_load %arg7[%get3A_1463, %get3A_1464, %get3A_1465] {strides = array<i32>} : memref<32x8x65xf32, #tpu.memory_space<vmem>>, vector<16xf32>,
      %get3A_1467 = arith.index_cast %add3A_1448 : i32 to index
      %get3A_1468 = arith.constant 16 : index
      %get3A_1469 = tpu.vector_load %arg8[%get3A_1467, %get3A_1468] {strides = array<i32>} : memref<512x64xf32, #tpu.memory_space<vmem>>, vector<16xf32>,
      %mul3A_1470 = arith.mulf %get3A_1466, %get3A_1469 : vector<16xf32>
      %add3A_1471 = arith.addf %mul3A_1462, %mul3A_1470 : vector<16xf32>
      %get3A_1472 = arith.index_cast %and3A_1454 : i32 to index
      %get3A_1473 = arith.index_cast %and3A_1452 : i32 to index
      %get3A_1474 = arith.constant 32 : index
      %get3A_1475 = tpu.vector_load %arg7[%get3A_1472, %get3A_1473, %get3A_1474] {strides = array<i32>} : memref<32x8x65xf32, #tpu.memory_space<vmem>>, vector<16xf32>,
      %get3A_1476 = arith.index_cast %add3A_1448 : i32 to index
      %get3A_1477 = arith.constant 32 : index
      %get3A_1478 = tpu.vector_load %arg8[%get3A_1476, %get3A_1477] {strides = array<i32>} : memref<512x64xf32, #tpu.memory_space<vmem>>, vector<16xf32>,
      %mul3A_1479 = arith.mulf %get3A_1475, %get3A_1478 : vector<16xf32>
      %add3A_1480 = arith.addf %add3A_1471, %mul3A_1479 : vector<16xf32>
      %get3A_1481 = arith.index_cast %and3A_1454 : i32 to index
      %get3A_1482 = arith.index_cast %and3A_1452 : i32 to index
      %get3A_1483 = arith.constant 48 : index
      %get3A_1484 = tpu.vector_load %arg7[%get3A_1481, %get3A_1482, %get3A_1483] {strides = array<i32>} : memref<32x8x65xf32, #tpu.memory_space<vmem>>, vector<16xf32>,
      %get3A_1485 = arith.index_cast %add3A_1448 : i32 to index
      %get3A_1486 = arith.constant 48 : index
      %get3A_1487 = tpu.vector_load %arg8[%get3A_1485, %get3A_1486] {strides = array<i32>} : memref<512x64xf32, #tpu.memory_space<vmem>>, vector<16xf32>,
      %mul3A_1488 = arith.mulf %get3A_1484, %get3A_1487 : vector<16xf32>
      %add3A_1489 = arith.addf %add3A_1480, %mul3A_1488 : vector<16xf32>
      %swap3A_1490 = arith.constant 11 : i32
      %swap3A_1491 = arith.index_cast %swap3A_1490 : i32 to index
      %swap3A_1492 = arith.constant 0 : index
      %swap3A_1493 = tpu.vector_load %arg9[%swap3A_1491, %swap3A_1492] {strides = array<i32>} : memref<16x17xf32, #tpu.memory_space<vmem>>, vector<16xf32>,
      tpu.vector_store %arg9[%swap3A_1491, %swap3A_1492], %add3A_1489 {strides = array<i32>} : memref<16x17xf32, #tpu.memory_space<vmem>>, vector<16xf32>,
      %add3A_1494 = arith.constant 12 : i32
      %add3A_1495 = arith.addi %mul3A_928, %add3A_1494 : i32
      %slice3A_1496 = vector.extract_strided_slice %get3A_930 {offsets = [12], sizes = [1], strides = [1]} : vector<16xi32> to vector<1xi32>
      %squeeze3A_1497 = vector.extract %slice3A_1496[0] : i32 from vector<1xi32>
      %and3A_1498 = arith.constant 7 : i32
      %and3A_1499 = arith.andi %squeeze3A_1497, %and3A_1498 : i32
      %and3A_1500 = arith.constant 31 : i32
      %and3A_1501 = arith.andi %add3A_1495, %and3A_1500 : i32
      %get3A_1502 = arith.index_cast %and3A_1501 : i32 to index
      %get3A_1503 = arith.index_cast %and3A_1499 : i32 to index
      %get3A_1504 = arith.constant 0 : index
      %get3A_1505 = tpu.vector_load %arg7[%get3A_1502, %get3A_1503, %get3A_1504] {strides = array<i32>} : memref<32x8x65xf32, #tpu.memory_space<vmem>>, vector<16xf32>,
      %get3A_1506 = arith.index_cast %add3A_1495 : i32 to index
      %get3A_1507 = arith.constant 0 : index
      %get3A_1508 = tpu.vector_load %arg8[%get3A_1506, %get3A_1507] {strides = array<i32>} : memref<512x64xf32, #tpu.memory_space<vmem>>, vector<16xf32>,
      %mul3A_1509 = arith.mulf %get3A_1505, %get3A_1508 : vector<16xf32>
      %get3A_1510 = arith.index_cast %and3A_1501 : i32 to index
      %get3A_1511 = arith.index_cast %and3A_1499 : i32 to index
      %get3A_1512 = arith.constant 16 : index
      %get3A_1513 = tpu.vector_load %arg7[%get3A_1510, %get3A_1511, %get3A_1512] {strides = array<i32>} : memref<32x8x65xf32, #tpu.memory_space<vmem>>, vector<16xf32>,
      %get3A_1514 = arith.index_cast %add3A_1495 : i32 to index
      %get3A_1515 = arith.constant 16 : index
      %get3A_1516 = tpu.vector_load %arg8[%get3A_1514, %get3A_1515] {strides = array<i32>} : memref<512x64xf32, #tpu.memory_space<vmem>>, vector<16xf32>,
      %mul3A_1517 = arith.mulf %get3A_1513, %get3A_1516 : vector<16xf32>
      %add3A_1518 = arith.addf %mul3A_1509, %mul3A_1517 : vector<16xf32>
      %get3A_1519 = arith.index_cast %and3A_1501 : i32 to index
      %get3A_1520 = arith.index_cast %and3A_1499 : i32 to index
      %get3A_1521 = arith.constant 32 : index
      %get3A_1522 = tpu.vector_load %arg7[%get3A_1519, %get3A_1520, %get3A_1521] {strides = array<i32>} : memref<32x8x65xf32, #tpu.memory_space<vmem>>, vector<16xf32>,
      %get3A_1523 = arith.index_cast %add3A_1495 : i32 to index
      %get3A_1524 = arith.constant 32 : index
      %get3A_1525 = tpu.vector_load %arg8[%get3A_1523, %get3A_1524] {strides = array<i32>} : memref<512x64xf32, #tpu.memory_space<vmem>>, vector<16xf32>,
      %mul3A_1526 = arith.mulf %get3A_1522, %get3A_1525 : vector<16xf32>
      %add3A_1527 = arith.addf %add3A_1518, %mul3A_1526 : vector<16xf32>
      %get3A_1528 = arith.index_cast %and3A_1501 : i32 to index
      %get3A_1529 = arith.index_cast %and3A_1499 : i32 to index
      %get3A_1530 = arith.constant 48 : index
      %get3A_1531 = tpu.vector_load %arg7[%get3A_1528, %get3A_1529, %get3A_1530] {strides = array<i32>} : memref<32x8x65xf32, #tpu.memory_space<vmem>>, vector<16xf32>,
      %get3A_1532 = arith.index_cast %add3A_1495 : i32 to index
      %get3A_1533 = arith.constant 48 : index
      %get3A_1534 = tpu.vector_load %arg8[%get3A_1532, %get3A_1533] {strides = array<i32>} : memref<512x64xf32, #tpu.memory_space<vmem>>, vector<16xf32>,
      %mul3A_1535 = arith.mulf %get3A_1531, %get3A_1534 : vector<16xf32>
      %add3A_1536 = arith.addf %add3A_1527, %mul3A_1535 : vector<16xf32>
      %swap3A_1537 = arith.constant 12 : i32
      %swap3A_1538 = arith.index_cast %swap3A_1537 : i32 to index
      %swap3A_1539 = arith.constant 0 : index
      %swap3A_1540 = tpu.vector_load %arg9[%swap3A_1538, %swap3A_1539] {strides = array<i32>} : memref<16x17xf32, #tpu.memory_space<vmem>>, vector<16xf32>,
      tpu.vector_store %arg9[%swap3A_1538, %swap3A_1539], %add3A_1536 {strides = array<i32>} : memref<16x17xf32, #tpu.memory_space<vmem>>, vector<16xf32>,
      %add3A_1541 = arith.constant 13 : i32
      %add3A_1542 = arith.addi %mul3A_928, %add3A_1541 : i32
      %slice3A_1543 = vector.extract_strided_slice %get3A_930 {offsets = [13], sizes = [1], strides = [1]} : vector<16xi32> to vector<1xi32>
      %squeeze3A_1544 = vector.extract %slice3A_1543[0] : i32 from vector<1xi32>
      %and3A_1545 = arith.constant 7 : i32
      %and3A_1546 = arith.andi %squeeze3A_1544, %and3A_1545 : i32
      %and3A_1547 = arith.constant 31 : i32
      %and3A_1548 = arith.andi %add3A_1542, %and3A_1547 : i32
      %get3A_1549 = arith.index_cast %and3A_1548 : i32 to index
      %get3A_1550 = arith.index_cast %and3A_1546 : i32 to index
      %get3A_1551 = arith.constant 0 : index
      %get3A_1552 = tpu.vector_load %arg7[%get3A_1549, %get3A_1550, %get3A_1551] {strides = array<i32>} : memref<32x8x65xf32, #tpu.memory_space<vmem>>, vector<16xf32>,
      %get3A_1553 = arith.index_cast %add3A_1542 : i32 to index
      %get3A_1554 = arith.constant 0 : index
      %get3A_1555 = tpu.vector_load %arg8[%get3A_1553, %get3A_1554] {strides = array<i32>} : memref<512x64xf32, #tpu.memory_space<vmem>>, vector<16xf32>,
      %mul3A_1556 = arith.mulf %get3A_1552, %get3A_1555 : vector<16xf32>
      %get3A_1557 = arith.index_cast %and3A_1548 : i32 to index
      %get3A_1558 = arith.index_cast %and3A_1546 : i32 to index
      %get3A_1559 = arith.constant 16 : index
      %get3A_1560 = tpu.vector_load %arg7[%get3A_1557, %get3A_1558, %get3A_1559] {strides = array<i32>} : memref<32x8x65xf32, #tpu.memory_space<vmem>>, vector<16xf32>,
      %get3A_1561 = arith.index_cast %add3A_1542 : i32 to index
      %get3A_1562 = arith.constant 16 : index
      %get3A_1563 = tpu.vector_load %arg8[%get3A_1561, %get3A_1562] {strides = array<i32>} : memref<512x64xf32, #tpu.memory_space<vmem>>, vector<16xf32>,
      %mul3A_1564 = arith.mulf %get3A_1560, %get3A_1563 : vector<16xf32>
      %add3A_1565 = arith.addf %mul3A_1556, %mul3A_1564 : vector<16xf32>
      %get3A_1566 = arith.index_cast %and3A_1548 : i32 to index
      %get3A_1567 = arith.index_cast %and3A_1546 : i32 to index
      %get3A_1568 = arith.constant 32 : index
      %get3A_1569 = tpu.vector_load %arg7[%get3A_1566, %get3A_1567, %get3A_1568] {strides = array<i32>} : memref<32x8x65xf32, #tpu.memory_space<vmem>>, vector<16xf32>,
      %get3A_1570 = arith.index_cast %add3A_1542 : i32 to index
      %get3A_1571 = arith.constant 32 : index
      %get3A_1572 = tpu.vector_load %arg8[%get3A_1570, %get3A_1571] {strides = array<i32>} : memref<512x64xf32, #tpu.memory_space<vmem>>, vector<16xf32>,
      %mul3A_1573 = arith.mulf %get3A_1569, %get3A_1572 : vector<16xf32>
      %add3A_1574 = arith.addf %add3A_1565, %mul3A_1573 : vector<16xf32>
      %get3A_1575 = arith.index_cast %and3A_1548 : i32 to index
      %get3A_1576 = arith.index_cast %and3A_1546 : i32 to index
      %get3A_1577 = arith.constant 48 : index
      %get3A_1578 = tpu.vector_load %arg7[%get3A_1575, %get3A_1576, %get3A_1577] {strides = array<i32>} : memref<32x8x65xf32, #tpu.memory_space<vmem>>, vector<16xf32>,
      %get3A_1579 = arith.index_cast %add3A_1542 : i32 to index
      %get3A_1580 = arith.constant 48 : index
      %get3A_1581 = tpu.vector_load %arg8[%get3A_1579, %get3A_1580] {strides = array<i32>} : memref<512x64xf32, #tpu.memory_space<vmem>>, vector<16xf32>,
      %mul3A_1582 = arith.mulf %get3A_1578, %get3A_1581 : vector<16xf32>
      %add3A_1583 = arith.addf %add3A_1574, %mul3A_1582 : vector<16xf32>
      %swap3A_1584 = arith.constant 13 : i32
      %swap3A_1585 = arith.index_cast %swap3A_1584 : i32 to index
      %swap3A_1586 = arith.constant 0 : index
      %swap3A_1587 = tpu.vector_load %arg9[%swap3A_1585, %swap3A_1586] {strides = array<i32>} : memref<16x17xf32, #tpu.memory_space<vmem>>, vector<16xf32>,
      tpu.vector_store %arg9[%swap3A_1585, %swap3A_1586], %add3A_1583 {strides = array<i32>} : memref<16x17xf32, #tpu.memory_space<vmem>>, vector<16xf32>,
      %add3A_1588 = arith.constant 14 : i32
      %add3A_1589 = arith.addi %mul3A_928, %add3A_1588 : i32
      %slice3A_1590 = vector.extract_strided_slice %get3A_930 {offsets = [14], sizes = [1], strides = [1]} : vector<16xi32> to vector<1xi32>
      %squeeze3A_1591 = vector.extract %slice3A_1590[0] : i32 from vector<1xi32>
      %and3A_1592 = arith.constant 7 : i32
      %and3A_1593 = arith.andi %squeeze3A_1591, %and3A_1592 : i32
      %and3A_1594 = arith.constant 31 : i32
      %and3A_1595 = arith.andi %add3A_1589, %and3A_1594 : i32
      %get3A_1596 = arith.index_cast %and3A_1595 : i32 to index
      %get3A_1597 = arith.index_cast %and3A_1593 : i32 to index
      %get3A_1598 = arith.constant 0 : index
      %get3A_1599 = tpu.vector_load %arg7[%get3A_1596, %get3A_1597, %get3A_1598] {strides = array<i32>} : memref<32x8x65xf32, #tpu.memory_space<vmem>>, vector<16xf32>,
      %get3A_1600 = arith.index_cast %add3A_1589 : i32 to index
      %get3A_1601 = arith.constant 0 : index
      %get3A_1602 = tpu.vector_load %arg8[%get3A_1600, %get3A_1601] {strides = array<i32>} : memref<512x64xf32, #tpu.memory_space<vmem>>, vector<16xf32>,
      %mul3A_1603 = arith.mulf %get3A_1599, %get3A_1602 : vector<16xf32>
      %get3A_1604 = arith.index_cast %and3A_1595 : i32 to index
      %get3A_1605 = arith.index_cast %and3A_1593 : i32 to index
      %get3A_1606 = arith.constant 16 : index
      %get3A_1607 = tpu.vector_load %arg7[%get3A_1604, %get3A_1605, %get3A_1606] {strides = array<i32>} : memref<32x8x65xf32, #tpu.memory_space<vmem>>, vector<16xf32>,
      %get3A_1608 = arith.index_cast %add3A_1589 : i32 to index
      %get3A_1609 = arith.constant 16 : index
      %get3A_1610 = tpu.vector_load %arg8[%get3A_1608, %get3A_1609] {strides = array<i32>} : memref<512x64xf32, #tpu.memory_space<vmem>>, vector<16xf32>,
      %mul3A_1611 = arith.mulf %get3A_1607, %get3A_1610 : vector<16xf32>
      %add3A_1612 = arith.addf %mul3A_1603, %mul3A_1611 : vector<16xf32>
      %get3A_1613 = arith.index_cast %and3A_1595 : i32 to index
      %get3A_1614 = arith.index_cast %and3A_1593 : i32 to index
      %get3A_1615 = arith.constant 32 : index
      %get3A_1616 = tpu.vector_load %arg7[%get3A_1613, %get3A_1614, %get3A_1615] {strides = array<i32>} : memref<32x8x65xf32, #tpu.memory_space<vmem>>, vector<16xf32>,
      %get3A_1617 = arith.index_cast %add3A_1589 : i32 to index
      %get3A_1618 = arith.constant 32 : index
      %get3A_1619 = tpu.vector_load %arg8[%get3A_1617, %get3A_1618] {strides = array<i32>} : memref<512x64xf32, #tpu.memory_space<vmem>>, vector<16xf32>,
      %mul3A_1620 = arith.mulf %get3A_1616, %get3A_1619 : vector<16xf32>
      %add3A_1621 = arith.addf %add3A_1612, %mul3A_1620 : vector<16xf32>
      %get3A_1622 = arith.index_cast %and3A_1595 : i32 to index
      %get3A_1623 = arith.index_cast %and3A_1593 : i32 to index
      %get3A_1624 = arith.constant 48 : index
      %get3A_1625 = tpu.vector_load %arg7[%get3A_1622, %get3A_1623, %get3A_1624] {strides = array<i32>} : memref<32x8x65xf32, #tpu.memory_space<vmem>>, vector<16xf32>,
      %get3A_1626 = arith.index_cast %add3A_1589 : i32 to index
      %get3A_1627 = arith.constant 48 : index
      %get3A_1628 = tpu.vector_load %arg8[%get3A_1626, %get3A_1627] {strides = array<i32>} : memref<512x64xf32, #tpu.memory_space<vmem>>, vector<16xf32>,
      %mul3A_1629 = arith.mulf %get3A_1625, %get3A_1628 : vector<16xf32>
      %add3A_1630 = arith.addf %add3A_1621, %mul3A_1629 : vector<16xf32>
      %swap3A_1631 = arith.constant 14 : i32
      %swap3A_1632 = arith.index_cast %swap3A_1631 : i32 to index
      %swap3A_1633 = arith.constant 0 : index
      %swap3A_1634 = tpu.vector_load %arg9[%swap3A_1632, %swap3A_1633] {strides = array<i32>} : memref<16x17xf32, #tpu.memory_space<vmem>>, vector<16xf32>,
      tpu.vector_store %arg9[%swap3A_1632, %swap3A_1633], %add3A_1630 {strides = array<i32>} : memref<16x17xf32, #tpu.memory_space<vmem>>, vector<16xf32>,
      %add3A_1635 = arith.constant 15 : i32
      %add3A_1636 = arith.addi %mul3A_928, %add3A_1635 : i32
      %slice3A_1637 = vector.extract_strided_slice %get3A_930 {offsets = [15], sizes = [1], strides = [1]} : vector<16xi32> to vector<1xi32>
      %squeeze3A_1638 = vector.extract %slice3A_1637[0] : i32 from vector<1xi32>
      %and3A_1639 = arith.constant 7 : i32
      %and3A_1640 = arith.andi %squeeze3A_1638, %and3A_1639 : i32
      %and3A_1641 = arith.constant 31 : i32
      %and3A_1642 = arith.andi %add3A_1636, %and3A_1641 : i32
      %get3A_1643 = arith.index_cast %and3A_1642 : i32 to index
      %get3A_1644 = arith.index_cast %and3A_1640 : i32 to index
      %get3A_1645 = arith.constant 0 : index
      %get3A_1646 = tpu.vector_load %arg7[%get3A_1643, %get3A_1644, %get3A_1645] {strides = array<i32>} : memref<32x8x65xf32, #tpu.memory_space<vmem>>, vector<16xf32>,
      %get3A_1647 = arith.index_cast %add3A_1636 : i32 to index
      %get3A_1648 = arith.constant 0 : index
      %get3A_1649 = tpu.vector_load %arg8[%get3A_1647, %get3A_1648] {strides = array<i32>} : memref<512x64xf32, #tpu.memory_space<vmem>>, vector<16xf32>,
      %mul3A_1650 = arith.mulf %get3A_1646, %get3A_1649 : vector<16xf32>
      %get3A_1651 = arith.index_cast %and3A_1642 : i32 to index
      %get3A_1652 = arith.index_cast %and3A_1640 : i32 to index
      %get3A_1653 = arith.constant 16 : index
      %get3A_1654 = tpu.vector_load %arg7[%get3A_1651, %get3A_1652, %get3A_1653] {strides = array<i32>} : memref<32x8x65xf32, #tpu.memory_space<vmem>>, vector<16xf32>,
      %get3A_1655 = arith.index_cast %add3A_1636 : i32 to index
      %get3A_1656 = arith.constant 16 : index
      %get3A_1657 = tpu.vector_load %arg8[%get3A_1655, %get3A_1656] {strides = array<i32>} : memref<512x64xf32, #tpu.memory_space<vmem>>, vector<16xf32>,
      %mul3A_1658 = arith.mulf %get3A_1654, %get3A_1657 : vector<16xf32>
      %add3A_1659 = arith.addf %mul3A_1650, %mul3A_1658 : vector<16xf32>
      %get3A_1660 = arith.index_cast %and3A_1642 : i32 to index
      %get3A_1661 = arith.index_cast %and3A_1640 : i32 to index
      %get3A_1662 = arith.constant 32 : index
      %get3A_1663 = tpu.vector_load %arg7[%get3A_1660, %get3A_1661, %get3A_1662] {strides = array<i32>} : memref<32x8x65xf32, #tpu.memory_space<vmem>>, vector<16xf32>,
      %get3A_1664 = arith.index_cast %add3A_1636 : i32 to index
      %get3A_1665 = arith.constant 32 : index
      %get3A_1666 = tpu.vector_load %arg8[%get3A_1664, %get3A_1665] {strides = array<i32>} : memref<512x64xf32, #tpu.memory_space<vmem>>, vector<16xf32>,
      %mul3A_1667 = arith.mulf %get3A_1663, %get3A_1666 : vector<16xf32>
      %add3A_1668 = arith.addf %add3A_1659, %mul3A_1667 : vector<16xf32>
      %get3A_1669 = arith.index_cast %and3A_1642 : i32 to index
      %get3A_1670 = arith.index_cast %and3A_1640 : i32 to index
      %get3A_1671 = arith.constant 48 : index
      %get3A_1672 = tpu.vector_load %arg7[%get3A_1669, %get3A_1670, %get3A_1671] {strides = array<i32>} : memref<32x8x65xf32, #tpu.memory_space<vmem>>, vector<16xf32>,
      %get3A_1673 = arith.index_cast %add3A_1636 : i32 to index
      %get3A_1674 = arith.constant 48 : index
      %get3A_1675 = tpu.vector_load %arg8[%get3A_1673, %get3A_1674] {strides = array<i32>} : memref<512x64xf32, #tpu.memory_space<vmem>>, vector<16xf32>,
      %mul3A_1676 = arith.mulf %get3A_1672, %get3A_1675 : vector<16xf32>
      %add3A_1677 = arith.addf %add3A_1668, %mul3A_1676 : vector<16xf32>
      %swap3A_1678 = arith.constant 15 : i32
      %swap3A_1679 = arith.index_cast %swap3A_1678 : i32 to index
      %swap3A_1680 = arith.constant 0 : index
      %swap3A_1681 = tpu.vector_load %arg9[%swap3A_1679, %swap3A_1680] {strides = array<i32>} : memref<16x17xf32, #tpu.memory_space<vmem>>, vector<16xf32>,
      tpu.vector_store %arg9[%swap3A_1679, %swap3A_1680], %add3A_1677 {strides = array<i32>} : memref<16x17xf32, #tpu.memory_space<vmem>>, vector<16xf32>,
      %broadcast_in_dim3A = arith.constant 0 : i32
      %broadcast_in_dim3A_1682 = vector.broadcast %broadcast_in_dim3A : i32 to vector<16xi32>
      %gather3A = tpu.vector_load_idx %arg9[%iota3A, %broadcast_in_dim3A_1682] : memref<16x17xf32, #tpu.memory_space<vmem>>[vector<16xi32>, vector<16xi32>], vector<16xf32>,
      %broadcast_in_dim3A_1683 = arith.constant 1 : i32
      %broadcast_in_dim3A_1684 = vector.broadcast %broadcast_in_dim3A_1683 : i32 to vector<16xi32>
      %gather3A_1685 = tpu.vector_load_idx %arg9[%iota3A, %broadcast_in_dim3A_1684] : memref<16x17xf32, #tpu.memory_space<vmem>>[vector<16xi32>, vector<16xi32>], vector<16xf32>,
      %add3A_1686 = arith.addf %gather3A, %gather3A_1685 : vector<16xf32>
      %broadcast_in_dim3A_1687 = arith.constant 2 : i32
      %broadcast_in_dim3A_1688 = vector.broadcast %broadcast_in_dim3A_1687 : i32 to vector<16xi32>
      %gather3A_1689 = tpu.vector_load_idx %arg9[%iota3A, %broadcast_in_dim3A_1688] : memref<16x17xf32, #tpu.memory_space<vmem>>[vector<16xi32>, vector<16xi32>], vector<16xf32>,
      %add3A_1690 = arith.addf %add3A_1686, %gather3A_1689 : vector<16xf32>
      %broadcast_in_dim3A_1691 = arith.constant 3 : i32
      %broadcast_in_dim3A_1692 = vector.broadcast %broadcast_in_dim3A_1691 : i32 to vector<16xi32>
      %gather3A_1693 = tpu.vector_load_idx %arg9[%iota3A, %broadcast_in_dim3A_1692] : memref<16x17xf32, #tpu.memory_space<vmem>>[vector<16xi32>, vector<16xi32>], vector<16xf32>,
      %add3A_1694 = arith.addf %add3A_1690, %gather3A_1693 : vector<16xf32>
      %broadcast_in_dim3A_1695 = arith.constant 4 : i32
      %broadcast_in_dim3A_1696 = vector.broadcast %broadcast_in_dim3A_1695 : i32 to vector<16xi32>
      %gather3A_1697 = tpu.vector_load_idx %arg9[%iota3A, %broadcast_in_dim3A_1696] : memref<16x17xf32, #tpu.memory_space<vmem>>[vector<16xi32>, vector<16xi32>], vector<16xf32>,
      %add3A_1698 = arith.addf %add3A_1694, %gather3A_1697 : vector<16xf32>
      %broadcast_in_dim3A_1699 = arith.constant 5 : i32
      %broadcast_in_dim3A_1700 = vector.broadcast %broadcast_in_dim3A_1699 : i32 to vector<16xi32>
      %gather3A_1701 = tpu.vector_load_idx %arg9[%iota3A, %broadcast_in_dim3A_1700] : memref<16x17xf32, #tpu.memory_space<vmem>>[vector<16xi32>, vector<16xi32>], vector<16xf32>,
      %add3A_1702 = arith.addf %add3A_1698, %gather3A_1701 : vector<16xf32>
      %broadcast_in_dim3A_1703 = arith.constant 6 : i32
      %broadcast_in_dim3A_1704 = vector.broadcast %broadcast_in_dim3A_1703 : i32 to vector<16xi32>
      %gather3A_1705 = tpu.vector_load_idx %arg9[%iota3A, %broadcast_in_dim3A_1704] : memref<16x17xf32, #tpu.memory_space<vmem>>[vector<16xi32>, vector<16xi32>], vector<16xf32>,
      %add3A_1706 = arith.addf %add3A_1702, %gather3A_1705 : vector<16xf32>
      %broadcast_in_dim3A_1707 = arith.constant 7 : i32
      %broadcast_in_dim3A_1708 = vector.broadcast %broadcast_in_dim3A_1707 : i32 to vector<16xi32>
      %gather3A_1709 = tpu.vector_load_idx %arg9[%iota3A, %broadcast_in_dim3A_1708] : memref<16x17xf32, #tpu.memory_space<vmem>>[vector<16xi32>, vector<16xi32>], vector<16xf32>,
      %add3A_1710 = arith.addf %add3A_1706, %gather3A_1709 : vector<16xf32>
      %broadcast_in_dim3A_1711 = arith.constant 8 : i32
      %broadcast_in_dim3A_1712 = vector.broadcast %broadcast_in_dim3A_1711 : i32 to vector<16xi32>
      %gather3A_1713 = tpu.vector_load_idx %arg9[%iota3A, %broadcast_in_dim3A_1712] : memref<16x17xf32, #tpu.memory_space<vmem>>[vector<16xi32>, vector<16xi32>], vector<16xf32>,
      %add3A_1714 = arith.addf %add3A_1710, %gather3A_1713 : vector<16xf32>
      %broadcast_in_dim3A_1715 = arith.constant 9 : i32
      %broadcast_in_dim3A_1716 = vector.broadcast %broadcast_in_dim3A_1715 : i32 to vector<16xi32>
      %gather3A_1717 = tpu.vector_load_idx %arg9[%iota3A, %broadcast_in_dim3A_1716] : memref<16x17xf32, #tpu.memory_space<vmem>>[vector<16xi32>, vector<16xi32>], vector<16xf32>,
      %add3A_1718 = arith.addf %add3A_1714, %gather3A_1717 : vector<16xf32>
      %broadcast_in_dim3A_1719 = arith.constant 10 : i32
      %broadcast_in_dim3A_1720 = vector.broadcast %broadcast_in_dim3A_1719 : i32 to vector<16xi32>
      %gather3A_1721 = tpu.vector_load_idx %arg9[%iota3A, %broadcast_in_dim3A_1720] : memref<16x17xf32, #tpu.memory_space<vmem>>[vector<16xi32>, vector<16xi32>], vector<16xf32>,
      %add3A_1722 = arith.addf %add3A_1718, %gather3A_1721 : vector<16xf32>
      %broadcast_in_dim3A_1723 = arith.constant 11 : i32
      %broadcast_in_dim3A_1724 = vector.broadcast %broadcast_in_dim3A_1723 : i32 to vector<16xi32>
      %gather3A_1725 = tpu.vector_load_idx %arg9[%iota3A, %broadcast_in_dim3A_1724] : memref<16x17xf32, #tpu.memory_space<vmem>>[vector<16xi32>, vector<16xi32>], vector<16xf32>,
      %add3A_1726 = arith.addf %add3A_1722, %gather3A_1725 : vector<16xf32>
      %broadcast_in_dim3A_1727 = arith.constant 12 : i32
      %broadcast_in_dim3A_1728 = vector.broadcast %broadcast_in_dim3A_1727 : i32 to vector<16xi32>
      %gather3A_1729 = tpu.vector_load_idx %arg9[%iota3A, %broadcast_in_dim3A_1728] : memref<16x17xf32, #tpu.memory_space<vmem>>[vector<16xi32>, vector<16xi32>], vector<16xf32>,
      %add3A_1730 = arith.addf %add3A_1726, %gather3A_1729 : vector<16xf32>
      %broadcast_in_dim3A_1731 = arith.constant 13 : i32
      %broadcast_in_dim3A_1732 = vector.broadcast %broadcast_in_dim3A_1731 : i32 to vector<16xi32>
      %gather3A_1733 = tpu.vector_load_idx %arg9[%iota3A, %broadcast_in_dim3A_1732] : memref<16x17xf32, #tpu.memory_space<vmem>>[vector<16xi32>, vector<16xi32>], vector<16xf32>,
      %add3A_1734 = arith.addf %add3A_1730, %gather3A_1733 : vector<16xf32>
      %broadcast_in_dim3A_1735 = arith.constant 14 : i32
      %broadcast_in_dim3A_1736 = vector.broadcast %broadcast_in_dim3A_1735 : i32 to vector<16xi32>
      %gather3A_1737 = tpu.vector_load_idx %arg9[%iota3A, %broadcast_in_dim3A_1736] : memref<16x17xf32, #tpu.memory_space<vmem>>[vector<16xi32>, vector<16xi32>], vector<16xf32>,
      %add3A_1738 = arith.addf %add3A_1734, %gather3A_1737 : vector<16xf32>
      %broadcast_in_dim3A_1739 = arith.constant 15 : i32
      %broadcast_in_dim3A_1740 = vector.broadcast %broadcast_in_dim3A_1739 : i32 to vector<16xi32>
      %gather3A_1741 = tpu.vector_load_idx %arg9[%iota3A, %broadcast_in_dim3A_1740] : memref<16x17xf32, #tpu.memory_space<vmem>>[vector<16xi32>, vector<16xi32>], vector<16xf32>,
      %add3A_1742 = arith.addf %add3A_1738, %gather3A_1741 : vector<16xf32>
      %add3A_1743 = vector.broadcast %mul3A_928 : i32 to vector<16xi32>
      %add3A_1744 = arith.addi %add3A_1743, %iota3A : vector<16xi32>
      %and3A_1745 = arith.constant 31 : i32
      %and3A_1746 = vector.broadcast %and3A_1745 : i32 to vector<16xi32>
      %and3A_1747 = arith.andi %add3A_1744, %and3A_1746 : vector<16xi32>
      %and3A_1748 = arith.constant 7 : i32
      %and3A_1749 = vector.broadcast %and3A_1748 : i32 to vector<16xi32>
      %and3A_1750 = arith.andi %get3A_930, %and3A_1749 : vector<16xi32>
      %broadcast_in_dim3A_1751 = arith.constant 1 : i32
      %broadcast_in_dim3A_1752 = vector.broadcast %broadcast_in_dim3A_1751 : i32 to vector<16xi32>
      %gather3A_1753 = tpu.vector_load_idx %arg7[%and3A_1747, %and3A_1750, %broadcast_in_dim3A_1752] : memref<32x8x65xf32, #tpu.memory_space<vmem>>[vector<16xi32>, vector<16xi32>, vector<16xi32>], vector<16xf32>,
      %add3A_1754 = arith.addf %add3A_1742, %gather3A_1753 : vector<16xf32>
      %neg3A = arith.constant 0.000000e+00 : f32
      %neg3A_1755 = vector.broadcast %neg3A : f32 to vector<16xf32>
      %neg3A_1756 = arith.subf %neg3A_1755, %add3A_1754 : vector<16xf32>
      %exp3A = math.exp %neg3A_1756 : vector<16xf32>
      %add3A_1757 = arith.constant 1.000000e+00 : f32
      %add3A_1758 = vector.broadcast %add3A_1757 : f32 to vector<16xf32>
      %add3A_1759 = arith.addf %add3A_1758, %exp3A : vector<16xf32>
      %div3A = arith.constant 1.000000e+00 : f32
      %div3A_1760 = vector.broadcast %div3A : f32 to vector<16xf32>
      %div3A_1761 = arith.divf %div3A_1760, %add3A_1759 : vector<16xf32>
      %swap3A_1762 = arith.index_cast %mul3A_928 : i32 to index
      %swap3A_1763 = tpu.vector_load %arg10[%swap3A_1762] {strides = array<i32>} : memref<512xf32, #tpu.memory_space<vmem>>, vector<16xf32>,
      tpu.vector_store %arg10[%swap3A_1762], %div3A_1761 {strides = array<i32>} : memref<512xf32, #tpu.memory_space<vmem>>, vector<16xf32>,
      %lt3A = arith.constant 30 : i32
      %lt3A_1764 = arith.cmpi slt, %scan3A_685, %lt3A : i32
      %convert_element_type3A = arith.extui %lt3A_1764 : i1 to i32
      %cond3A = arith.constant 0 : i32
      %cond3A_1765 = arith.cmpi ne, %convert_element_type3A, %cond3A : i32
      scf.if %cond3A_1765 {
        %add3A_1767 = arith.constant 2 : i32
        %add3A_1768 = arith.addi %scan3A_685, %add3A_1767 : i32
        %mul3A_1769 = arith.constant 16 : i32
        %mul3A_1770 = arith.muli %add3A_1768, %mul3A_1769 : i32
        %get3A_1771 = arith.index_cast %mul3A_1770 : i32 to index
        %get3A_1772 = tpu.vector_load %arg6[%get3A_1771] {strides = array<i32>} : memref<512xi32, #tpu.memory_space<vmem>>, vector<16xi32>,
        %mul3A_1773 = arith.constant 16 : i32
        %mul3A_1774 = arith.muli %add3A_1768, %mul3A_1773 : i32
        %add3A_1775 = arith.constant 0 : i32
        %add3A_1776 = arith.addi %mul3A_1774, %add3A_1775 : i32
        %slice3A_1777 = vector.extract_strided_slice %get3A_1772 {offsets = [0], sizes = [1], strides = [1]} : vector<16xi32> to vector<1xi32>
        %squeeze3A_1778 = vector.extract %slice3A_1777[0] : i32 from vector<1xi32>
        %and3A_1779 = arith.constant 7 : i32
        %and3A_1780 = arith.andi %squeeze3A_1778, %and3A_1779 : i32
        %sub3A_1781 = arith.subi %squeeze3A_1778, %and3A_1780 : i32
        %multiple_of3A_1782 = tpu.assume_multiple %sub3A_1781, 8 : i32
        %and3A_1783 = arith.constant 31 : i32
        %and3A_1784 = arith.andi %add3A_1776, %and3A_1783 : i32
        %dma_start3A_1785 = arith.constant 0 : i32
        %dma_start3A_1786 = arith.constant 0 : i32
        %dma_start3A_1787 = tpu.memref_slice %arg7[%and3A_1784, %dma_start3A_1785, %dma_start3A_1786] : memref<32x8x65xf32, #tpu.memory_space<vmem>> -> memref<1x8x65xf32, #tpu.memory_space<vmem>>
        %dma_start3A_1788 = tpu.memref_squeeze %dma_start3A_1787 : memref<1x8x65xf32, #tpu.memory_space<vmem>> -> memref<8x65xf32, #tpu.memory_space<vmem>>
        %dma_start3A_1789 = arith.constant 0 : i32
        %dma_start3A_1790 = tpu.memref_slice %arg3[%multiple_of3A_1782, %dma_start3A_1789] : memref<100000x65xf32, #tpu.memory_space<hbm>> -> memref<8x65xf32, #tpu.memory_space<hbm>>
        %dma_start3A_1791 = arith.constant 0 : i32
        %dma_start3A_1792 = arith.constant 0 : i32
        %dma_start3A_1793 = tpu.memref_slice %arg7[%and3A_1784, %dma_start3A_1791, %dma_start3A_1792] : memref<32x8x65xf32, #tpu.memory_space<vmem>> -> memref<1x8x65xf32, #tpu.memory_space<vmem>>
        %dma_start3A_1794 = tpu.memref_squeeze %dma_start3A_1793 : memref<1x8x65xf32, #tpu.memory_space<vmem>> -> memref<8x65xf32, #tpu.memory_space<vmem>>
        %dma_start3A_1795 = arith.constant 0 : i32
        %dma_start3A_1796 = tpu.memref_slice %arg3[%multiple_of3A_1782, %dma_start3A_1795] : memref<100000x65xf32, #tpu.memory_space<hbm>> -> memref<8x65xf32, #tpu.memory_space<hbm>>
        tpu.enqueue_dma source(%dma_start3A_1796 : memref<8x65xf32, #tpu.memory_space<hbm>>) target(%dma_start3A_1794 : memref<8x65xf32, #tpu.memory_space<vmem>>) target_semaphore(%arg11 : memref<!tpu.dma_semaphore, #tpu.memory_space<semaphore_mem>>)
        %mul3A_1797 = arith.constant 16 : i32
        %mul3A_1798 = arith.muli %add3A_1768, %mul3A_1797 : i32
        %add3A_1799 = arith.constant 1 : i32
        %add3A_1800 = arith.addi %mul3A_1798, %add3A_1799 : i32
        %slice3A_1801 = vector.extract_strided_slice %get3A_1772 {offsets = [1], sizes = [1], strides = [1]} : vector<16xi32> to vector<1xi32>
        %squeeze3A_1802 = vector.extract %slice3A_1801[0] : i32 from vector<1xi32>
        %and3A_1803 = arith.constant 7 : i32
        %and3A_1804 = arith.andi %squeeze3A_1802, %and3A_1803 : i32
        %sub3A_1805 = arith.subi %squeeze3A_1802, %and3A_1804 : i32
        %multiple_of3A_1806 = tpu.assume_multiple %sub3A_1805, 8 : i32
        %and3A_1807 = arith.constant 31 : i32
        %and3A_1808 = arith.andi %add3A_1800, %and3A_1807 : i32
        %dma_start3A_1809 = arith.constant 0 : i32
        %dma_start3A_1810 = arith.constant 0 : i32
        %dma_start3A_1811 = tpu.memref_slice %arg7[%and3A_1808, %dma_start3A_1809, %dma_start3A_1810] : memref<32x8x65xf32, #tpu.memory_space<vmem>> -> memref<1x8x65xf32, #tpu.memory_space<vmem>>
        %dma_start3A_1812 = tpu.memref_squeeze %dma_start3A_1811 : memref<1x8x65xf32, #tpu.memory_space<vmem>> -> memref<8x65xf32, #tpu.memory_space<vmem>>
        %dma_start3A_1813 = arith.constant 0 : i32
        %dma_start3A_1814 = tpu.memref_slice %arg3[%multiple_of3A_1806, %dma_start3A_1813] : memref<100000x65xf32, #tpu.memory_space<hbm>> -> memref<8x65xf32, #tpu.memory_space<hbm>>
        %dma_start3A_1815 = arith.constant 0 : i32
        %dma_start3A_1816 = arith.constant 0 : i32
        %dma_start3A_1817 = tpu.memref_slice %arg7[%and3A_1808, %dma_start3A_1815, %dma_start3A_1816] : memref<32x8x65xf32, #tpu.memory_space<vmem>> -> memref<1x8x65xf32, #tpu.memory_space<vmem>>
        %dma_start3A_1818 = tpu.memref_squeeze %dma_start3A_1817 : memref<1x8x65xf32, #tpu.memory_space<vmem>> -> memref<8x65xf32, #tpu.memory_space<vmem>>
        %dma_start3A_1819 = arith.constant 0 : i32
        %dma_start3A_1820 = tpu.memref_slice %arg3[%multiple_of3A_1806, %dma_start3A_1819] : memref<100000x65xf32, #tpu.memory_space<hbm>> -> memref<8x65xf32, #tpu.memory_space<hbm>>
        tpu.enqueue_dma source(%dma_start3A_1820 : memref<8x65xf32, #tpu.memory_space<hbm>>) target(%dma_start3A_1818 : memref<8x65xf32, #tpu.memory_space<vmem>>) target_semaphore(%arg11 : memref<!tpu.dma_semaphore, #tpu.memory_space<semaphore_mem>>)
        %mul3A_1821 = arith.constant 16 : i32
        %mul3A_1822 = arith.muli %add3A_1768, %mul3A_1821 : i32
        %add3A_1823 = arith.constant 2 : i32
        %add3A_1824 = arith.addi %mul3A_1822, %add3A_1823 : i32
        %slice3A_1825 = vector.extract_strided_slice %get3A_1772 {offsets = [2], sizes = [1], strides = [1]} : vector<16xi32> to vector<1xi32>
        %squeeze3A_1826 = vector.extract %slice3A_1825[0] : i32 from vector<1xi32>
        %and3A_1827 = arith.constant 7 : i32
        %and3A_1828 = arith.andi %squeeze3A_1826, %and3A_1827 : i32
        %sub3A_1829 = arith.subi %squeeze3A_1826, %and3A_1828 : i32
        %multiple_of3A_1830 = tpu.assume_multiple %sub3A_1829, 8 : i32
        %and3A_1831 = arith.constant 31 : i32
        %and3A_1832 = arith.andi %add3A_1824, %and3A_1831 : i32
        %dma_start3A_1833 = arith.constant 0 : i32
        %dma_start3A_1834 = arith.constant 0 : i32
        %dma_start3A_1835 = tpu.memref_slice %arg7[%and3A_1832, %dma_start3A_1833, %dma_start3A_1834] : memref<32x8x65xf32, #tpu.memory_space<vmem>> -> memref<1x8x65xf32, #tpu.memory_space<vmem>>
        %dma_start3A_1836 = tpu.memref_squeeze %dma_start3A_1835 : memref<1x8x65xf32, #tpu.memory_space<vmem>> -> memref<8x65xf32, #tpu.memory_space<vmem>>
        %dma_start3A_1837 = arith.constant 0 : i32
        %dma_start3A_1838 = tpu.memref_slice %arg3[%multiple_of3A_1830, %dma_start3A_1837] : memref<100000x65xf32, #tpu.memory_space<hbm>> -> memref<8x65xf32, #tpu.memory_space<hbm>>
        %dma_start3A_1839 = arith.constant 0 : i32
        %dma_start3A_1840 = arith.constant 0 : i32
        %dma_start3A_1841 = tpu.memref_slice %arg7[%and3A_1832, %dma_start3A_1839, %dma_start3A_1840] : memref<32x8x65xf32, #tpu.memory_space<vmem>> -> memref<1x8x65xf32, #tpu.memory_space<vmem>>
        %dma_start3A_1842 = tpu.memref_squeeze %dma_start3A_1841 : memref<1x8x65xf32, #tpu.memory_space<vmem>> -> memref<8x65xf32, #tpu.memory_space<vmem>>
        %dma_start3A_1843 = arith.constant 0 : i32
        %dma_start3A_1844 = tpu.memref_slice %arg3[%multiple_of3A_1830, %dma_start3A_1843] : memref<100000x65xf32, #tpu.memory_space<hbm>> -> memref<8x65xf32, #tpu.memory_space<hbm>>
        tpu.enqueue_dma source(%dma_start3A_1844 : memref<8x65xf32, #tpu.memory_space<hbm>>) target(%dma_start3A_1842 : memref<8x65xf32, #tpu.memory_space<vmem>>) target_semaphore(%arg11 : memref<!tpu.dma_semaphore, #tpu.memory_space<semaphore_mem>>)
        %mul3A_1845 = arith.constant 16 : i32
        %mul3A_1846 = arith.muli %add3A_1768, %mul3A_1845 : i32
        %add3A_1847 = arith.constant 3 : i32
        %add3A_1848 = arith.addi %mul3A_1846, %add3A_1847 : i32
        %slice3A_1849 = vector.extract_strided_slice %get3A_1772 {offsets = [3], sizes = [1], strides = [1]} : vector<16xi32> to vector<1xi32>
        %squeeze3A_1850 = vector.extract %slice3A_1849[0] : i32 from vector<1xi32>
        %and3A_1851 = arith.constant 7 : i32
        %and3A_1852 = arith.andi %squeeze3A_1850, %and3A_1851 : i32
        %sub3A_1853 = arith.subi %squeeze3A_1850, %and3A_1852 : i32
        %multiple_of3A_1854 = tpu.assume_multiple %sub3A_1853, 8 : i32
        %and3A_1855 = arith.constant 31 : i32
        %and3A_1856 = arith.andi %add3A_1848, %and3A_1855 : i32
        %dma_start3A_1857 = arith.constant 0 : i32
        %dma_start3A_1858 = arith.constant 0 : i32
        %dma_start3A_1859 = tpu.memref_slice %arg7[%and3A_1856, %dma_start3A_1857, %dma_start3A_1858] : memref<32x8x65xf32, #tpu.memory_space<vmem>> -> memref<1x8x65xf32, #tpu.memory_space<vmem>>
        %dma_start3A_1860 = tpu.memref_squeeze %dma_start3A_1859 : memref<1x8x65xf32, #tpu.memory_space<vmem>> -> memref<8x65xf32, #tpu.memory_space<vmem>>
        %dma_start3A_1861 = arith.constant 0 : i32
        %dma_start3A_1862 = tpu.memref_slice %arg3[%multiple_of3A_1854, %dma_start3A_1861] : memref<100000x65xf32, #tpu.memory_space<hbm>> -> memref<8x65xf32, #tpu.memory_space<hbm>>
        %dma_start3A_1863 = arith.constant 0 : i32
        %dma_start3A_1864 = arith.constant 0 : i32
        %dma_start3A_1865 = tpu.memref_slice %arg7[%and3A_1856, %dma_start3A_1863, %dma_start3A_1864] : memref<32x8x65xf32, #tpu.memory_space<vmem>> -> memref<1x8x65xf32, #tpu.memory_space<vmem>>
        %dma_start3A_1866 = tpu.memref_squeeze %dma_start3A_1865 : memref<1x8x65xf32, #tpu.memory_space<vmem>> -> memref<8x65xf32, #tpu.memory_space<vmem>>
        %dma_start3A_1867 = arith.constant 0 : i32
        %dma_start3A_1868 = tpu.memref_slice %arg3[%multiple_of3A_1854, %dma_start3A_1867] : memref<100000x65xf32, #tpu.memory_space<hbm>> -> memref<8x65xf32, #tpu.memory_space<hbm>>
        tpu.enqueue_dma source(%dma_start3A_1868 : memref<8x65xf32, #tpu.memory_space<hbm>>) target(%dma_start3A_1866 : memref<8x65xf32, #tpu.memory_space<vmem>>) target_semaphore(%arg11 : memref<!tpu.dma_semaphore, #tpu.memory_space<semaphore_mem>>)
        %mul3A_1869 = arith.constant 16 : i32
        %mul3A_1870 = arith.muli %add3A_1768, %mul3A_1869 : i32
        %add3A_1871 = arith.constant 4 : i32
        %add3A_1872 = arith.addi %mul3A_1870, %add3A_1871 : i32
        %slice3A_1873 = vector.extract_strided_slice %get3A_1772 {offsets = [4], sizes = [1], strides = [1]} : vector<16xi32> to vector<1xi32>
        %squeeze3A_1874 = vector.extract %slice3A_1873[0] : i32 from vector<1xi32>
        %and3A_1875 = arith.constant 7 : i32
        %and3A_1876 = arith.andi %squeeze3A_1874, %and3A_1875 : i32
        %sub3A_1877 = arith.subi %squeeze3A_1874, %and3A_1876 : i32
        %multiple_of3A_1878 = tpu.assume_multiple %sub3A_1877, 8 : i32
        %and3A_1879 = arith.constant 31 : i32
        %and3A_1880 = arith.andi %add3A_1872, %and3A_1879 : i32
        %dma_start3A_1881 = arith.constant 0 : i32
        %dma_start3A_1882 = arith.constant 0 : i32
        %dma_start3A_1883 = tpu.memref_slice %arg7[%and3A_1880, %dma_start3A_1881, %dma_start3A_1882] : memref<32x8x65xf32, #tpu.memory_space<vmem>> -> memref<1x8x65xf32, #tpu.memory_space<vmem>>
        %dma_start3A_1884 = tpu.memref_squeeze %dma_start3A_1883 : memref<1x8x65xf32, #tpu.memory_space<vmem>> -> memref<8x65xf32, #tpu.memory_space<vmem>>
        %dma_start3A_1885 = arith.constant 0 : i32
        %dma_start3A_1886 = tpu.memref_slice %arg3[%multiple_of3A_1878, %dma_start3A_1885] : memref<100000x65xf32, #tpu.memory_space<hbm>> -> memref<8x65xf32, #tpu.memory_space<hbm>>
        %dma_start3A_1887 = arith.constant 0 : i32
        %dma_start3A_1888 = arith.constant 0 : i32
        %dma_start3A_1889 = tpu.memref_slice %arg7[%and3A_1880, %dma_start3A_1887, %dma_start3A_1888] : memref<32x8x65xf32, #tpu.memory_space<vmem>> -> memref<1x8x65xf32, #tpu.memory_space<vmem>>
        %dma_start3A_1890 = tpu.memref_squeeze %dma_start3A_1889 : memref<1x8x65xf32, #tpu.memory_space<vmem>> -> memref<8x65xf32, #tpu.memory_space<vmem>>
        %dma_start3A_1891 = arith.constant 0 : i32
        %dma_start3A_1892 = tpu.memref_slice %arg3[%multiple_of3A_1878, %dma_start3A_1891] : memref<100000x65xf32, #tpu.memory_space<hbm>> -> memref<8x65xf32, #tpu.memory_space<hbm>>
        tpu.enqueue_dma source(%dma_start3A_1892 : memref<8x65xf32, #tpu.memory_space<hbm>>) target(%dma_start3A_1890 : memref<8x65xf32, #tpu.memory_space<vmem>>) target_semaphore(%arg11 : memref<!tpu.dma_semaphore, #tpu.memory_space<semaphore_mem>>)
        %mul3A_1893 = arith.constant 16 : i32
        %mul3A_1894 = arith.muli %add3A_1768, %mul3A_1893 : i32
        %add3A_1895 = arith.constant 5 : i32
        %add3A_1896 = arith.addi %mul3A_1894, %add3A_1895 : i32
        %slice3A_1897 = vector.extract_strided_slice %get3A_1772 {offsets = [5], sizes = [1], strides = [1]} : vector<16xi32> to vector<1xi32>
        %squeeze3A_1898 = vector.extract %slice3A_1897[0] : i32 from vector<1xi32>
        %and3A_1899 = arith.constant 7 : i32
        %and3A_1900 = arith.andi %squeeze3A_1898, %and3A_1899 : i32
        %sub3A_1901 = arith.subi %squeeze3A_1898, %and3A_1900 : i32
        %multiple_of3A_1902 = tpu.assume_multiple %sub3A_1901, 8 : i32
        %and3A_1903 = arith.constant 31 : i32
        %and3A_1904 = arith.andi %add3A_1896, %and3A_1903 : i32
        %dma_start3A_1905 = arith.constant 0 : i32
        %dma_start3A_1906 = arith.constant 0 : i32
        %dma_start3A_1907 = tpu.memref_slice %arg7[%and3A_1904, %dma_start3A_1905, %dma_start3A_1906] : memref<32x8x65xf32, #tpu.memory_space<vmem>> -> memref<1x8x65xf32, #tpu.memory_space<vmem>>
        %dma_start3A_1908 = tpu.memref_squeeze %dma_start3A_1907 : memref<1x8x65xf32, #tpu.memory_space<vmem>> -> memref<8x65xf32, #tpu.memory_space<vmem>>
        %dma_start3A_1909 = arith.constant 0 : i32
        %dma_start3A_1910 = tpu.memref_slice %arg3[%multiple_of3A_1902, %dma_start3A_1909] : memref<100000x65xf32, #tpu.memory_space<hbm>> -> memref<8x65xf32, #tpu.memory_space<hbm>>
        %dma_start3A_1911 = arith.constant 0 : i32
        %dma_start3A_1912 = arith.constant 0 : i32
        %dma_start3A_1913 = tpu.memref_slice %arg7[%and3A_1904, %dma_start3A_1911, %dma_start3A_1912] : memref<32x8x65xf32, #tpu.memory_space<vmem>> -> memref<1x8x65xf32, #tpu.memory_space<vmem>>
        %dma_start3A_1914 = tpu.memref_squeeze %dma_start3A_1913 : memref<1x8x65xf32, #tpu.memory_space<vmem>> -> memref<8x65xf32, #tpu.memory_space<vmem>>
        %dma_start3A_1915 = arith.constant 0 : i32
        %dma_start3A_1916 = tpu.memref_slice %arg3[%multiple_of3A_1902, %dma_start3A_1915] : memref<100000x65xf32, #tpu.memory_space<hbm>> -> memref<8x65xf32, #tpu.memory_space<hbm>>
        tpu.enqueue_dma source(%dma_start3A_1916 : memref<8x65xf32, #tpu.memory_space<hbm>>) target(%dma_start3A_1914 : memref<8x65xf32, #tpu.memory_space<vmem>>) target_semaphore(%arg11 : memref<!tpu.dma_semaphore, #tpu.memory_space<semaphore_mem>>)
        %mul3A_1917 = arith.constant 16 : i32
        %mul3A_1918 = arith.muli %add3A_1768, %mul3A_1917 : i32
        %add3A_1919 = arith.constant 6 : i32
        %add3A_1920 = arith.addi %mul3A_1918, %add3A_1919 : i32
        %slice3A_1921 = vector.extract_strided_slice %get3A_1772 {offsets = [6], sizes = [1], strides = [1]} : vector<16xi32> to vector<1xi32>
        %squeeze3A_1922 = vector.extract %slice3A_1921[0] : i32 from vector<1xi32>
        %and3A_1923 = arith.constant 7 : i32
        %and3A_1924 = arith.andi %squeeze3A_1922, %and3A_1923 : i32
        %sub3A_1925 = arith.subi %squeeze3A_1922, %and3A_1924 : i32
        %multiple_of3A_1926 = tpu.assume_multiple %sub3A_1925, 8 : i32
        %and3A_1927 = arith.constant 31 : i32
        %and3A_1928 = arith.andi %add3A_1920, %and3A_1927 : i32
        %dma_start3A_1929 = arith.constant 0 : i32
        %dma_start3A_1930 = arith.constant 0 : i32
        %dma_start3A_1931 = tpu.memref_slice %arg7[%and3A_1928, %dma_start3A_1929, %dma_start3A_1930] : memref<32x8x65xf32, #tpu.memory_space<vmem>> -> memref<1x8x65xf32, #tpu.memory_space<vmem>>
        %dma_start3A_1932 = tpu.memref_squeeze %dma_start3A_1931 : memref<1x8x65xf32, #tpu.memory_space<vmem>> -> memref<8x65xf32, #tpu.memory_space<vmem>>
        %dma_start3A_1933 = arith.constant 0 : i32
        %dma_start3A_1934 = tpu.memref_slice %arg3[%multiple_of3A_1926, %dma_start3A_1933] : memref<100000x65xf32, #tpu.memory_space<hbm>> -> memref<8x65xf32, #tpu.memory_space<hbm>>
        %dma_start3A_1935 = arith.constant 0 : i32
        %dma_start3A_1936 = arith.constant 0 : i32
        %dma_start3A_1937 = tpu.memref_slice %arg7[%and3A_1928, %dma_start3A_1935, %dma_start3A_1936] : memref<32x8x65xf32, #tpu.memory_space<vmem>> -> memref<1x8x65xf32, #tpu.memory_space<vmem>>
        %dma_start3A_1938 = tpu.memref_squeeze %dma_start3A_1937 : memref<1x8x65xf32, #tpu.memory_space<vmem>> -> memref<8x65xf32, #tpu.memory_space<vmem>>
        %dma_start3A_1939 = arith.constant 0 : i32
        %dma_start3A_1940 = tpu.memref_slice %arg3[%multiple_of3A_1926, %dma_start3A_1939] : memref<100000x65xf32, #tpu.memory_space<hbm>> -> memref<8x65xf32, #tpu.memory_space<hbm>>
        tpu.enqueue_dma source(%dma_start3A_1940 : memref<8x65xf32, #tpu.memory_space<hbm>>) target(%dma_start3A_1938 : memref<8x65xf32, #tpu.memory_space<vmem>>) target_semaphore(%arg11 : memref<!tpu.dma_semaphore, #tpu.memory_space<semaphore_mem>>)
        %mul3A_1941 = arith.constant 16 : i32
        %mul3A_1942 = arith.muli %add3A_1768, %mul3A_1941 : i32
        %add3A_1943 = arith.constant 7 : i32
        %add3A_1944 = arith.addi %mul3A_1942, %add3A_1943 : i32
        %slice3A_1945 = vector.extract_strided_slice %get3A_1772 {offsets = [7], sizes = [1], strides = [1]} : vector<16xi32> to vector<1xi32>
        %squeeze3A_1946 = vector.extract %slice3A_1945[0] : i32 from vector<1xi32>
        %and3A_1947 = arith.constant 7 : i32
        %and3A_1948 = arith.andi %squeeze3A_1946, %and3A_1947 : i32
        %sub3A_1949 = arith.subi %squeeze3A_1946, %and3A_1948 : i32
        %multiple_of3A_1950 = tpu.assume_multiple %sub3A_1949, 8 : i32
        %and3A_1951 = arith.constant 31 : i32
        %and3A_1952 = arith.andi %add3A_1944, %and3A_1951 : i32
        %dma_start3A_1953 = arith.constant 0 : i32
        %dma_start3A_1954 = arith.constant 0 : i32
        %dma_start3A_1955 = tpu.memref_slice %arg7[%and3A_1952, %dma_start3A_1953, %dma_start3A_1954] : memref<32x8x65xf32, #tpu.memory_space<vmem>> -> memref<1x8x65xf32, #tpu.memory_space<vmem>>
        %dma_start3A_1956 = tpu.memref_squeeze %dma_start3A_1955 : memref<1x8x65xf32, #tpu.memory_space<vmem>> -> memref<8x65xf32, #tpu.memory_space<vmem>>
        %dma_start3A_1957 = arith.constant 0 : i32
        %dma_start3A_1958 = tpu.memref_slice %arg3[%multiple_of3A_1950, %dma_start3A_1957] : memref<100000x65xf32, #tpu.memory_space<hbm>> -> memref<8x65xf32, #tpu.memory_space<hbm>>
        %dma_start3A_1959 = arith.constant 0 : i32
        %dma_start3A_1960 = arith.constant 0 : i32
        %dma_start3A_1961 = tpu.memref_slice %arg7[%and3A_1952, %dma_start3A_1959, %dma_start3A_1960] : memref<32x8x65xf32, #tpu.memory_space<vmem>> -> memref<1x8x65xf32, #tpu.memory_space<vmem>>
        %dma_start3A_1962 = tpu.memref_squeeze %dma_start3A_1961 : memref<1x8x65xf32, #tpu.memory_space<vmem>> -> memref<8x65xf32, #tpu.memory_space<vmem>>
        %dma_start3A_1963 = arith.constant 0 : i32
        %dma_start3A_1964 = tpu.memref_slice %arg3[%multiple_of3A_1950, %dma_start3A_1963] : memref<100000x65xf32, #tpu.memory_space<hbm>> -> memref<8x65xf32, #tpu.memory_space<hbm>>
        tpu.enqueue_dma source(%dma_start3A_1964 : memref<8x65xf32, #tpu.memory_space<hbm>>) target(%dma_start3A_1962 : memref<8x65xf32, #tpu.memory_space<vmem>>) target_semaphore(%arg11 : memref<!tpu.dma_semaphore, #tpu.memory_space<semaphore_mem>>)
        %mul3A_1965 = arith.constant 16 : i32
        %mul3A_1966 = arith.muli %add3A_1768, %mul3A_1965 : i32
        %add3A_1967 = arith.constant 8 : i32
        %add3A_1968 = arith.addi %mul3A_1966, %add3A_1967 : i32
        %slice3A_1969 = vector.extract_strided_slice %get3A_1772 {offsets = [8], sizes = [1], strides = [1]} : vector<16xi32> to vector<1xi32>
        %squeeze3A_1970 = vector.extract %slice3A_1969[0] : i32 from vector<1xi32>
        %and3A_1971 = arith.constant 7 : i32
        %and3A_1972 = arith.andi %squeeze3A_1970, %and3A_1971 : i32
        %sub3A_1973 = arith.subi %squeeze3A_1970, %and3A_1972 : i32
        %multiple_of3A_1974 = tpu.assume_multiple %sub3A_1973, 8 : i32
        %and3A_1975 = arith.constant 31 : i32
        %and3A_1976 = arith.andi %add3A_1968, %and3A_1975 : i32
        %dma_start3A_1977 = arith.constant 0 : i32
        %dma_start3A_1978 = arith.constant 0 : i32
        %dma_start3A_1979 = tpu.memref_slice %arg7[%and3A_1976, %dma_start3A_1977, %dma_start3A_1978] : memref<32x8x65xf32, #tpu.memory_space<vmem>> -> memref<1x8x65xf32, #tpu.memory_space<vmem>>
        %dma_start3A_1980 = tpu.memref_squeeze %dma_start3A_1979 : memref<1x8x65xf32, #tpu.memory_space<vmem>> -> memref<8x65xf32, #tpu.memory_space<vmem>>
        %dma_start3A_1981 = arith.constant 0 : i32
        %dma_start3A_1982 = tpu.memref_slice %arg3[%multiple_of3A_1974, %dma_start3A_1981] : memref<100000x65xf32, #tpu.memory_space<hbm>> -> memref<8x65xf32, #tpu.memory_space<hbm>>
        %dma_start3A_1983 = arith.constant 0 : i32
        %dma_start3A_1984 = arith.constant 0 : i32
        %dma_start3A_1985 = tpu.memref_slice %arg7[%and3A_1976, %dma_start3A_1983, %dma_start3A_1984] : memref<32x8x65xf32, #tpu.memory_space<vmem>> -> memref<1x8x65xf32, #tpu.memory_space<vmem>>
        %dma_start3A_1986 = tpu.memref_squeeze %dma_start3A_1985 : memref<1x8x65xf32, #tpu.memory_space<vmem>> -> memref<8x65xf32, #tpu.memory_space<vmem>>
        %dma_start3A_1987 = arith.constant 0 : i32
        %dma_start3A_1988 = tpu.memref_slice %arg3[%multiple_of3A_1974, %dma_start3A_1987] : memref<100000x65xf32, #tpu.memory_space<hbm>> -> memref<8x65xf32, #tpu.memory_space<hbm>>
        tpu.enqueue_dma source(%dma_start3A_1988 : memref<8x65xf32, #tpu.memory_space<hbm>>) target(%dma_start3A_1986 : memref<8x65xf32, #tpu.memory_space<vmem>>) target_semaphore(%arg11 : memref<!tpu.dma_semaphore, #tpu.memory_space<semaphore_mem>>)
        %mul3A_1989 = arith.constant 16 : i32
        %mul3A_1990 = arith.muli %add3A_1768, %mul3A_1989 : i32
        %add3A_1991 = arith.constant 9 : i32
        %add3A_1992 = arith.addi %mul3A_1990, %add3A_1991 : i32
        %slice3A_1993 = vector.extract_strided_slice %get3A_1772 {offsets = [9], sizes = [1], strides = [1]} : vector<16xi32> to vector<1xi32>
        %squeeze3A_1994 = vector.extract %slice3A_1993[0] : i32 from vector<1xi32>
        %and3A_1995 = arith.constant 7 : i32
        %and3A_1996 = arith.andi %squeeze3A_1994, %and3A_1995 : i32
        %sub3A_1997 = arith.subi %squeeze3A_1994, %and3A_1996 : i32
        %multiple_of3A_1998 = tpu.assume_multiple %sub3A_1997, 8 : i32
        %and3A_1999 = arith.constant 31 : i32
        %and3A_2000 = arith.andi %add3A_1992, %and3A_1999 : i32
        %dma_start3A_2001 = arith.constant 0 : i32
        %dma_start3A_2002 = arith.constant 0 : i32
        %dma_start3A_2003 = tpu.memref_slice %arg7[%and3A_2000, %dma_start3A_2001, %dma_start3A_2002] : memref<32x8x65xf32, #tpu.memory_space<vmem>> -> memref<1x8x65xf32, #tpu.memory_space<vmem>>
        %dma_start3A_2004 = tpu.memref_squeeze %dma_start3A_2003 : memref<1x8x65xf32, #tpu.memory_space<vmem>> -> memref<8x65xf32, #tpu.memory_space<vmem>>
        %dma_start3A_2005 = arith.constant 0 : i32
        %dma_start3A_2006 = tpu.memref_slice %arg3[%multiple_of3A_1998, %dma_start3A_2005] : memref<100000x65xf32, #tpu.memory_space<hbm>> -> memref<8x65xf32, #tpu.memory_space<hbm>>
        %dma_start3A_2007 = arith.constant 0 : i32
        %dma_start3A_2008 = arith.constant 0 : i32
        %dma_start3A_2009 = tpu.memref_slice %arg7[%and3A_2000, %dma_start3A_2007, %dma_start3A_2008] : memref<32x8x65xf32, #tpu.memory_space<vmem>> -> memref<1x8x65xf32, #tpu.memory_space<vmem>>
        %dma_start3A_2010 = tpu.memref_squeeze %dma_start3A_2009 : memref<1x8x65xf32, #tpu.memory_space<vmem>> -> memref<8x65xf32, #tpu.memory_space<vmem>>
        %dma_start3A_2011 = arith.constant 0 : i32
        %dma_start3A_2012 = tpu.memref_slice %arg3[%multiple_of3A_1998, %dma_start3A_2011] : memref<100000x65xf32, #tpu.memory_space<hbm>> -> memref<8x65xf32, #tpu.memory_space<hbm>>
        tpu.enqueue_dma source(%dma_start3A_2012 : memref<8x65xf32, #tpu.memory_space<hbm>>) target(%dma_start3A_2010 : memref<8x65xf32, #tpu.memory_space<vmem>>) target_semaphore(%arg11 : memref<!tpu.dma_semaphore, #tpu.memory_space<semaphore_mem>>)
        %mul3A_2013 = arith.constant 16 : i32
        %mul3A_2014 = arith.muli %add3A_1768, %mul3A_2013 : i32
        %add3A_2015 = arith.constant 10 : i32
        %add3A_2016 = arith.addi %mul3A_2014, %add3A_2015 : i32
        %slice3A_2017 = vector.extract_strided_slice %get3A_1772 {offsets = [10], sizes = [1], strides = [1]} : vector<16xi32> to vector<1xi32>
        %squeeze3A_2018 = vector.extract %slice3A_2017[0] : i32 from vector<1xi32>
        %and3A_2019 = arith.constant 7 : i32
        %and3A_2020 = arith.andi %squeeze3A_2018, %and3A_2019 : i32
        %sub3A_2021 = arith.subi %squeeze3A_2018, %and3A_2020 : i32
        %multiple_of3A_2022 = tpu.assume_multiple %sub3A_2021, 8 : i32
        %and3A_2023 = arith.constant 31 : i32
        %and3A_2024 = arith.andi %add3A_2016, %and3A_2023 : i32
        %dma_start3A_2025 = arith.constant 0 : i32
        %dma_start3A_2026 = arith.constant 0 : i32
        %dma_start3A_2027 = tpu.memref_slice %arg7[%and3A_2024, %dma_start3A_2025, %dma_start3A_2026] : memref<32x8x65xf32, #tpu.memory_space<vmem>> -> memref<1x8x65xf32, #tpu.memory_space<vmem>>
        %dma_start3A_2028 = tpu.memref_squeeze %dma_start3A_2027 : memref<1x8x65xf32, #tpu.memory_space<vmem>> -> memref<8x65xf32, #tpu.memory_space<vmem>>
        %dma_start3A_2029 = arith.constant 0 : i32
        %dma_start3A_2030 = tpu.memref_slice %arg3[%multiple_of3A_2022, %dma_start3A_2029] : memref<100000x65xf32, #tpu.memory_space<hbm>> -> memref<8x65xf32, #tpu.memory_space<hbm>>
        %dma_start3A_2031 = arith.constant 0 : i32
        %dma_start3A_2032 = arith.constant 0 : i32
        %dma_start3A_2033 = tpu.memref_slice %arg7[%and3A_2024, %dma_start3A_2031, %dma_start3A_2032] : memref<32x8x65xf32, #tpu.memory_space<vmem>> -> memref<1x8x65xf32, #tpu.memory_space<vmem>>
        %dma_start3A_2034 = tpu.memref_squeeze %dma_start3A_2033 : memref<1x8x65xf32, #tpu.memory_space<vmem>> -> memref<8x65xf32, #tpu.memory_space<vmem>>
        %dma_start3A_2035 = arith.constant 0 : i32
        %dma_start3A_2036 = tpu.memref_slice %arg3[%multiple_of3A_2022, %dma_start3A_2035] : memref<100000x65xf32, #tpu.memory_space<hbm>> -> memref<8x65xf32, #tpu.memory_space<hbm>>
        tpu.enqueue_dma source(%dma_start3A_2036 : memref<8x65xf32, #tpu.memory_space<hbm>>) target(%dma_start3A_2034 : memref<8x65xf32, #tpu.memory_space<vmem>>) target_semaphore(%arg11 : memref<!tpu.dma_semaphore, #tpu.memory_space<semaphore_mem>>)
        %mul3A_2037 = arith.constant 16 : i32
        %mul3A_2038 = arith.muli %add3A_1768, %mul3A_2037 : i32
        %add3A_2039 = arith.constant 11 : i32
        %add3A_2040 = arith.addi %mul3A_2038, %add3A_2039 : i32
        %slice3A_2041 = vector.extract_strided_slice %get3A_1772 {offsets = [11], sizes = [1], strides = [1]} : vector<16xi32> to vector<1xi32>
        %squeeze3A_2042 = vector.extract %slice3A_2041[0] : i32 from vector<1xi32>
        %and3A_2043 = arith.constant 7 : i32
        %and3A_2044 = arith.andi %squeeze3A_2042, %and3A_2043 : i32
        %sub3A_2045 = arith.subi %squeeze3A_2042, %and3A_2044 : i32
        %multiple_of3A_2046 = tpu.assume_multiple %sub3A_2045, 8 : i32
        %and3A_2047 = arith.constant 31 : i32
        %and3A_2048 = arith.andi %add3A_2040, %and3A_2047 : i32
        %dma_start3A_2049 = arith.constant 0 : i32
        %dma_start3A_2050 = arith.constant 0 : i32
        %dma_start3A_2051 = tpu.memref_slice %arg7[%and3A_2048, %dma_start3A_2049, %dma_start3A_2050] : memref<32x8x65xf32, #tpu.memory_space<vmem>> -> memref<1x8x65xf32, #tpu.memory_space<vmem>>
        %dma_start3A_2052 = tpu.memref_squeeze %dma_start3A_2051 : memref<1x8x65xf32, #tpu.memory_space<vmem>> -> memref<8x65xf32, #tpu.memory_space<vmem>>
        %dma_start3A_2053 = arith.constant 0 : i32
        %dma_start3A_2054 = tpu.memref_slice %arg3[%multiple_of3A_2046, %dma_start3A_2053] : memref<100000x65xf32, #tpu.memory_space<hbm>> -> memref<8x65xf32, #tpu.memory_space<hbm>>
        %dma_start3A_2055 = arith.constant 0 : i32
        %dma_start3A_2056 = arith.constant 0 : i32
        %dma_start3A_2057 = tpu.memref_slice %arg7[%and3A_2048, %dma_start3A_2055, %dma_start3A_2056] : memref<32x8x65xf32, #tpu.memory_space<vmem>> -> memref<1x8x65xf32, #tpu.memory_space<vmem>>
        %dma_start3A_2058 = tpu.memref_squeeze %dma_start3A_2057 : memref<1x8x65xf32, #tpu.memory_space<vmem>> -> memref<8x65xf32, #tpu.memory_space<vmem>>
        %dma_start3A_2059 = arith.constant 0 : i32
        %dma_start3A_2060 = tpu.memref_slice %arg3[%multiple_of3A_2046, %dma_start3A_2059] : memref<100000x65xf32, #tpu.memory_space<hbm>> -> memref<8x65xf32, #tpu.memory_space<hbm>>
        tpu.enqueue_dma source(%dma_start3A_2060 : memref<8x65xf32, #tpu.memory_space<hbm>>) target(%dma_start3A_2058 : memref<8x65xf32, #tpu.memory_space<vmem>>) target_semaphore(%arg11 : memref<!tpu.dma_semaphore, #tpu.memory_space<semaphore_mem>>)
        %mul3A_2061 = arith.constant 16 : i32
        %mul3A_2062 = arith.muli %add3A_1768, %mul3A_2061 : i32
        %add3A_2063 = arith.constant 12 : i32
        %add3A_2064 = arith.addi %mul3A_2062, %add3A_2063 : i32
        %slice3A_2065 = vector.extract_strided_slice %get3A_1772 {offsets = [12], sizes = [1], strides = [1]} : vector<16xi32> to vector<1xi32>
        %squeeze3A_2066 = vector.extract %slice3A_2065[0] : i32 from vector<1xi32>
        %and3A_2067 = arith.constant 7 : i32
        %and3A_2068 = arith.andi %squeeze3A_2066, %and3A_2067 : i32
        %sub3A_2069 = arith.subi %squeeze3A_2066, %and3A_2068 : i32
        %multiple_of3A_2070 = tpu.assume_multiple %sub3A_2069, 8 : i32
        %and3A_2071 = arith.constant 31 : i32
        %and3A_2072 = arith.andi %add3A_2064, %and3A_2071 : i32
        %dma_start3A_2073 = arith.constant 0 : i32
        %dma_start3A_2074 = arith.constant 0 : i32
        %dma_start3A_2075 = tpu.memref_slice %arg7[%and3A_2072, %dma_start3A_2073, %dma_start3A_2074] : memref<32x8x65xf32, #tpu.memory_space<vmem>> -> memref<1x8x65xf32, #tpu.memory_space<vmem>>
        %dma_start3A_2076 = tpu.memref_squeeze %dma_start3A_2075 : memref<1x8x65xf32, #tpu.memory_space<vmem>> -> memref<8x65xf32, #tpu.memory_space<vmem>>
        %dma_start3A_2077 = arith.constant 0 : i32
        %dma_start3A_2078 = tpu.memref_slice %arg3[%multiple_of3A_2070, %dma_start3A_2077] : memref<100000x65xf32, #tpu.memory_space<hbm>> -> memref<8x65xf32, #tpu.memory_space<hbm>>
        %dma_start3A_2079 = arith.constant 0 : i32
        %dma_start3A_2080 = arith.constant 0 : i32
        %dma_start3A_2081 = tpu.memref_slice %arg7[%and3A_2072, %dma_start3A_2079, %dma_start3A_2080] : memref<32x8x65xf32, #tpu.memory_space<vmem>> -> memref<1x8x65xf32, #tpu.memory_space<vmem>>
        %dma_start3A_2082 = tpu.memref_squeeze %dma_start3A_2081 : memref<1x8x65xf32, #tpu.memory_space<vmem>> -> memref<8x65xf32, #tpu.memory_space<vmem>>
        %dma_start3A_2083 = arith.constant 0 : i32
        %dma_start3A_2084 = tpu.memref_slice %arg3[%multiple_of3A_2070, %dma_start3A_2083] : memref<100000x65xf32, #tpu.memory_space<hbm>> -> memref<8x65xf32, #tpu.memory_space<hbm>>
        tpu.enqueue_dma source(%dma_start3A_2084 : memref<8x65xf32, #tpu.memory_space<hbm>>) target(%dma_start3A_2082 : memref<8x65xf32, #tpu.memory_space<vmem>>) target_semaphore(%arg11 : memref<!tpu.dma_semaphore, #tpu.memory_space<semaphore_mem>>)
        %mul3A_2085 = arith.constant 16 : i32
        %mul3A_2086 = arith.muli %add3A_1768, %mul3A_2085 : i32
        %add3A_2087 = arith.constant 13 : i32
        %add3A_2088 = arith.addi %mul3A_2086, %add3A_2087 : i32
        %slice3A_2089 = vector.extract_strided_slice %get3A_1772 {offsets = [13], sizes = [1], strides = [1]} : vector<16xi32> to vector<1xi32>
        %squeeze3A_2090 = vector.extract %slice3A_2089[0] : i32 from vector<1xi32>
        %and3A_2091 = arith.constant 7 : i32
        %and3A_2092 = arith.andi %squeeze3A_2090, %and3A_2091 : i32
        %sub3A_2093 = arith.subi %squeeze3A_2090, %and3A_2092 : i32
        %multiple_of3A_2094 = tpu.assume_multiple %sub3A_2093, 8 : i32
        %and3A_2095 = arith.constant 31 : i32
        %and3A_2096 = arith.andi %add3A_2088, %and3A_2095 : i32
        %dma_start3A_2097 = arith.constant 0 : i32
        %dma_start3A_2098 = arith.constant 0 : i32
        %dma_start3A_2099 = tpu.memref_slice %arg7[%and3A_2096, %dma_start3A_2097, %dma_start3A_2098] : memref<32x8x65xf32, #tpu.memory_space<vmem>> -> memref<1x8x65xf32, #tpu.memory_space<vmem>>
        %dma_start3A_2100 = tpu.memref_squeeze %dma_start3A_2099 : memref<1x8x65xf32, #tpu.memory_space<vmem>> -> memref<8x65xf32, #tpu.memory_space<vmem>>
        %dma_start3A_2101 = arith.constant 0 : i32
        %dma_start3A_2102 = tpu.memref_slice %arg3[%multiple_of3A_2094, %dma_start3A_2101] : memref<100000x65xf32, #tpu.memory_space<hbm>> -> memref<8x65xf32, #tpu.memory_space<hbm>>
        %dma_start3A_2103 = arith.constant 0 : i32
        %dma_start3A_2104 = arith.constant 0 : i32
        %dma_start3A_2105 = tpu.memref_slice %arg7[%and3A_2096, %dma_start3A_2103, %dma_start3A_2104] : memref<32x8x65xf32, #tpu.memory_space<vmem>> -> memref<1x8x65xf32, #tpu.memory_space<vmem>>
        %dma_start3A_2106 = tpu.memref_squeeze %dma_start3A_2105 : memref<1x8x65xf32, #tpu.memory_space<vmem>> -> memref<8x65xf32, #tpu.memory_space<vmem>>
        %dma_start3A_2107 = arith.constant 0 : i32
        %dma_start3A_2108 = tpu.memref_slice %arg3[%multiple_of3A_2094, %dma_start3A_2107] : memref<100000x65xf32, #tpu.memory_space<hbm>> -> memref<8x65xf32, #tpu.memory_space<hbm>>
        tpu.enqueue_dma source(%dma_start3A_2108 : memref<8x65xf32, #tpu.memory_space<hbm>>) target(%dma_start3A_2106 : memref<8x65xf32, #tpu.memory_space<vmem>>) target_semaphore(%arg11 : memref<!tpu.dma_semaphore, #tpu.memory_space<semaphore_mem>>)
        %mul3A_2109 = arith.constant 16 : i32
        %mul3A_2110 = arith.muli %add3A_1768, %mul3A_2109 : i32
        %add3A_2111 = arith.constant 14 : i32
        %add3A_2112 = arith.addi %mul3A_2110, %add3A_2111 : i32
        %slice3A_2113 = vector.extract_strided_slice %get3A_1772 {offsets = [14], sizes = [1], strides = [1]} : vector<16xi32> to vector<1xi32>
        %squeeze3A_2114 = vector.extract %slice3A_2113[0] : i32 from vector<1xi32>
        %and3A_2115 = arith.constant 7 : i32
        %and3A_2116 = arith.andi %squeeze3A_2114, %and3A_2115 : i32
        %sub3A_2117 = arith.subi %squeeze3A_2114, %and3A_2116 : i32
        %multiple_of3A_2118 = tpu.assume_multiple %sub3A_2117, 8 : i32
        %and3A_2119 = arith.constant 31 : i32
        %and3A_2120 = arith.andi %add3A_2112, %and3A_2119 : i32
        %dma_start3A_2121 = arith.constant 0 : i32
        %dma_start3A_2122 = arith.constant 0 : i32
        %dma_start3A_2123 = tpu.memref_slice %arg7[%and3A_2120, %dma_start3A_2121, %dma_start3A_2122] : memref<32x8x65xf32, #tpu.memory_space<vmem>> -> memref<1x8x65xf32, #tpu.memory_space<vmem>>
        %dma_start3A_2124 = tpu.memref_squeeze %dma_start3A_2123 : memref<1x8x65xf32, #tpu.memory_space<vmem>> -> memref<8x65xf32, #tpu.memory_space<vmem>>
        %dma_start3A_2125 = arith.constant 0 : i32
        %dma_start3A_2126 = tpu.memref_slice %arg3[%multiple_of3A_2118, %dma_start3A_2125] : memref<100000x65xf32, #tpu.memory_space<hbm>> -> memref<8x65xf32, #tpu.memory_space<hbm>>
        %dma_start3A_2127 = arith.constant 0 : i32
        %dma_start3A_2128 = arith.constant 0 : i32
        %dma_start3A_2129 = tpu.memref_slice %arg7[%and3A_2120, %dma_start3A_2127, %dma_start3A_2128] : memref<32x8x65xf32, #tpu.memory_space<vmem>> -> memref<1x8x65xf32, #tpu.memory_space<vmem>>
        %dma_start3A_2130 = tpu.memref_squeeze %dma_start3A_2129 : memref<1x8x65xf32, #tpu.memory_space<vmem>> -> memref<8x65xf32, #tpu.memory_space<vmem>>
        %dma_start3A_2131 = arith.constant 0 : i32
        %dma_start3A_2132 = tpu.memref_slice %arg3[%multiple_of3A_2118, %dma_start3A_2131] : memref<100000x65xf32, #tpu.memory_space<hbm>> -> memref<8x65xf32, #tpu.memory_space<hbm>>
        tpu.enqueue_dma source(%dma_start3A_2132 : memref<8x65xf32, #tpu.memory_space<hbm>>) target(%dma_start3A_2130 : memref<8x65xf32, #tpu.memory_space<vmem>>) target_semaphore(%arg11 : memref<!tpu.dma_semaphore, #tpu.memory_space<semaphore_mem>>)
        %mul3A_2133 = arith.constant 16 : i32
        %mul3A_2134 = arith.muli %add3A_1768, %mul3A_2133 : i32
        %add3A_2135 = arith.constant 15 : i32
        %add3A_2136 = arith.addi %mul3A_2134, %add3A_2135 : i32
        %slice3A_2137 = vector.extract_strided_slice %get3A_1772 {offsets = [15], sizes = [1], strides = [1]} : vector<16xi32> to vector<1xi32>
        %squeeze3A_2138 = vector.extract %slice3A_2137[0] : i32 from vector<1xi32>
        %and3A_2139 = arith.constant 7 : i32
        %and3A_2140 = arith.andi %squeeze3A_2138, %and3A_2139 : i32
        %sub3A_2141 = arith.subi %squeeze3A_2138, %and3A_2140 : i32
        %multiple_of3A_2142 = tpu.assume_multiple %sub3A_2141, 8 : i32
        %and3A_2143 = arith.constant 31 : i32
        %and3A_2144 = arith.andi %add3A_2136, %and3A_2143 : i32
        %dma_start3A_2145 = arith.constant 0 : i32
        %dma_start3A_2146 = arith.constant 0 : i32
        %dma_start3A_2147 = tpu.memref_slice %arg7[%and3A_2144, %dma_start3A_2145, %dma_start3A_2146] : memref<32x8x65xf32, #tpu.memory_space<vmem>> -> memref<1x8x65xf32, #tpu.memory_space<vmem>>
        %dma_start3A_2148 = tpu.memref_squeeze %dma_start3A_2147 : memref<1x8x65xf32, #tpu.memory_space<vmem>> -> memref<8x65xf32, #tpu.memory_space<vmem>>
        %dma_start3A_2149 = arith.constant 0 : i32
        %dma_start3A_2150 = tpu.memref_slice %arg3[%multiple_of3A_2142, %dma_start3A_2149] : memref<100000x65xf32, #tpu.memory_space<hbm>> -> memref<8x65xf32, #tpu.memory_space<hbm>>
        %dma_start3A_2151 = arith.constant 0 : i32
        %dma_start3A_2152 = arith.constant 0 : i32
        %dma_start3A_2153 = tpu.memref_slice %arg7[%and3A_2144, %dma_start3A_2151, %dma_start3A_2152] : memref<32x8x65xf32, #tpu.memory_space<vmem>> -> memref<1x8x65xf32, #tpu.memory_space<vmem>>
        %dma_start3A_2154 = tpu.memref_squeeze %dma_start3A_2153 : memref<1x8x65xf32, #tpu.memory_space<vmem>> -> memref<8x65xf32, #tpu.memory_space<vmem>>
        %dma_start3A_2155 = arith.constant 0 : i32
        %dma_start3A_2156 = tpu.memref_slice %arg3[%multiple_of3A_2142, %dma_start3A_2155] : memref<100000x65xf32, #tpu.memory_space<hbm>> -> memref<8x65xf32, #tpu.memory_space<hbm>>
        tpu.enqueue_dma source(%dma_start3A_2156 : memref<8x65xf32, #tpu.memory_space<hbm>>) target(%dma_start3A_2154 : memref<8x65xf32, #tpu.memory_space<vmem>>) target_semaphore(%arg11 : memref<!tpu.dma_semaphore, #tpu.memory_space<semaphore_mem>>)
      } else {
      }
      %scan3A_1766 = arith.constant 0 : i32
      scf.yield %scan3A_1766 : i32
    }
    %scan3A_684 = arith.constant 32 : i32
    "tpu.region"() ({
      %run_scoped3A = tpu.sem_alloc : memref<!tpu.dma_semaphore, #tpu.memory_space<semaphore_mem>>
      %dma_start3A_685 = tpu.memref_slice %arg5[%mul3A_2] : memref<16384xf32, #tpu.memory_space<hbm>> -> memref<512xf32, #tpu.memory_space<hbm>>
      %dma_start3A_686 = tpu.memref_slice %arg5[%mul3A_2] : memref<16384xf32, #tpu.memory_space<hbm>> -> memref<512xf32, #tpu.memory_space<hbm>>
      tpu.enqueue_dma source(%arg10 : memref<512xf32, #tpu.memory_space<vmem>>) target(%dma_start3A_686 : memref<512xf32, #tpu.memory_space<hbm>>) target_semaphore(%run_scoped3A : memref<!tpu.dma_semaphore, #tpu.memory_space<semaphore_mem>>)
      %dma_wait3A_687 = tpu.memref_slice %arg5[%mul3A_2] : memref<16384xf32, #tpu.memory_space<hbm>> -> memref<512xf32, #tpu.memory_space<hbm>>
      %dma_wait3A_688 = tpu.memref_slice %arg5[%mul3A_2] : memref<16384xf32, #tpu.memory_space<hbm>> -> memref<512xf32, #tpu.memory_space<hbm>>
      tpu.wait_dma2 semaphore(%run_scoped3A : memref<!tpu.dma_semaphore, #tpu.memory_space<semaphore_mem>>) src(%arg10 : memref<512xf32, #tpu.memory_space<vmem>>) dst(%dma_wait3A_688 : memref<512xf32, #tpu.memory_space<hbm>>)
      tpu.yield
    }) : () -> ()
    return
  }
}

</mosaic_0001>

<sc_bundles>
// kernel: kernel.3.cloned.1.call-start
scs
__scs_entry_jumppad:
0x0: {  	(pc) =	sbr.rel $0x88, $3  }
0x1: {  	(tag) =	ssettag $0x0;
	lr =	simm.s32 $0x1  }
0x2: {  	[smem:$0x3F9E] =	sst lr;
	_ =	strace $0xD0000000  }
0x3: {  	_ = 	snop  }
0x4: {  	_ = 	snop  }
0x5: {  	_ = 	snop  }
0x6: {  	_ = 	snop  }
0x7: {  	_ = 	snop  }
__scs_overlays_trampoline_lowered:
0x8: {  	[smem:$0x3FAD] =	sst s0  }
0x9: {  	[smem:$0x3FAE] =	sst s1  }
0xa: {  	[smem:$0x3FAF] =	sst s2  }
0xb: {  	[smem:$0x3FB0] =	sst s3  }
0xc: {  	[smem:$0x3FB1] =	sst s4  }
0xd: {  	[smem:$0x3FB2] =	sst s5  }
0xe: {  	[smem:$0x3FB3] =	sst s6  }
0xf: {  	[smem:$0x3FB4] =	sst s7  }
0x10: {  	[smem:$0x3FB5] =	sst s8  }
0x11: {  	[smem:$0x3FB6] =	sst s9;
	s0 =	simm.s32 @!p0 $0x0  }
0x12: {  	s1 =	sld [smem:$0x3F9C];
	s0 =	simm.s32 @p0 $0x1  }
0x13: {  	[smem:$0x3FB7] =	sst s0;
	s0 =	simm.s32 @!p1 $0x0  }
0x14: {  	s2 =	sld [smem:$0x3F9B];
	s0 =	simm.s32 @p1 $0x1  }
0x15: {  	[smem:$0x3FB8] =	sst s0;
	s0 =	simm.s32 @!p2 $0x0  }
0x16: {  	s3 =	sld [smem:$0x3FDB];
	s0 =	simm.s32 @p2 $0x1  }
0x17: {  	s4 =	simm.s32 $0x1BF5;
	[smem:$0x3FBA] =	sst s0  }
0x18: {  	s0 =	sld [smem:$0x3F9D];
	_ =	swait.ge [sflag:s4], $0x0  }
0x19: {  	s7 =	sld [smem:$0x3F9E]  }
0x1a: {  	s8 =	sadd.s32 $0xFFFFE003, lr  }
0x1b: {  	s9 =	sadd.s32 $0xFFFFFEF7, lr;
	s5 =	simm.s32 $0xFFFFFFFF;
	p2 =	slt.u32 s8, $0xFFFFF086  }
0x1c: {  	p1 =	slt.u32 s9, $0xF7A;
	s5 =	simm.s32 @!p2 $0x0  }
0x1d: {  	s5 =	simm.s32 @p1 $0x1;
	p0 =	seq.s32 s7, s2  }
0x1e: {  	s7 =	smul.u32 @!p0 $0xF7A, s2;
	p2 =	seq.s32 @!p0 s5, $0x0  }
0x1f: {  	s9 =	smul.u32 $0xF7A, s1;
	s8 =	simm.s32 @!p0 $0x1BF5;
	p2 =	por !p2, p0  }
0x20: {  	[sflag:s8] =	ssyncset.s32 @!p0 $0xFFFFF086;
	s6 =	sadd.s32 @!p0 s3, s7;
	s7 =	simm.s32 @!p0 $0x108  }
0x21: {  	s3 =	sadd.s32 s3, s9;
	s6 =	sadd.s32 @!p0 $0x88, s6;
	s7 =	simm.s32 @p2 $0x1082  }
0x22: {  	[simem:s7], [sflag:s8] =	dma.local @!p0 [hbm:s6], $0xF7A  }
0x23: {  	s9 =	sor.u32 $0xD0000000, s2;
	s6 =	simm.s32 $0x108;
	_ =	swait.ge @!p0 [sflag:s8], $0x0  }
0x24: {  	s3 =	sadd.s32 $0x88, s3;
	s6 =	simm.s32 @!p1 $0x1082;
	[sflag:s4] =	ssyncset.s32 $0xFFFFF086  }
0x25: {  	[simem:s6], [sflag:s4] =	dma.local [hbm:s3], $0xF7A  }
0x26: {  	[smem:$0x3F9E] =	sst s1;
	(tag) =	ssettag s2;
	_ =	strace s9  }
0x27: {  	s1 =	sld [smem:$0x3FAE]  }
0x28: {  	s2 =	sld [smem:$0x3FAF]  }
0x29: {  	s4 =	sld [smem:$0x3FB1]  }
0x2a: {  	p0 =	seq.s32 s5, $0x0;
	s5 =	sld [smem:$0x3FB2]  }
0x2b: {  	s6 =	sld [smem:$0x3FB3]  }
0x2c: {  	s7 =	sld [smem:$0x3FB4]  }
0x2d: {  	s3 =	simm.s32 $0x108;
	s8 =	sld [smem:$0x3FB5]  }
0x2e: {  	s3 =	simm.s32 @!p0 $0x1082;
	s9 =	sld [smem:$0x3FB6]  }
0x2f: {  	lr =	sadd.s32 s0, s3;
	s0 =	sld [smem:$0x3FAD]  }
0x30: {  	s3 =	sld [smem:$0x3FB0]  }
0x31: {  	[smem:$0x3FB9] =	sst s10  }
0x32: {  	s10 =	sld [smem:$0x3FB7];
	_ =	sdelay $0x3  }
0x33: {  	p0 =	seq.s32 s10, $0x1;
	s10 =	sld [smem:$0x3FB9];
	_ =	sdelay $0x3  }
0x34: {  	[smem:$0x3FB9] =	sst s10  }
0x35: {  	s10 =	sld [smem:$0x3FB8];
	_ =	sdelay $0x3  }
0x36: {  	p1 =	seq.s32 s10, $0x1;
	s10 =	sld [smem:$0x3FB9];
	_ =	sdelay $0x3  }
0x37: {  	[smem:$0x3FB9] =	sst s10  }
0x38: {  	s10 =	sld [smem:$0x3FBA]  }
0x39: {  	_ = 	snop;
	(pc) =	sbr.ind lr, $3  }
0x3a: {  	_ = 	snop  }
0x3b: {  	_ = 	snop  }
0x3c: {  	p2 =	seq.s32 s10, $0x1;
	s10 =	sld [smem:$0x3FB9]  }
0x3d: {  	_ =	shalt  }
0x3e: {  	_ =	shalt  }
0x3f: {  	_ =	shalt  }
0x40: {  	_ =	shalt  }
0x41: {  	_ =	shalt  }
0x42: {  	_ =	shalt  }
0x43: {  	_ =	shalt  }
0x44: {  	_ =	shalt  }
0x45: {  	_ =	shalt  }
0x46: {  	_ =	shalt  }
0x47: {  	_ =	shalt  }
0x48: {  	_ =	shalt  }
0x49: {  	_ =	shalt  }
0x4a: {  	_ =	shalt  }
0x4b: {  	_ =	shalt  }
0x4c: {  	_ =	shalt  }
0x4d: {  	_ =	shalt  }
0x4e: {  	_ =	shalt  }
0x4f: {  	_ =	shalt  }
0x50: {  	_ =	shalt  }
0x51: {  	_ =	shalt  }
0x52: {  	_ =	shalt  }
0x53: {  	_ =	shalt  }
0x54: {  	_ =	shalt  }
0x55: {  	_ =	shalt  }
0x56: {  	_ =	shalt  }
0x57: {  	_ =	shalt  }
0x58: {  	_ =	shalt  }
0x59: {  	_ =	shalt  }
0x5a: {  	_ =	shalt  }
0x5b: {  	_ =	shalt  }
0x5c: {  	_ =	shalt  }
0x5d: {  	_ =	shalt  }
0x5e: {  	_ =	shalt  }
0x5f: {  	_ =	shalt  }
0x60: {  	_ =	shalt  }
0x61: {  	_ =	shalt  }
0x62: {  	_ =	shalt  }
0x63: {  	_ =	shalt  }
0x64: {  	_ =	shalt  }
0x65: {  	_ =	shalt  }
0x66: {  	_ =	shalt  }
0x67: {  	_ =	shalt  }
0x68: {  	_ =	shalt  }
0x69: {  	_ =	shalt  }
0x6a: {  	_ =	shalt  }
0x6b: {  	_ =	shalt  }
0x6c: {  	_ =	shalt  }
0x6d: {  	_ =	shalt  }
0x6e: {  	_ =	shalt  }
0x6f: {  	_ =	shalt  }
0x70: {  	_ =	shalt  }
0x71: {  	_ =	shalt  }
0x72: {  	_ =	shalt  }
0x73: {  	_ =	shalt  }
0x74: {  	_ =	shalt  }
0x75: {  	_ =	shalt  }
0x76: {  	_ =	shalt  }
0x77: {  	_ =	shalt  }
0x78: {  	_ =	shalt  }
0x79: {  	_ =	shalt  }
0x7a: {  	_ =	shalt  }
0x7b: {  	_ =	shalt  }
0x7c: {  	_ =	shalt  }
0x7d: {  	_ =	shalt  }
0x7e: {  	_ =	shalt  }
0x7f: {  	_ =	shalt  }
0x80: {  	_ =	shalt  }
0x81: {  	_ =	shalt  }
0x82: {  	_ =	shalt  }
0x83: {  	_ =	shalt  }
0x84: {  	_ =	shalt  }
0x85: {  	_ =	shalt  }
0x86: {  	_ =	shalt  }
0x87: {  	_ =	shalt  }
.Lfunc_end0:
.L_simem_size_0:
called_computation_lowered:
.L_overlay_start_0:
0x88: {  	s2 =	sld [smem:$0x3FD9]  }
0x89: {  	s3 =	sld [smem:$0x3FFE];
	_ =	sdelay $0x1  }
0x8a: {  	s1 =	srdreg.scid  }
0x8b: {  	s0 =	sand.u32 $0x1, s1  }
0x8c: {  	s17 =	sshll.u32 s0, $0xA;
	s2 =	sadd.s32 s3, s2  }
0x8d: {  	s2 =	sadd.s32 s2, s17  }
0x8e: {  	[smem:$0x3FC5] =	sst s2  }
0x8f: {  	_ = 	snop  }
0x90: {  	s2 =	sld [smem:$0x3FD0];
	(tm) =	ssettm $0x1  }
0x91: {  	s18 =	sld [smem:$0x3FFB];
	_ =	sdelay $0x3  }
0x92: {  	_ =	strace s18  }
0x93: {  	s3 =	sld [smem:$0x3FFC];
	_ =	sdelay $0x3  }
0x94: {  	_ =	strace s3  }
0x95: {  	s3 =	sld [smem:$0x3FFD];
	_ =	sdelay $0x3  }
0x96: {  	_ =	strace s3  }
0x97: {  	_ =	strace $0x8FFFFFFF  }
0x98: {  	s19 =	sld [smem:$0x3FDB];
	_ =	sdelay $0x1  }
0x99: {  	s4 =	simm.s32 $_scs_section_size  }
0x9a: {  	s5 =	simm.s32 $_size__tile_overlayer_lowered;
	s6 =	simm.s32 $_tile_overlayer_lowered  }
0x9b: {  	s22 =	simm.s32 $0x1BFF;
	s21 =	sshll.u32 s6, $0x1;
	s3 =	sadd.s32 s4, s19  }
0x9c: {  	s7 =	simm.s32 $0x0;
	s20 =	sshll.u32 s5, $0x1;
	s5 =	sadd.s32 s21, s3  }
0x9d: {  	[timem:s7], [sflag:s22] =	dma.local [hbm:s5], s20  }
0x9e: {  	_ =	swait.ge [sflag:s22], s20  }
0x9f: {  	s4 =	ssub.s32 $0x0, s20;
	[sflag:s22] =	ssyncset.done $0x0  }
0xa0: {  	[sflag:s22] =	ssyncadd.s32 s4;
	_ =	sdelay $0x1  }
0xa1: {  	s23 =	simm.s32 $0x1B8B  }
0xa2: {  	_ =	swait.ge [sflag:s23], $0x1  }
0xa3: {  	[sflag:s23] =	ssyncset.done $0x0  }
0xa4: {  	s25 =	simm.s32 $0x1B8E;
	s24 =	sld [smem:$0x3FFE];
	[sflag:s23] =	ssyncadd.s32 $0xFFFFFFFF  }
0xa5: {  	s26 =	simm.s32 $execute0_lowered;
	[smem:$0x3FD2] =	sst s25  }
0xa6: {  	s5 =	sshll.u32 s26, $0x1;
	_ =	strace $0x80000046;
	[dreg:$0x1] =	wrdreg $0xFFFFFFFF  }
0xa7: {  	s28 =	simm.s32 $_size_execute0_lowered;
	s3 =	sadd.s32 s3, s5;
	[dreg:$0x0] =	wrdreg $0x0  }
0xa8: {  	s5 =	sshll.u32 s28, $0x1;
	[dreg:$0x2] =	wrdreg s3  }
0xa9: {  	[dreg:$0x3] =	wrdreg s5  }
0xaa: {  	[dreg:$0x4] =	wrdreg $0xC0  }
0xab: {  	_ =	task [dreg:s7], $0x5FFFF  }
0xac: {  	[dreg:$0x1] =	wrdreg $0xFFFFFFFF  }
0xad: {  	[dreg:$0x0] =	wrdreg $0x60  }
0xae: {  	[dreg:$0x2] =	wrdreg s24  }
0xaf: {  	[dreg:$0x3] =	wrdreg s2  }
0xb0: {  	[dreg:$0x4] =	wrdreg $0x9  }
0xb1: {  	_ =	task.clear_ibuf [dreg:s7], $0x5FFFF;
	_ =	strace $0x90000046  }
0xb2: {  	s29 =	simm.s32 $0x9;
	_ =	strace $0x80000048  }
0xb3: {  	_ =	swait.ge [sflag:s29], $0x1  }
0xb4: {  	[sflag:s29] =	ssyncadd.s32 $0xFFFFFFFF  }
0xb5: {  	_ =	strace $0x90000048  }
0xb6: {  	_ =	sfence  }
0xb7: {  	s30 =	sld [smem:$0x0];
	_ =	sdelay $0x2  }
0xb8: {  	s31 =	sshll.u32 s1, $0xD;
	s1 =	sshrl.u32 s1, $0x2  }
0xb9: {  	s3 =	sand.u32 $0x4000, s31;
	s1 =	sadd.s32 s1, s30  }
0xba: {  	s0 =	sor.u32 s3, s0;
	s1 =	sshll.u32 s1, $0x11  }
0xbb: {  	s0 =	sor.u32 s1, s0  }
0xbc: {  	s0 =	sadd.s32 $0x8F2B, s0  }
0xbd: {  	[sflag:s0] =	ssyncadd.remote.s32 $0x1  }
0xbe: {  	_ =	sfence.sel $0xFFFF  }
0xbf: {  	[dreg:$0x0] =	wrdreg $0xFFFFFFFF;
	(pc) =	sbr.abs _section_cstart, $3  }
0xc0: {  	[dreg:$0x1] =	wrdreg $0xFFFFFFFF  }
0xc1: {  	_ =	task.clear_ibuf [dreg:s7], $0x2FFFF;
	_ =	strace $0x9FFFFFFF  }
0xc2: {  	(tm) =	ssettm $0x7FFFFFFF  }
0xc3: {  	_ =	shalt  }
tec
execute0_lowered:
.L_overlay_start_1:
0x0: {  	(tag) =	ssettag $0x1  }
0x1: {  	s0 =	rddreg [dreg:$0x0]  }
0x2: {  	s1 =	rddreg [dreg:$0x1];
	s2 =	simm.s32 $0x0;
	s5 =	stileid.u32  }
0x3: {  	s4 =	srdreg.scid;
	s10 =	simm.s32 $0x3;
	s12 =	simm.s32 $0x200  }
0x4: {  	s13 =	simm.s32 $0x6200;
	s14 =	simm.s32 $0x6600;
	s15 =	simm.s32 $0x6A00  }
0x5: {  	s16 =	simm.s32 $0x6E00;
	s17 =	simm.s32 $0x7200;
	s18 =	simm.s32 $0x7600  }
0x6: {  	s19 =	simm.s32 $0x7A00;
	s20 =	simm.s32 $0x7E00;
	s21 =	simm.s32 $0x2  }
0x7: {  	s22 =	simm.s32 $0x1;
	s23 =	simm.s32 $0x18200;
	s24 =	simm.s32 $0x18A00  }
0x8: {  	v16 =	vlaneseq.u32;
	s25 =	simm.s32 $0x0;
	[smem:$0x7FF] =	sst s2;
	s3 =	sshll.u32 s5, $0x7  }
0x9: {  	s4 =	sand.u32 $0x1, s4;
	s5 =	sshll.u32 s5, $0x1;
	v0 =	vmul.u32 $0x80, v16;
	_ =	strace $0x80000047  }
0xa: {  	v16 =	vmul.u32 $0x400, v16;
	s3 =	sand.u32 $0x600, s3;
	s5 =	sor.u32 s4, s5;
	s4 =	ssub.s32 $0x2, s4  }
.Ltmp0:
0xb: {  	s6 =	sadd.s32 s3, s0;
	s3 =	sadd.s32 $0x40C00, s0;
	v1 =	vor.u32 $0x1, v0;
	v2 =	vor.u32 $0x2, v0;
	v3 =	vor.u32 $0x3, v0;
	(pc) =	sbr.rel .LBB2_1-.Ltmp0, $4  }
0xc: {  	s7 =	sshll.u32 s5, $0xD;
	s8 =	sshll.u32 s5, $0x4;
	s29 =	sshrl.u32 s4, $0x1;
	v4 =	vor.u32 $0x4, v0;
	v5 =	vor.u32 $0x5, v0;
	v6 =	vor.u32 $0x6, v0  }
0xd: {  	s31 =	sshll.u32 s5, $0x6;
	v7 =	vor.u32 $0x7, v0;
	v8 =	vor.u32 $0x8, v0;
	v9 =	vor.u32 $0x9, v0;
	s0 =	sadd.s32 s7, s0;
	s8 =	sand.u32 $0x70, s8  }
0xe: {  	v10 =	vor.u32 $0xA, v0;
	v11 =	vor.u32 $0xB, v0;
	v12 =	vor.u32 $0xC, v0;
	s7 =	ssub.s32 s4, s29;
	s30 =	sadd.s32 s8, s6;
	s5 =	sadd.s32 $0xC00, s0  }
0xf: {  	v13 =	vor.u32 $0xD, v0;
	v14 =	vor.u32 $0xE, v0;
	v15 =	vor.u32 $0xF, v0;
	s6 =	sadd.s32 s1, s31;
	s7 =	smax.u32 s7, $0x1;
	s4 =	sadd.s32 $0x400, s30  }
.LBB2_5:
0x10: {  	s25 =	sadd.s32 $0x1, s25  }
0x11: {  	p0 =	sne.s32 s25, s7  }
.Ltmp1:
0x12: {  	_ = 	snop;
	(pc) =	sbr.rel @!p0 .LBB2_6-.Ltmp1, $4  }
0x13: {  	[hbm4b:s6+s2] =	stream.linear.scatter [tilespmem:s24], [sflag:$0x3], $0x200, $0x38;
	[tilespmem:$0x18C00] =	vst v63  }
0x14: {  	_ =	swait.ge [sflag:s10], $0x200  }
0x15: {  	[sflag:s10] =	ssyncset.done $0x0  }
0x16: {  	[sflag:s10] =	ssyncadd.s32 $0xFFFFFE00  }
.LBB2_1:
0x17: {  	s0 =	simm.s32 $0x80;
	s1 =	simm.s32 $0x400  }
0x18: {  	[tilespmem:s2], [sflag:$0x3] =	stream.strided.gather [hbm4b:s4+s0], $0x200, s1, s0, $0x38;
	[tilespmem:$0x18C00] =	vst v63  }
0x19: {  	_ =	swait.ge [sflag:s10], $0x200  }
0x1a: {  	[sflag:s10] =	ssyncset.done $0x0  }
0x1b: {  	s8 =	simm.s32 $0x8200;
	[sflag:s10] =	ssyncadd.s32 $0xFFFFFE00  }
0x1c: {  	[tilespmem:s8], [sflag:$0x2] =	stream.linear.gather [hbm4b:s5+s2], $0x10000, $0x38;
	[tilespmem:$0x18C00] =	vst v63  }
0x1d: {  	v17 =	vld [tilespmem:$0x0];
	_ =	sdelay $0x4  }
0x1e: {  	v17 =	vshll.u32 v17, $0x4  }
0x1f: {  	(v2sf) =	vpush v17, $0x0;
	_ =	sdelay $0x1  }
0x20: {  	(v2sf) =	vpush v17, $0x1;
	_ =	sdelay $0x1  }
0x21: {  	(v2sf) =	vpush v17, $0x2;
	_ =	sdelay $0x8  }
0x22: {  	(v2sf) =	vpush v17, $0x3;
	_ =	sdelay $0x1  }
0x23: {  	s9 =	spop (v2sf);
	(v2sf) =	vpush v17, $0x4;
	_ =	sdelay $0x1  }
0x24: {  	s11 =	spop (v2sf);
	(v2sf) =	vpush v17, $0x5;
	_ =	sdelay $0x1  }
0x25: {  	s8 =	spop (v2sf);
	(v2sf) =	vpush v17, $0x6;
	_ =	sdelay $0x1  }
0x26: {  	s0 =	sand.u32 $0xFFFFF80, s9  }
0x27: {  	s0 =	sadd.s32 s3, s0;
	(v2sf) =	vpush v17, $0x7  }
0x28: {  	[tilespmem:s12], [sflag:$0x1] =	stream.linear.gather [hbm4b:s0+s2], $0x400, $0x38;
	[tilespmem:$0x18C00] =	vst v63  }
0x29: {  	s0 =	sand.u32 $0xFFFFF80, s11  }
0x2a: {  	s26 =	simm.s32 $0x600;
	s0 =	sadd.s32 s3, s0  }
0x2b: {  	[tilespmem:s26], [sflag:$0x1] =	stream.linear.gather [hbm4b:s0+s2], $0x400, $0x38;
	[tilespmem:$0x18C00] =	vst v63  }
0x2c: {  	s0 =	sand.u32 $0xFFFFF80, s8  }
0x2d: {  	s9 =	simm.s32 $0xA00;
	s11 =	spop (v2sf);
	s0 =	sadd.s32 s3, s0  }
0x2e: {  	[tilespmem:s9], [sflag:$0x1] =	stream.linear.gather [hbm4b:s0+s2], $0x400, $0x38;
	[tilespmem:$0x18C00] =	vst v63  }
0x2f: {  	s8 =	spop (v2sf);
	(v2sf) =	vpush v17, $0x8  }
0x30: {  	s0 =	sand.u32 $0xFFFFF80, s11  }
0x31: {  	s26 =	simm.s32 $0xE00;
	s0 =	sadd.s32 s3, s0;
	s11 =	spop (v2sf);
	(v2sf) =	vpush v17, $0x9  }
0x32: {  	[tilespmem:s26], [sflag:$0x1] =	stream.linear.gather [hbm4b:s0+s2], $0x400, $0x38;
	[tilespmem:$0x18C00] =	vst v63  }
0x33: {  	s0 =	sand.u32 $0xFFFFF80, s8;
	s8 =	spop (v2sf);
	(v2sf) =	vpush v17, $0xA  }
0x34: {  	s9 =	simm.s32 $0x1200;
	s0 =	sadd.s32 s3, s0  }
0x35: {  	[tilespmem:s9], [sflag:$0x1] =	stream.linear.gather [hbm4b:s0+s2], $0x400, $0x38;
	[tilespmem:$0x18C00] =	vst v63  }
0x36: {  	s0 =	sand.u32 $0xFFFFF80, s11;
	s11 =	spop (v2sf);
	(v2sf) =	vpush v17, $0xB;
	_ =	sdelay $0x1  }
0x37: {  	s26 =	simm.s32 $0x1600;
	s0 =	sadd.s32 s3, s0  }
0x38: {  	[tilespmem:s26], [sflag:$0x1] =	stream.linear.gather [hbm4b:s0+s2], $0x400, $0x38;
	[tilespmem:$0x18C00] =	vst v63  }
0x39: {  	s0 =	sand.u32 $0xFFFFF80, s8  }
0x3a: {  	s9 =	simm.s32 $0x1A00;
	s0 =	sadd.s32 s3, s0  }
0x3b: {  	[tilespmem:s9], [sflag:$0x1] =	stream.linear.gather [hbm4b:s0+s2], $0x400, $0x38;
	[tilespmem:$0x18C00] =	vst v63  }
0x3c: {  	s0 =	sand.u32 $0xFFFFF80, s11  }
0x3d: {  	s26 =	simm.s32 $0x1E00;
	s0 =	sadd.s32 s3, s0;
	s8 =	spop (v2sf);
	(v2sf) =	vpush v17, $0xC  }
0x3e: {  	[tilespmem:s26], [sflag:$0x1] =	stream.linear.gather [hbm4b:s0+s2], $0x400, $0x38;
	[tilespmem:$0x18C00] =	vst v63  }
0x3f: {  	s11 =	spop (v2sf);
	(v2sf) =	vpush v17, $0xD  }
0x40: {  	s0 =	sand.u32 $0xFFFFF80, s8  }
0x41: {  	s9 =	simm.s32 $0x2200;
	s0 =	sadd.s32 s3, s0;
	s8 =	spop (v2sf)  }
0x42: {  	(v2sf) =	vpush v17, $0xE;
	[tilespmem:s9], [sflag:$0x1] =	stream.linear.gather [hbm4b:s0+s2], $0x400, $0x38;
	[tilespmem:$0x18C00] =	vst v63  }
0x43: {  	s0 =	sand.u32 $0xFFFFF80, s11  }
0x44: {  	s26 =	simm.s32 $0x2600;
	s11 =	spop (v2sf);
	s0 =	sadd.s32 s3, s0  }
0x45: {  	(v2sf) =	vpush v17, $0xF;
	[tilespmem:s26], [sflag:$0x1] =	stream.linear.gather [hbm4b:s0+s2], $0x400, $0x38;
	[tilespmem:$0x18C00] =	vst v63  }
0x46: {  	s0 =	sand.u32 $0xFFFFF80, s8  }
0x47: {  	s9 =	simm.s32 $0x2A00;
	s0 =	sadd.s32 s3, s0  }
0x48: {  	[tilespmem:s9], [sflag:$0x1] =	stream.linear.gather [hbm4b:s0+s2], $0x400, $0x38;
	[tilespmem:$0x18C00] =	vst v63  }
0x49: {  	s0 =	sand.u32 $0xFFFFF80, s11  }
0x4a: {  	s26 =	simm.s32 $0x2E00;
	s0 =	sadd.s32 s3, s0  }
0x4b: {  	[tilespmem:s26], [sflag:$0x1] =	stream.linear.gather [hbm4b:s0+s2], $0x400, $0x38;
	[tilespmem:$0x18C00] =	vst v63  }
0x4c: {  	s8 =	spop (v2sf)  }
0x4d: {  	s0 =	sand.u32 $0xFFFFF80, s8  }
0x4e: {  	s9 =	simm.s32 $0x3200;
	s11 =	spop (v2sf);
	s0 =	sadd.s32 s3, s0  }
0x4f: {  	[tilespmem:s9], [sflag:$0x1] =	stream.linear.gather [hbm4b:s0+s2], $0x400, $0x38;
	[tilespmem:$0x18C00] =	vst v63  }
0x50: {  	s0 =	sand.u32 $0xFFFFF80, s11  }
0x51: {  	s26 =	simm.s32 $0x3600;
	s8 =	spop (v2sf);
	s0 =	sadd.s32 s3, s0  }
0x52: {  	[tilespmem:s26], [sflag:$0x1] =	stream.linear.gather [hbm4b:s0+s2], $0x400, $0x38;
	[tilespmem:$0x18C00] =	vst v63  }
0x53: {  	s0 =	sand.u32 $0xFFFFF80, s8  }
0x54: {  	s9 =	simm.s32 $0x3A00;
	s11 =	spop (v2sf);
	s0 =	sadd.s32 s3, s0  }
0x55: {  	[tilespmem:s9], [sflag:$0x1] =	stream.linear.gather [hbm4b:s0+s2], $0x400, $0x38;
	[tilespmem:$0x18C00] =	vst v63  }
0x56: {  	s0 =	sand.u32 $0xFFFFF80, s11  }
0x57: {  	s26 =	simm.s32 $0x3E00;
	s0 =	sadd.s32 s3, s0  }
0x58: {  	[tilespmem:s26], [sflag:$0x1] =	stream.linear.gather [hbm4b:s0+s2], $0x400, $0x38;
	[tilespmem:$0x18C00] =	vst v63  }
0x59: {  	v17 =	vld [tilespmem:$0x10];
	_ =	sdelay $0x4  }
0x5a: {  	v17 =	vshll.u32 v17, $0x4  }
0x5b: {  	(v2sf) =	vpush v17, $0x0;
	_ =	sdelay $0x2  }
0x5c: {  	(v2sf) =	vpush v17, $0x1  }
0x5d: {  	(v2sf) =	vpush v17, $0x2;
	_ =	sdelay $0x2  }
0x5e: {  	(v2sf) =	vpush v17, $0x3;
	_ =	sdelay $0x1  }
0x5f: {  	(v2sf) =	vpush v17, $0x4;
	_ =	sdelay $0x5  }
0x60: {  	s8 =	spop (v2sf);
	(v2sf) =	vpush v17, $0x5;
	_ =	sdelay $0x2  }
0x61: {  	s0 =	sand.u32 $0xFFFFF80, s8;
	s11 =	spop (v2sf)  }
0x62: {  	s9 =	simm.s32 $0x4200;
	s0 =	sadd.s32 s3, s0;
	s8 =	spop (v2sf)  }
0x63: {  	(v2sf) =	vpush v17, $0x6;
	[tilespmem:s9], [sflag:$0x1] =	stream.linear.gather [hbm4b:s0+s2], $0x400, $0x38;
	[tilespmem:$0x18C00] =	vst v63  }
0x64: {  	s0 =	sand.u32 $0xFFFFF80, s11  }
0x65: {  	s26 =	simm.s32 $0x4600;
	s11 =	spop (v2sf);
	(v2sf) =	vpush v17, $0x7;
	s0 =	sadd.s32 s3, s0  }
0x66: {  	[tilespmem:s26], [sflag:$0x1] =	stream.linear.gather [hbm4b:s0+s2], $0x400, $0x38;
	[tilespmem:$0x18C00] =	vst v63  }
0x67: {  	s0 =	sand.u32 $0xFFFFF80, s8;
	s8 =	spop (v2sf);
	(v2sf) =	vpush v17, $0x8  }
0x68: {  	s9 =	simm.s32 $0x4A00;
	s0 =	sadd.s32 s3, s0  }
0x69: {  	[tilespmem:s9], [sflag:$0x1] =	stream.linear.gather [hbm4b:s0+s2], $0x400, $0x38;
	[tilespmem:$0x18C00] =	vst v63  }
0x6a: {  	s0 =	sand.u32 $0xFFFFF80, s11  }
0x6b: {  	s26 =	simm.s32 $0x4E00;
	s0 =	sadd.s32 s3, s0  }
0x6c: {  	[tilespmem:s26], [sflag:$0x1] =	stream.linear.gather [hbm4b:s0+s2], $0x400, $0x38;
	[tilespmem:$0x18C00] =	vst v63  }
0x6d: {  	s11 =	spop (v2sf);
	(v2sf) =	vpush v17, $0x9  }
0x6e: {  	s0 =	sand.u32 $0xFFFFF80, s8  }
0x6f: {  	s9 =	simm.s32 $0x5200;
	s0 =	sadd.s32 s3, s0;
	(v2sf) =	vpush v17, $0xA  }
0x70: {  	[tilespmem:s9], [sflag:$0x1] =	stream.linear.gather [hbm4b:s0+s2], $0x400, $0x38;
	[tilespmem:$0x18C00] =	vst v63  }
0x71: {  	s0 =	sand.u32 $0xFFFFF80, s11  }
0x72: {  	s26 =	simm.s32 $0x5600;
	s0 =	sadd.s32 s3, s0;
	s8 =	spop (v2sf)  }
0x73: {  	(v2sf) =	vpush v17, $0xB;
	[tilespmem:s26], [sflag:$0x1] =	stream.linear.gather [hbm4b:s0+s2], $0x400, $0x38;
	[tilespmem:$0x18C00] =	vst v63  }
0x74: {  	s11 =	spop (v2sf);
	(v2sf) =	vpush v17, $0xC  }
0x75: {  	s0 =	sand.u32 $0xFFFFF80, s8  }
0x76: {  	s9 =	simm.s32 $0x5A00;
	s0 =	sadd.s32 s3, s0;
	s8 =	spop (v2sf);
	(v2sf) =	vpush v17, $0xD  }
0x77: {  	[tilespmem:s9], [sflag:$0x1] =	stream.linear.gather [hbm4b:s0+s2], $0x400, $0x38;
	[tilespmem:$0x18C00] =	vst v63  }
0x78: {  	s0 =	sand.u32 $0xFFFFF80, s11  }
0x79: {  	s26 =	simm.s32 $0x5E00;
	s0 =	sadd.s32 s3, s0  }
0x7a: {  	[tilespmem:s26], [sflag:$0x1] =	stream.linear.gather [hbm4b:s0+s2], $0x400, $0x38;
	[tilespmem:$0x18C00] =	vst v63  }
0x7b: {  	s0 =	sand.u32 $0xFFFFF80, s8  }
0x7c: {  	s0 =	sadd.s32 s3, s0;
	s9 =	spop (v2sf);
	(v2sf) =	vpush v17, $0xE  }
0x7d: {  	[tilespmem:s13], [sflag:$0x1] =	stream.linear.gather [hbm4b:s0+s2], $0x400, $0x38;
	[tilespmem:$0x18C00] =	vst v63  }
0x7e: {  	s11 =	spop (v2sf);
	(v2sf) =	vpush v17, $0xF  }
0x7f: {  	s0 =	sand.u32 $0xFFFFF80, s9  }
0x80: {  	s0 =	sadd.s32 s3, s0  }
0x81: {  	[tilespmem:s14], [sflag:$0x1] =	stream.linear.gather [hbm4b:s0+s2], $0x400, $0x38;
	[tilespmem:$0x18C00] =	vst v63  }
0x82: {  	s26 =	spop (v2sf);
	s0 =	sand.u32 $0xFFFFF80, s11  }
0x83: {  	s8 =	sand.u32 $0xFFFFF80, s26;
	s9 =	spop (v2sf);
	s0 =	sadd.s32 s3, s0  }
0x84: {  	[tilespmem:s15], [sflag:$0x1] =	stream.linear.gather [hbm4b:s0+s2], $0x400, $0x38;
	[tilespmem:$0x18C00] =	vst v63  }
0x85: {  	s11 =	sand.u32 $0xFFFFF80, s9;
	s0 =	sadd.s32 s3, s8;
	s26 =	spop (v2sf)  }
0x86: {  	[tilespmem:s16], [sflag:$0x1] =	stream.linear.gather [hbm4b:s0+s2], $0x400, $0x38;
	[tilespmem:$0x18C00] =	vst v63  }
0x87: {  	s8 =	sand.u32 $0xFFFFF80, s26;
	s0 =	sadd.s32 s3, s11  }
0x88: {  	[tilespmem:s17], [sflag:$0x1] =	stream.linear.gather [hbm4b:s0+s2], $0x400, $0x38;
	[tilespmem:$0x18C00] =	vst v63  }
0x89: {  	s0 =	sadd.s32 s3, s8  }
0x8a: {  	[tilespmem:s18], [sflag:$0x1] =	stream.linear.gather [hbm4b:s0+s2], $0x400, $0x38;
	[tilespmem:$0x18C00] =	vst v63  }
0x8b: {  	s9 =	spop (v2sf)  }
0x8c: {  	s11 =	sand.u32 $0xFFFFF80, s9  }
0x8d: {  	s26 =	spop (v2sf);
	s0 =	sadd.s32 s3, s11  }
0x8e: {  	[tilespmem:s19], [sflag:$0x1] =	stream.linear.gather [hbm4b:s0+s2], $0x400, $0x38;
	[tilespmem:$0x18C00] =	vst v63  }
0x8f: {  	s0 =	sand.u32 $0xFFFFF80, s26  }
.Ltmp2:
0x90: {  	s0 =	sadd.s32 s3, s0;
	(pc) =	sbr.rel .LBB2_2-.Ltmp2, $4  }
0x91: {  	[tilespmem:s20], [sflag:$0x1] =	stream.linear.gather [hbm4b:s0+s2], $0x400, $0x38;
	[tilespmem:$0x18C00] =	vst v63  }
0x92: {  	s28 =	simm.s32 $0x8600;
	s29 =	simm.s32 $0x18A00;
	_ =	swait.ge [sflag:s21], $0x10000  }
0x93: {  	s30 =	simm.s32 $0x0;
	s31 =	simm.s32 $0x0;
	[sflag:s21] =	ssyncset.done $0x0  }
0x94: {  	s26 =	simm.s32 $0x20;
	s0 =	simm.s32 $0x0;
	[sflag:s21] =	ssyncadd.s32 $0xFFFF0000  }
.LBB2_4:
0x95: {  	s30 =	sadd.s32 $0x4000, s30  }
0x96: {  	p0 =	sne.s32 s30, $0x80000  }
.Ltmp3:
0x97: {  	_ = 	snop;
	(pc) =	sbr.rel @!p0 .LBB2_5-.Ltmp3, $3  }
0x98: {  	_ =	sdelay $0x1  }
0x99: {  	s0 =	sadd.s32 $0x1, s0;
	s31 =	sadd.s32 $0x10, s31  }
0x9a: {  	s29 =	sadd.s32 $0x10, s29;
	s26 =	sadd.s32 $0x10, s26;
	s28 =	sadd.s32 $0x800, s28  }
.LBB2_2:
0x9b: {  	_ =	swait.ge [sflag:s22], $0x400  }
0x9c: {  	[sflag:s22] =	ssyncset.done $0x0  }
0x9d: {  	[sflag:s22] =	ssyncadd.s32 $0xFFFFFC00  }
0x9e: {  	_ =	swait.ge [sflag:s22], $0x400  }
0x9f: {  	[sflag:s22] =	ssyncset.done $0x0  }
0xa0: {  	[sflag:s22] =	ssyncadd.s32 $0xFFFFFC00  }
0xa1: {  	_ =	swait.ge [sflag:s22], $0x400  }
0xa2: {  	[sflag:s22] =	ssyncset.done $0x0  }
0xa3: {  	[sflag:s22] =	ssyncadd.s32 $0xFFFFFC00  }
0xa4: {  	_ =	swait.ge [sflag:s22], $0x400  }
0xa5: {  	[sflag:s22] =	ssyncset.done $0x0  }
0xa6: {  	[sflag:s22] =	ssyncadd.s32 $0xFFFFFC00  }
0xa7: {  	_ =	swait.ge [sflag:s22], $0x400  }
0xa8: {  	[sflag:s22] =	ssyncset.done $0x0  }
0xa9: {  	[sflag:s22] =	ssyncadd.s32 $0xFFFFFC00  }
0xaa: {  	_ =	swait.ge [sflag:s22], $0x400  }
0xab: {  	[sflag:s22] =	ssyncset.done $0x0  }
0xac: {  	[sflag:s22] =	ssyncadd.s32 $0xFFFFFC00  }
0xad: {  	_ =	swait.ge [sflag:s22], $0x400  }
0xae: {  	[sflag:s22] =	ssyncset.done $0x0  }
0xaf: {  	[sflag:s22] =	ssyncadd.s32 $0xFFFFFC00  }
0xb0: {  	_ =	swait.ge [sflag:s22], $0x400  }
0xb1: {  	[sflag:s22] =	ssyncset.done $0x0  }
0xb2: {  	[sflag:s22] =	ssyncadd.s32 $0xFFFFFC00  }
0xb3: {  	_ =	swait.ge [sflag:s22], $0x400  }
0xb4: {  	[sflag:s22] =	ssyncset.done $0x0  }
0xb5: {  	[sflag:s22] =	ssyncadd.s32 $0xFFFFFC00  }
0xb6: {  	_ =	swait.ge [sflag:s22], $0x400  }
0xb7: {  	[sflag:s22] =	ssyncset.done $0x0  }
0xb8: {  	[sflag:s22] =	ssyncadd.s32 $0xFFFFFC00  }
0xb9: {  	_ =	swait.ge [sflag:s22], $0x400  }
0xba: {  	[sflag:s22] =	ssyncset.done $0x0  }
0xbb: {  	[sflag:s22] =	ssyncadd.s32 $0xFFFFFC00  }
0xbc: {  	_ =	swait.ge [sflag:s22], $0x400  }
0xbd: {  	[sflag:s22] =	ssyncset.done $0x0  }
0xbe: {  	[sflag:s22] =	ssyncadd.s32 $0xFFFFFC00  }
0xbf: {  	_ =	swait.ge [sflag:s22], $0x400  }
0xc0: {  	[sflag:s22] =	ssyncset.done $0x0  }
0xc1: {  	[sflag:s22] =	ssyncadd.s32 $0xFFFFFC00  }
0xc2: {  	_ =	swait.ge [sflag:s22], $0x400  }
0xc3: {  	[sflag:s22] =	ssyncset.done $0x0  }
0xc4: {  	[sflag:s22] =	ssyncadd.s32 $0xFFFFFC00  }
0xc5: {  	_ =	swait.ge [sflag:s22], $0x400  }
0xc6: {  	[sflag:s22] =	ssyncset.done $0x0  }
0xc7: {  	[sflag:s22] =	ssyncadd.s32 $0xFFFFFC00  }
0xc8: {  	_ =	swait.ge [sflag:s22], $0x400  }
0xc9: {  	[sflag:s22] =	ssyncset.done $0x0  }
0xca: {  	[sflag:s22] =	ssyncadd.s32 $0xFFFFFC00  }
0xcb: {  	v17 =	vld [tilespmem:s26+$0xFFFFFFE0];
	_ =	sdelay $0x4  }
0xcc: {  	v17 =	vshll.u32 v17, $0x7  }
0xcd: {  	(v2sf) =	vpush v17, $0x0;
	_ =	sdelay $0xe  }
0xce: {  	s1 =	sand.u32 $0x4000, s30;
	s8 =	spop (v2sf)  }
0xcf: {  	v19 =	vld [tilespmem:s28+$0xFFFFFC00];
	s9 =	sand.u32 $0x380, s8;
	s8 =	sor.u32 $0x200, s1  }
0xd0: {  	v21 =	vld [tilespmem:s28+$0xFFFFFC10];
	(v2sf) =	vpush v17, $0x1;
	s9 =	sadd.s32 s9, s8  }
0xd1: {  	v18 =	vld [tilespmem:s9+$0x0]  }
0xd2: {  	v20 =	vld [tilespmem:s9+$0x10]  }
0xd3: {  	v23 =	vld [tilespmem:s28+$0xFFFFFC20]  }
0xd4: {  	v22 =	vld [tilespmem:s9+$0x20]  }
0xd5: {  	v25 =	vld [tilespmem:s28+$0xFFFFFC30]  }
0xd6: {  	v24 =	vld [tilespmem:s9+$0x30]  }
0xd7: {  	v18 =	vmul.f32 v19, v18;
	v19 =	vmul.f32 v21, v20;
	_ =	sdelay $0x1  }
0xd8: {  	v18 =	vadd.f32 v19, v18;
	v19 =	vmul.f32 v23, v22;
	_ =	sdelay $0x1  }
0xd9: {  	v18 =	vadd.f32 v19, v18;
	v19 =	vmul.f32 v25, v24;
	_ =	sdelay $0x1  }
0xda: {  	v18 =	vadd.f32 v19, v18;
	_ =	sdelay $0x1  }
0xdb: {  	s9 =	sadd.s32 $0x400, s30;
	s11 =	spop (v2sf);
	[tilespmem:$0x18200] =	vst v18  }
0xdc: {  	s9 =	sand.u32 $0x4400, s9;
	s11 =	sand.u32 $0x380, s11;
	v19 =	vld [tilespmem:s28+$0xFFFFFC80]  }
0xdd: {  	(v2sf) =	vpush v17, $0x2;
	s9 =	sor.u32 s11, s9;
	v35 =	vld [tilespmem:s28+$0xFFFFFC90]  }
0xde: {  	v18 =	vld [tilespmem:s9+$0x200]  }
0xdf: {  	v34 =	vld [tilespmem:s9+$0x210]  }
0xe0: {  	v37 =	vld [tilespmem:s28+$0xFFFFFCA0]  }
0xe1: {  	v36 =	vld [tilespmem:s9+$0x220]  }
0xe2: {  	v39 =	vld [tilespmem:s28+$0xFFFFFCB0]  }
0xe3: {  	v38 =	vld [tilespmem:s9+$0x230]  }
0xe4: {  	v18 =	vmul.f32 v19, v18;
	v19 =	vmul.f32 v35, v34;
	_ =	sdelay $0x1  }
0xe5: {  	v18 =	vadd.f32 v19, v18;
	v19 =	vmul.f32 v37, v36;
	_ =	sdelay $0x1  }
0xe6: {  	v18 =	vadd.f32 v19, v18;
	v19 =	vmul.f32 v39, v38;
	_ =	sdelay $0x1  }
0xe7: {  	v18 =	vadd.f32 v19, v18;
	_ =	sdelay $0x1  }
0xe8: {  	s9 =	sadd.s32 $0x800, s30;
	s11 =	spop (v2sf);
	[tilespmem:$0x18280] =	vst v18  }
0xe9: {  	s9 =	sand.u32 $0x4800, s9;
	s11 =	sand.u32 $0x380, s11;
	v19 =	vld [tilespmem:s28+$0xFFFFFD00]  }
0xea: {  	(v2sf) =	vpush v17, $0x3;
	s9 =	sor.u32 s11, s9;
	v41 =	vld [tilespmem:s28+$0xFFFFFD10]  }
0xeb: {  	v18 =	vld [tilespmem:s9+$0x200]  }
0xec: {  	v40 =	vld [tilespmem:s9+$0x210]  }
0xed: {  	v43 =	vld [tilespmem:s28+$0xFFFFFD20]  }
0xee: {  	v42 =	vld [tilespmem:s9+$0x220]  }
0xef: {  	v45 =	vld [tilespmem:s28+$0xFFFFFD30]  }
0xf0: {  	v44 =	vld [tilespmem:s9+$0x230]  }
0xf1: {  	v18 =	vmul.f32 v19, v18;
	v19 =	vmul.f32 v41, v40;
	_ =	sdelay $0x1  }
0xf2: {  	v18 =	vadd.f32 v19, v18;
	v19 =	vmul.f32 v43, v42;
	_ =	sdelay $0x1  }
0xf3: {  	v18 =	vadd.f32 v19, v18;
	v19 =	vmul.f32 v45, v44;
	_ =	sdelay $0x1  }
0xf4: {  	v18 =	vadd.f32 v19, v18;
	_ =	sdelay $0x1  }
0xf5: {  	s9 =	sadd.s32 $0xC00, s30;
	s11 =	spop (v2sf);
	[tilespmem:$0x18300] =	vst v18  }
0xf6: {  	s9 =	sand.u32 $0x4C00, s9;
	s11 =	sand.u32 $0x380, s11;
	v19 =	vld [tilespmem:s28+$0xFFFFFD80]  }
0xf7: {  	(v2sf) =	vpush v17, $0x4;
	s9 =	sor.u32 s11, s9;
	v47 =	vld [tilespmem:s28+$0xFFFFFD90]  }
0xf8: {  	v18 =	vld [tilespmem:s9+$0x200]  }
0xf9: {  	v46 =	vld [tilespmem:s9+$0x210]  }
0xfa: {  	v49 =	vld [tilespmem:s28+$0xFFFFFDA0]  }
0xfb: {  	v48 =	vld [tilespmem:s9+$0x220]  }
0xfc: {  	v51 =	vld [tilespmem:s28+$0xFFFFFDB0]  }
0xfd: {  	v50 =	vld [tilespmem:s9+$0x230]  }
0xfe: {  	v18 =	vmul.f32 v19, v18;
	v19 =	vmul.f32 v47, v46;
	_ =	sdelay $0x1  }
0xff: {  	v18 =	vadd.f32 v19, v18;
	v19 =	vmul.f32 v49, v48;
	_ =	sdelay $0x1  }
0x100: {  	v18 =	vadd.f32 v19, v18;
	v19 =	vmul.f32 v51, v50;
	_ =	sdelay $0x1  }
0x101: {  	v18 =	vadd.f32 v19, v18;
	_ =	sdelay $0x1  }
0x102: {  	s9 =	sadd.s32 $0x1000, s30;
	s11 =	spop (v2sf);
	[tilespmem:$0x18380] =	vst v18  }
0x103: {  	s9 =	sand.u32 $0x5000, s9;
	s11 =	sand.u32 $0x380, s11;
	v19 =	vld [tilespmem:s28+$0xFFFFFE00]  }
0x104: {  	(v2sf) =	vpush v17, $0x5;
	s9 =	sor.u32 s11, s9;
	v53 =	vld [tilespmem:s28+$0xFFFFFE10]  }
0x105: {  	v18 =	vld [tilespmem:s9+$0x200]  }
0x106: {  	v52 =	vld [tilespmem:s9+$0x210]  }
0x107: {  	v55 =	vld [tilespmem:s28+$0xFFFFFE20]  }
0x108: {  	v54 =	vld [tilespmem:s9+$0x220]  }
0x109: {  	v57 =	vld [tilespmem:s28+$0xFFFFFE30]  }
0x10a: {  	v56 =	vld [tilespmem:s9+$0x230]  }
0x10b: {  	v18 =	vmul.f32 v19, v18;
	v19 =	vmul.f32 v53, v52;
	_ =	sdelay $0x1  }
0x10c: {  	v18 =	vadd.f32 v19, v18;
	v19 =	vmul.f32 v55, v54;
	_ =	sdelay $0x1  }
0x10d: {  	v18 =	vadd.f32 v19, v18;
	v19 =	vmul.f32 v57, v56;
	_ =	sdelay $0x1  }
0x10e: {  	v18 =	vadd.f32 v19, v18;
	_ =	sdelay $0x1  }
0x10f: {  	s9 =	sadd.s32 $0x1400, s30;
	s11 =	spop (v2sf);
	[tilespmem:$0x18400] =	vst v18  }
0x110: {  	s9 =	sand.u32 $0x5400, s9;
	s11 =	sand.u32 $0x380, s11;
	v19 =	vld [tilespmem:s28+$0xFFFFFE80]  }
0x111: {  	(v2sf) =	vpush v17, $0x6;
	s9 =	sor.u32 s11, s9;
	v59 =	vld [tilespmem:s28+$0xFFFFFE90]  }
0x112: {  	v18 =	vld [tilespmem:s9+$0x200]  }
0x113: {  	v58 =	vld [tilespmem:s9+$0x210]  }
0x114: {  	v61 =	vld [tilespmem:s28+$0xFFFFFEA0]  }
0x115: {  	v60 =	vld [tilespmem:s9+$0x220]  }
0x116: {  	v63 =	vld [tilespmem:s28+$0xFFFFFEB0]  }
0x117: {  	v62 =	vld [tilespmem:s9+$0x230]  }
0x118: {  	v18 =	vmul.f32 v19, v18;
	v19 =	vmul.f32 v59, v58;
	_ =	sdelay $0x1  }
0x119: {  	v18 =	vadd.f32 v19, v18;
	v19 =	vmul.f32 v61, v60;
	_ =	sdelay $0x1  }
0x11a: {  	v18 =	vadd.f32 v19, v18;
	v19 =	vmul.f32 v63, v62;
	_ =	sdelay $0x1  }
0x11b: {  	v18 =	vadd.f32 v19, v18;
	_ =	sdelay $0x1  }
0x11c: {  	s9 =	sadd.s32 $0x1800, s30;
	s11 =	spop (v2sf);
	[tilespmem:$0x18480] =	vst v18  }
0x11d: {  	s9 =	sand.u32 $0x5800, s9;
	s11 =	sand.u32 $0x380, s11;
	v19 =	vld [tilespmem:s28+$0xFFFFFF00]  }
0x11e: {  	(v2sf) =	vpush v17, $0x7;
	s9 =	sor.u32 s11, s9;
	v29 =	vld [tilespmem:s28+$0xFFFFFF10]  }
0x11f: {  	v18 =	vld [tilespmem:s9+$0x200]  }
0x120: {  	v28 =	vld [tilespmem:s9+$0x210]  }
0x121: {  	v31 =	vld [tilespmem:s28+$0xFFFFFF20]  }
0x122: {  	v30 =	vld [tilespmem:s9+$0x220]  }
0x123: {  	v33 =	vld [tilespmem:s28+$0xFFFFFF30]  }
0x124: {  	v32 =	vld [tilespmem:s9+$0x230]  }
0x125: {  	v18 =	vmul.f32 v19, v18;
	v19 =	vmul.f32 v29, v28;
	_ =	sdelay $0x1  }
0x126: {  	v18 =	vadd.f32 v19, v18;
	v19 =	vmul.f32 v31, v30;
	_ =	sdelay $0x1  }
0x127: {  	v18 =	vadd.f32 v19, v18;
	v19 =	vmul.f32 v33, v32;
	_ =	sdelay $0x1  }
0x128: {  	v18 =	vadd.f32 v19, v18;
	_ =	sdelay $0x1  }
0x129: {  	s9 =	sadd.s32 $0x1C00, s30;
	s11 =	spop (v2sf);
	[tilespmem:$0x18500] =	vst v18  }
0x12a: {  	s9 =	sand.u32 $0x5C00, s9;
	s11 =	sand.u32 $0x380, s11;
	v19 =	vld [tilespmem:s28+$0xFFFFFF80]  }
0x12b: {  	(v2sf) =	vpush v17, $0x8;
	s9 =	sor.u32 s11, s9;
	v35 =	vld [tilespmem:s28+$0xFFFFFF90]  }
0x12c: {  	v18 =	vld [tilespmem:s9+$0x200]  }
0x12d: {  	v34 =	vld [tilespmem:s9+$0x210]  }
0x12e: {  	v37 =	vld [tilespmem:s28+$0xFFFFFFA0]  }
0x12f: {  	v36 =	vld [tilespmem:s9+$0x220]  }
0x130: {  	v39 =	vld [tilespmem:s28+$0xFFFFFFB0]  }
0x131: {  	v38 =	vld [tilespmem:s9+$0x230]  }
0x132: {  	v18 =	vmul.f32 v19, v18;
	v19 =	vmul.f32 v35, v34;
	_ =	sdelay $0x1  }
0x133: {  	v18 =	vadd.f32 v19, v18;
	v19 =	vmul.f32 v37, v36;
	_ =	sdelay $0x1  }
0x134: {  	v18 =	vadd.f32 v19, v18;
	v19 =	vmul.f32 v39, v38;
	_ =	sdelay $0x1  }
0x135: {  	v18 =	vadd.f32 v19, v18;
	_ =	sdelay $0x1  }
0x136: {  	s9 =	sadd.s32 $0x2000, s30;
	s11 =	spop (v2sf);
	[tilespmem:$0x18580] =	vst v18  }
0x137: {  	s9 =	sand.u32 $0x6000, s9;
	s11 =	sand.u32 $0x380, s11;
	v19 =	vld [tilespmem:s28+$0x0]  }
0x138: {  	(v2sf) =	vpush v17, $0x9;
	s9 =	sor.u32 s11, s9;
	v41 =	vld [tilespmem:s28+$0x10]  }
0x139: {  	v18 =	vld [tilespmem:s9+$0x200]  }
0x13a: {  	v40 =	vld [tilespmem:s9+$0x210]  }
0x13b: {  	v43 =	vld [tilespmem:s28+$0x20]  }
0x13c: {  	v42 =	vld [tilespmem:s9+$0x220]  }
0x13d: {  	v45 =	vld [tilespmem:s28+$0x30]  }
0x13e: {  	v44 =	vld [tilespmem:s9+$0x230]  }
0x13f: {  	v18 =	vmul.f32 v19, v18;
	v19 =	vmul.f32 v41, v40;
	_ =	sdelay $0x1  }
0x140: {  	v18 =	vadd.f32 v19, v18;
	v19 =	vmul.f32 v43, v42;
	_ =	sdelay $0x1  }
0x141: {  	v18 =	vadd.f32 v19, v18;
	v19 =	vmul.f32 v45, v44;
	_ =	sdelay $0x1  }
0x142: {  	v18 =	vadd.f32 v19, v18;
	_ =	sdelay $0x1  }
0x143: {  	s9 =	sadd.s32 $0x2400, s30;
	s11 =	spop (v2sf);
	[tilespmem:$0x18600] =	vst v18  }
0x144: {  	s9 =	sand.u32 $0x6400, s9;
	s11 =	sand.u32 $0x380, s11;
	v19 =	vld [tilespmem:s28+$0x80]  }
0x145: {  	(v2sf) =	vpush v17, $0xA;
	s9 =	sor.u32 s11, s9;
	v47 =	vld [tilespmem:s28+$0x90]  }
0x146: {  	v18 =	vld [tilespmem:s9+$0x200]  }
0x147: {  	v46 =	vld [tilespmem:s9+$0x210]  }
0x148: {  	v49 =	vld [tilespmem:s28+$0xA0]  }
0x149: {  	v48 =	vld [tilespmem:s9+$0x220]  }
0x14a: {  	v51 =	vld [tilespmem:s28+$0xB0]  }
0x14b: {  	v50 =	vld [tilespmem:s9+$0x230]  }
0x14c: {  	v18 =	vmul.f32 v19, v18;
	v19 =	vmul.f32 v47, v46;
	_ =	sdelay $0x1  }
0x14d: {  	v18 =	vadd.f32 v19, v18;
	v19 =	vmul.f32 v49, v48;
	_ =	sdelay $0x1  }
0x14e: {  	v18 =	vadd.f32 v19, v18;
	v19 =	vmul.f32 v51, v50;
	_ =	sdelay $0x1  }
0x14f: {  	v18 =	vadd.f32 v19, v18;
	_ =	sdelay $0x1  }
0x150: {  	s9 =	sadd.s32 $0x2800, s30;
	s11 =	spop (v2sf);
	[tilespmem:$0x18680] =	vst v18  }
0x151: {  	s9 =	sand.u32 $0x6800, s9;
	s11 =	sand.u32 $0x380, s11;
	v19 =	vld [tilespmem:s28+$0x100]  }
0x152: {  	(v2sf) =	vpush v17, $0xB;
	s9 =	sor.u32 s11, s9;
	v53 =	vld [tilespmem:s28+$0x110]  }
0x153: {  	v18 =	vld [tilespmem:s9+$0x200]  }
0x154: {  	v52 =	vld [tilespmem:s9+$0x210]  }
0x155: {  	v55 =	vld [tilespmem:s28+$0x120]  }
0x156: {  	v54 =	vld [tilespmem:s9+$0x220]  }
0x157: {  	v57 =	vld [tilespmem:s28+$0x130]  }
0x158: {  	v56 =	vld [tilespmem:s9+$0x230]  }
0x159: {  	v18 =	vmul.f32 v19, v18;
	v19 =	vmul.f32 v53, v52;
	_ =	sdelay $0x1  }
0x15a: {  	v18 =	vadd.f32 v19, v18;
	v19 =	vmul.f32 v55, v54;
	_ =	sdelay $0x1  }
0x15b: {  	v18 =	vadd.f32 v19, v18;
	v19 =	vmul.f32 v57, v56;
	_ =	sdelay $0x1  }
0x15c: {  	v18 =	vadd.f32 v19, v18;
	_ =	sdelay $0x1  }
0x15d: {  	s9 =	sadd.s32 $0x2C00, s30;
	s11 =	spop (v2sf);
	[tilespmem:$0x18700] =	vst v18  }
0x15e: {  	s9 =	sand.u32 $0x6C00, s9;
	s11 =	sand.u32 $0x380, s11;
	v19 =	vld [tilespmem:s28+$0x180]  }
0x15f: {  	(v2sf) =	vpush v17, $0xC;
	s9 =	sor.u32 s11, s9;
	v59 =	vld [tilespmem:s28+$0x190]  }
0x160: {  	v18 =	vld [tilespmem:s9+$0x200]  }
0x161: {  	v58 =	vld [tilespmem:s9+$0x210]  }
0x162: {  	v61 =	vld [tilespmem:s28+$0x1A0]  }
0x163: {  	v60 =	vld [tilespmem:s9+$0x220]  }
0x164: {  	v63 =	vld [tilespmem:s28+$0x1B0]  }
0x165: {  	v62 =	vld [tilespmem:s9+$0x230]  }
0x166: {  	v18 =	vmul.f32 v19, v18;
	v19 =	vmul.f32 v59, v58;
	_ =	sdelay $0x1  }
0x167: {  	v18 =	vadd.f32 v19, v18;
	v19 =	vmul.f32 v61, v60;
	_ =	sdelay $0x1  }
0x168: {  	v18 =	vadd.f32 v19, v18;
	v19 =	vmul.f32 v63, v62;
	_ =	sdelay $0x1  }
0x169: {  	v18 =	vadd.f32 v19, v18;
	_ =	sdelay $0x1  }
0x16a: {  	s9 =	sadd.s32 $0x3000, s30;
	s11 =	spop (v2sf);
	[tilespmem:$0x18780] =	vst v18  }
0x16b: {  	s9 =	sand.u32 $0x7000, s9;
	s11 =	sand.u32 $0x380, s11;
	v19 =	vld [tilespmem:s28+$0x200]  }
0x16c: {  	(v2sf) =	vpush v17, $0xD;
	s9 =	sor.u32 s11, s9;
	v29 =	vld [tilespmem:s28+$0x210]  }
0x16d: {  	v18 =	vld [tilespmem:s9+$0x200]  }
0x16e: {  	v28 =	vld [tilespmem:s9+$0x210]  }
0x16f: {  	v31 =	vld [tilespmem:s28+$0x220]  }
0x170: {  	v30 =	vld [tilespmem:s9+$0x220]  }
0x171: {  	v33 =	vld [tilespmem:s28+$0x230]  }
0x172: {  	v32 =	vld [tilespmem:s9+$0x230]  }
0x173: {  	v18 =	vmul.f32 v19, v18;
	v19 =	vmul.f32 v29, v28;
	_ =	sdelay $0x1  }
0x174: {  	v18 =	vadd.f32 v19, v18;
	v19 =	vmul.f32 v31, v30;
	_ =	sdelay $0x1  }
0x175: {  	v18 =	vadd.f32 v19, v18;
	v19 =	vmul.f32 v33, v32;
	_ =	sdelay $0x1  }
0x176: {  	v18 =	vadd.f32 v19, v18;
	_ =	sdelay $0x1  }
0x177: {  	s9 =	sadd.s32 $0x3400, s30;
	s11 =	spop (v2sf);
	[tilespmem:$0x18800] =	vst v18  }
0x178: {  	s9 =	sand.u32 $0x7400, s9;
	s11 =	sand.u32 $0x380, s11;
	v19 =	vld [tilespmem:s28+$0x280]  }
0x179: {  	(v2sf) =	vpush v17, $0xE;
	s9 =	sor.u32 s11, s9;
	v35 =	vld [tilespmem:s28+$0x290]  }
0x17a: {  	v18 =	vld [tilespmem:s9+$0x200]  }
0x17b: {  	v34 =	vld [tilespmem:s9+$0x210]  }
0x17c: {  	v37 =	vld [tilespmem:s28+$0x2A0]  }
0x17d: {  	v36 =	vld [tilespmem:s9+$0x220]  }
0x17e: {  	v39 =	vld [tilespmem:s28+$0x2B0]  }
0x17f: {  	v38 =	vld [tilespmem:s9+$0x230]  }
0x180: {  	v18 =	vmul.f32 v19, v18;
	v19 =	vmul.f32 v35, v34;
	_ =	sdelay $0x1  }
0x181: {  	v18 =	vadd.f32 v19, v18;
	v19 =	vmul.f32 v37, v36;
	_ =	sdelay $0x1  }
0x182: {  	v18 =	vadd.f32 v19, v18;
	v19 =	vmul.f32 v39, v38;
	_ =	sdelay $0x1  }
0x183: {  	v18 =	vadd.f32 v19, v18;
	_ =	sdelay $0x1  }
0x184: {  	s9 =	sadd.s32 $0x3800, s30;
	s11 =	spop (v2sf);
	[tilespmem:$0x18880] =	vst v18  }
0x185: {  	s9 =	sand.u32 $0x7800, s9;
	s11 =	sand.u32 $0x380, s11;
	v19 =	vld [tilespmem:s28+$0x300]  }
0x186: {  	(v2sf) =	vpush v17, $0xF;
	s9 =	sor.u32 s11, s9;
	v41 =	vld [tilespmem:s28+$0x310]  }
0x187: {  	v18 =	vld [tilespmem:s9+$0x200]  }
0x188: {  	v40 =	vld [tilespmem:s9+$0x210]  }
0x189: {  	v43 =	vld [tilespmem:s28+$0x320]  }
0x18a: {  	v42 =	vld [tilespmem:s9+$0x220]  }
0x18b: {  	v45 =	vld [tilespmem:s28+$0x330]  }
0x18c: {  	v44 =	vld [tilespmem:s9+$0x230]  }
0x18d: {  	v18 =	vmul.f32 v19, v18;
	v19 =	vmul.f32 v41, v40;
	_ =	sdelay $0x1  }
0x18e: {  	v18 =	vadd.f32 v19, v18;
	v19 =	vmul.f32 v43, v42;
	_ =	sdelay $0x1  }
0x18f: {  	v18 =	vadd.f32 v19, v18;
	v19 =	vmul.f32 v45, v44;
	_ =	sdelay $0x1  }
0x190: {  	v18 =	vadd.f32 v19, v18;
	_ =	sdelay $0x1  }
0x191: {  	s9 =	sadd.s32 $0x3C00, s30;
	s11 =	spop (v2sf);
	[tilespmem:$0x18900] =	vst v18  }
0x192: {  	s9 =	sand.u32 $0x7C00, s9;
	s11 =	sand.u32 $0x380, s11;
	v19 =	vld [tilespmem:s28+$0x380]  }
0x193: {  	s9 =	sor.u32 s11, s9;
	v47 =	vld [tilespmem:s28+$0x390]  }
0x194: {  	v18 =	vld [tilespmem:s9+$0x200]  }
0x195: {  	v46 =	vld [tilespmem:s9+$0x210]  }
0x196: {  	v49 =	vld [tilespmem:s28+$0x3A0]  }
0x197: {  	v48 =	vld [tilespmem:s9+$0x220]  }
0x198: {  	v51 =	vld [tilespmem:s28+$0x3B0]  }
0x199: {  	v50 =	vld [tilespmem:s9+$0x230]  }
0x19a: {  	v18 =	vmul.f32 v19, v18;
	v19 =	vmul.f32 v47, v46;
	_ =	sdelay $0x1  }
0x19b: {  	v18 =	vadd.f32 v19, v18;
	v19 =	vmul.f32 v49, v48;
	_ =	sdelay $0x1  }
0x19c: {  	v18 =	vadd.f32 v19, v18;
	v19 =	vmul.f32 v51, v50;
	_ =	sdelay $0x1  }
0x19d: {  	v18 =	vadd.f32 v19, v18;
	_ =	sdelay $0x1  }
0x19e: {  	[tilespmem:$0x18980] =	vst v18  }
0x19f: {  	v18 =	vld.idx.msk [tilespmem:v0+s23+$0x0], $0xffff  }
0x1a0: {  	v19 =	vld.idx.msk [tilespmem:v1+s23+$0x0], $0xffff;
	_ =	sdelay $0x1  }
0x1a1: {  	v52 =	vld.idx.msk [tilespmem:v2+s23+$0x0], $0xffff;
	_ =	sdelay $0x1  }
0x1a2: {  	v53 =	vld.idx.msk [tilespmem:v3+s23+$0x0], $0xffff  }
0x1a3: {  	v18 =	vadd.f32 v19, v18  }
0x1a4: {  	v19 =	vld.idx.msk [tilespmem:v4+s23+$0x0], $0xffff  }
0x1a5: {  	v18 =	vadd.f32 v52, v18  }
0x1a6: {  	v54 =	vld.idx.msk [tilespmem:v5+s23+$0x0], $0xffff  }
0x1a7: {  	v18 =	vadd.f32 v53, v18  }
0x1a8: {  	v55 =	vld.idx.msk [tilespmem:v6+s23+$0x0], $0xffff  }
0x1a9: {  	v18 =	vadd.f32 v19, v18  }
0x1aa: {  	v19 =	vld.idx.msk [tilespmem:v7+s23+$0x0], $0xffff  }
0x1ab: {  	v18 =	vadd.f32 v54, v18  }
0x1ac: {  	v56 =	vld.idx.msk [tilespmem:v8+s23+$0x0], $0xffff  }
0x1ad: {  	v18 =	vadd.f32 v55, v18  }
0x1ae: {  	v57 =	vld.idx.msk [tilespmem:v9+s23+$0x0], $0xffff  }
0x1af: {  	v18 =	vadd.f32 v19, v18  }
0x1b0: {  	v19 =	vld.idx.msk [tilespmem:v10+s23+$0x0], $0xffff  }
0x1b1: {  	v18 =	vadd.f32 v56, v18  }
0x1b2: {  	v59 =	vmov s31;
	v58 =	vld.idx.msk [tilespmem:v11+s23+$0x0], $0xffff  }
0x1b3: {  	v60 =	vshll.u32 v59, $0xA;
	v18 =	vadd.f32 v57, v18  }
0x1b4: {  	v21 =	vor.u32 v16, v60;
	v61 =	vld.idx.msk [tilespmem:v12+s23+$0x0], $0xffff  }
0x1b5: {  	v17 =	vand.u32 $0x380, v17;
	v18 =	vadd.f32 v19, v18;
	v19 =	vand.u32 $0x7C00, v21  }
0x1b6: {  	v17 =	vor.u32 v17, v19;
	v19 =	vld.idx.msk [tilespmem:v13+s23+$0x0], $0xffff  }
0x1b7: {  	v18 =	vadd.f32 v58, v18;
	v17 =	vor.u32 $0x1, v17  }
0x1b8: {  	v62 =	vld.idx.msk [tilespmem:v14+s23+$0x0], $0xffff  }
0x1b9: {  	v18 =	vadd.f32 v61, v18  }
0x1ba: {  	v63 =	vld.idx.msk [tilespmem:v15+s23+$0x0], $0xffff  }
0x1bb: {  	v18 =	vadd.f32 v19, v18  }
0x1bc: {  	v17 =	vld.idx.msk [tilespmem:v17+s12+$0x0], $0xffff  }
0x1bd: {  	v18 =	vadd.f32 v62, v18;
	_ =	sdelay $0x1  }
0x1be: {  	v18 =	vadd.f32 v63, v18;
	_ =	sdelay $0x1  }
0x1bf: {  	v17 =	vadd.f32 v17, v18;
	_ =	sdelay $0x1  }
0x1c0: {  	v17 =	vsub.f32 $0.0e+00, v17;
	_ =	sdelay $0x1  }
0x1c1: {  	v17 =	vmul.f32 $1.442695020e+00, v17;
	_ =	sdelay $0x1  }
0x1c2: {  	(erf) = vpow2.f32 v17;
	_ =	sdelay $0x8  }
0x1c3: {  	v17 =	vpop (erf)  }
0x1c4: {  	v17 =	vadd.f32 $1.000000000e+00, v17;
	_ =	sdelay $0x1  }
0x1c5: {  	(erf) = vrcp.f32 v17;
	_ =	sdelay $0x4  }
0x1c6: {  	p0 =	sgt.u32 s0, $0x1D  }
.Ltmp4:
0x1c7: {  	_ = 	snop;
	(pc) =	sbr.rel @p0 .LBB2_4-.Ltmp4, $3  }
0x1c8: {  	_ =	sdelay $0x1  }
0x1c9: {  	v17 =	vpop (erf)  }
0x1ca: {  	[tilespmem:s29+$0x0] =	vst v17  }
0x1cb: {  	v17 =	vld [tilespmem:s26+$0x0];
	_ =	sdelay $0x4  }
0x1cc: {  	v17 =	vshll.u32 v17, $0x4  }
0x1cd: {  	(v2sf) =	vpush v17, $0x0;
	_ =	sdelay $0x3  }
0x1ce: {  	(v2sf) =	vpush v17, $0x1;
	_ =	sdelay $0x1  }
0x1cf: {  	(v2sf) =	vpush v17, $0x2;
	_ =	sdelay $0x2  }
0x1d0: {  	(v2sf) =	vpush v17, $0x3;
	_ =	sdelay $0x5  }
0x1d1: {  	s9 =	spop (v2sf);
	(v2sf) =	vpush v17, $0x4  }
0x1d2: {  	s9 =	sand.u32 $0xFFFFF80, s9  }
0x1d3: {  	s9 =	sadd.s32 s3, s9  }
0x1d4: {  	[tilespmem:s8], [sflag:$0x1] =	stream.linear.gather [hbm4b:s9+s2], $0x400, $0x38;
	[tilespmem:$0x18C00] =	vst v63  }
0x1d5: {  	s9 =	spop (v2sf);
	(v2sf) =	vpush v17, $0x5;
	_ =	sdelay $0x1  }
0x1d6: {  	s8 =	sand.u32 $0xFFFFF80, s9;
	s9 =	spop (v2sf);
	(v2sf) =	vpush v17, $0x6  }
0x1d7: {  	s11 =	sadd.s32 $0x600, s1;
	s8 =	sadd.s32 s3, s8  }
0x1d8: {  	[tilespmem:s11], [sflag:$0x1] =	stream.linear.gather [hbm4b:s8+s2], $0x400, $0x38;
	[tilespmem:$0x18C00] =	vst v63  }
0x1d9: {  	s8 =	sand.u32 $0xFFFFF80, s9;
	s9 =	spop (v2sf);
	(v2sf) =	vpush v17, $0x7;
	_ =	sdelay $0x3  }
0x1da: {  	s11 =	sadd.s32 $0xA00, s1;
	s8 =	sadd.s32 s3, s8  }
0x1db: {  	[tilespmem:s11], [sflag:$0x1] =	stream.linear.gather [hbm4b:s8+s2], $0x400, $0x38;
	[tilespmem:$0x18C00] =	vst v63  }
0x1dc: {  	s8 =	sand.u32 $0xFFFFF80, s9;
	s9 =	spop (v2sf);
	(v2sf) =	vpush v17, $0x8  }
0x1dd: {  	s11 =	sadd.s32 $0xE00, s1;
	s8 =	sadd.s32 s3, s8  }
0x1de: {  	[tilespmem:s11], [sflag:$0x1] =	stream.linear.gather [hbm4b:s8+s2], $0x400, $0x38;
	[tilespmem:$0x18C00] =	vst v63  }
0x1df: {  	s8 =	sand.u32 $0xFFFFF80, s9  }
0x1e0: {  	s11 =	sadd.s32 $0x1200, s1;
	s8 =	sadd.s32 s3, s8;
	s9 =	spop (v2sf);
	(v2sf) =	vpush v17, $0x9  }
0x1e1: {  	[tilespmem:s11], [sflag:$0x1] =	stream.linear.gather [hbm4b:s8+s2], $0x400, $0x38;
	[tilespmem:$0x18C00] =	vst v63  }
0x1e2: {  	s8 =	sand.u32 $0xFFFFF80, s9;
	s9 =	spop (v2sf);
	(v2sf) =	vpush v17, $0xA  }
0x1e3: {  	s11 =	sadd.s32 $0x1600, s1;
	s8 =	sadd.s32 s3, s8  }
0x1e4: {  	[tilespmem:s11], [sflag:$0x1] =	stream.linear.gather [hbm4b:s8+s2], $0x400, $0x38;
	[tilespmem:$0x18C00] =	vst v63  }
0x1e5: {  	s8 =	sand.u32 $0xFFFFF80, s9;
	s9 =	spop (v2sf);
	(v2sf) =	vpush v17, $0xB;
	_ =	sdelay $0x3  }
0x1e6: {  	s11 =	sadd.s32 $0x1A00, s1;
	s8 =	sadd.s32 s3, s8  }
0x1e7: {  	[tilespmem:s11], [sflag:$0x1] =	stream.linear.gather [hbm4b:s8+s2], $0x400, $0x38;
	[tilespmem:$0x18C00] =	vst v63  }
0x1e8: {  	s8 =	sand.u32 $0xFFFFF80, s9;
	s9 =	spop (v2sf);
	(v2sf) =	vpush v17, $0xC  }
0x1e9: {  	s11 =	sadd.s32 $0x1E00, s1;
	s8 =	sadd.s32 s3, s8  }
0x1ea: {  	[tilespmem:s11], [sflag:$0x1] =	stream.linear.gather [hbm4b:s8+s2], $0x400, $0x38;
	[tilespmem:$0x18C00] =	vst v63  }
0x1eb: {  	s8 =	sand.u32 $0xFFFFF80, s9  }
0x1ec: {  	s11 =	sadd.s32 $0x2200, s1;
	s8 =	sadd.s32 s3, s8;
	s9 =	spop (v2sf);
	(v2sf) =	vpush v17, $0xD  }
0x1ed: {  	[tilespmem:s11], [sflag:$0x1] =	stream.linear.gather [hbm4b:s8+s2], $0x400, $0x38;
	[tilespmem:$0x18C00] =	vst v63  }
0x1ee: {  	s8 =	sand.u32 $0xFFFFF80, s9;
	s9 =	spop (v2sf);
	(v2sf) =	vpush v17, $0xE  }
0x1ef: {  	s11 =	sadd.s32 $0x2600, s1;
	s8 =	sadd.s32 s3, s8  }
0x1f0: {  	[tilespmem:s11], [sflag:$0x1] =	stream.linear.gather [hbm4b:s8+s2], $0x400, $0x38;
	[tilespmem:$0x18C00] =	vst v63  }
0x1f1: {  	s8 =	sand.u32 $0xFFFFF80, s9;
	s9 =	spop (v2sf);
	(v2sf) =	vpush v17, $0xF  }
0x1f2: {  	s11 =	sadd.s32 $0x2A00, s1;
	s8 =	sadd.s32 s3, s8  }
0x1f3: {  	[tilespmem:s11], [sflag:$0x1] =	stream.linear.gather [hbm4b:s8+s2], $0x400, $0x38;
	[tilespmem:$0x18C00] =	vst v63  }
0x1f4: {  	s8 =	sand.u32 $0xFFFFF80, s9  }
0x1f5: {  	s11 =	sadd.s32 $0x2E00, s1;
	s8 =	sadd.s32 s3, s8  }
0x1f6: {  	[tilespmem:s11], [sflag:$0x1] =	stream.linear.gather [hbm4b:s8+s2], $0x400, $0x38;
	[tilespmem:$0x18C00] =	vst v63  }
0x1f7: {  	s9 =	spop (v2sf)  }
0x1f8: {  	s8 =	sand.u32 $0xFFFFF80, s9  }
0x1f9: {  	s11 =	sadd.s32 $0x3200, s1;
	s8 =	sadd.s32 s3, s8  }
0x1fa: {  	[tilespmem:s11], [sflag:$0x1] =	stream.linear.gather [hbm4b:s8+s2], $0x400, $0x38;
	[tilespmem:$0x18C00] =	vst v63  }
0x1fb: {  	s9 =	spop (v2sf)  }
0x1fc: {  	s8 =	sand.u32 $0xFFFFF80, s9  }
0x1fd: {  	s11 =	sadd.s32 $0x3600, s1;
	s9 =	spop (v2sf);
	s8 =	sadd.s32 s3, s8  }
0x1fe: {  	[tilespmem:s11], [sflag:$0x1] =	stream.linear.gather [hbm4b:s8+s2], $0x400, $0x38;
	[tilespmem:$0x18C00] =	vst v63  }
0x1ff: {  	s8 =	sand.u32 $0xFFFFF80, s9;
	s11 =	sadd.s32 $0x3A00, s1  }
.Ltmp5:
0x200: {  	s9 =	spop (v2sf);
	s8 =	sadd.s32 s3, s8;
	(pc) =	sbr.rel .LBB2_4-.Ltmp5, $4  }
0x201: {  	[tilespmem:s11], [sflag:$0x1] =	stream.linear.gather [hbm4b:s8+s2], $0x400, $0x38;
	[tilespmem:$0x18C00] =	vst v63  }
0x202: {  	s8 =	sand.u32 $0xFFFFF80, s9  }
0x203: {  	s11 =	sadd.s32 $0x3E00, s1;
	s8 =	sadd.s32 s3, s8  }
0x204: {  	[tilespmem:s11], [sflag:$0x1] =	stream.linear.gather [hbm4b:s8+s2], $0x400, $0x38;
	[tilespmem:$0x18C00] =	vst v63  }
.LBB2_6:
0x205: {  	_ =	sfence.sel $0x180000  }
0x206: {  	[bflag:$0x0] =	sbarrier.arrive $0xFFFF  }
0x207: {  	_ =	strace $0x90000047  }
0x208: {  	s0 =	stileid.u32;
	[bflag:$0x2] =	sbarrier.arrive $0xFFFF  }
0x209: {  	p0 =	sne.s32 s0, $0x0;
	s0 =	rddreg [dreg:$0x2]  }
0x20a: {  	s0 =	sadd.s32 @!p0 $0x100000, s0  }
0x20b: {  	[sflag:s0] =	ssyncadd.tile.s32 @!p0 $0x1;
	_ =	shalt  }
.Lfunc_end2:
_tile_overlayer_lowered:
.L_overlay_start_2:
0x20c: {  	(tag) =	ssettag $0x2  }
0x20d: {  	s0 =	rddreg [dreg:$0x0];
	s2 =	stileid.u32  }
0x20e: {  	s1 =	rddreg [dreg:$0x1];
	p0 =	sne.s32 s2, $0x0  }
0x20f: {  	s3 =	rddreg [dreg:$0x2];
	[bflag:$0x3] =	sbarrier.arrive $0xFFFF;
	s2 =	simm.s32 @!p0 $0x1C03  }
0x210: {  	[timem:s3], [sflag:s2] =	dma.local @!p0 [hbm:s0], s1  }
0x211: {  	s0 =	simm.s32 @!p0 $0x3  }
0x212: {  	_ =	swait.ge @!p0 [sflag:s0], s1  }
0x213: {  	s1 =	ssub.s32 @!p0 $0x0, s1;
	[sflag:s0] =	ssyncset.done @!p0 $0x0  }
0x214: {  	[sflag:s0] =	ssyncadd.s32 @!p0 s1  }
0x215: {  	[bflag:$0x3] =	sbarrier.arrive $0xFFFF  }
0x216: {  	_ =	shalt  }

</sc_bundles>
